<compile_context>
chip_gen: v7x
topology: tpu7x:2x2x1
jax: 0.10.2.dev20260603
libtpu: 0.0.44.dev20260713+nightly
codegen_flags: <defaults>
</compile_context>

<pallas_src>
import functools

import jax
import jax.numpy as jnp
from jax import lax
from jax.experimental import pallas as pl
from jax.experimental.pallas import tpu as pltpu
from jax.experimental.pallas import tpu_sc as plsc

_EPS = 1e-5

_NC = 2
_NS = 16
_NW = _NC * _NS
_CH = 128



def _sc_gather_pair(a_tbl, b_tbl, ia2d, ib2d, kk=7):
    ncr, ch = ia2d.shape
    dim = a_tbl.shape[1]
    dt = a_tbl.dtype
    e_pad = ncr * ch
    cr_per_w = ncr // _NW
    nblk = cr_per_w // kk
    mesh = plsc.VectorSubcoreMesh(core_axis_name="c", subcore_axis_name="s",
                                  num_cores=_NC, num_subcores=_NS)

    @functools.partial(
        pl.kernel,
        out_type=jax.ShapeDtypeStruct((e_pad, 2 * dim), dt),
        mesh=mesh,
        scratch_types=[
            pltpu.VMEM((kk, ch), jnp.int32),
            pltpu.VMEM((kk, ch), jnp.int32),
            pltpu.VMEM((kk * ch, dim), dt),
            pltpu.VMEM((kk * ch, dim), dt),
            pltpu.SemaphoreType.DMA,
            pltpu.SemaphoreType.DMA,
        ],
        compiler_params=pltpu.CompilerParams(use_tc_tiling_on_sc=False),
    )
    def k(a_hbm, b_hbm, ia_hbm, ib_hbm, out_hbm, ia_v, ib_v, ra_v, rb_v,
          sa, sb):
        wid = lax.axis_index("s") * _NC + lax.axis_index("c")

        def blk(b, carry):
            cr = wid * cr_per_w + b * kk
            pltpu.sync_copy(ia_hbm.at[pl.ds(cr, kk)], ia_v)
            pltpu.sync_copy(ib_hbm.at[pl.ds(cr, kk)], ib_v)
            da = [pltpu.async_copy(a_hbm.at[ia_v.at[j]],
                                   ra_v.at[pl.ds(j * ch, ch)], sa)
                  for j in range(kk)]
            db = [pltpu.async_copy(b_hbm.at[ib_v.at[j]],
                                   rb_v.at[pl.ds(j * ch, ch)], sb)
                  for j in range(kk)]
            for dsc in da:
                dsc.wait()
            for dsc in db:
                dsc.wait()
            pltpu.sync_copy(
                ra_v, out_hbm.at[pl.ds(cr * ch, kk * ch), pl.ds(0, dim)])
            pltpu.sync_copy(
                rb_v, out_hbm.at[pl.ds(cr * ch, kk * ch), pl.ds(dim, dim)])
            return carry

        lax.fori_loop(0, nblk, blk, 0)

    return k(a_tbl, b_tbl, ia2d, ib2d)



def _sc_segsum(msg_packed, col2d, n_pad, dim, kk=4):
    ncr, ch = col2d.shape
    gpr = 128 // dim
    rpc = ch // gpr
    stripe = n_pad // _NS
    cr_per_core = ncr // _NC
    cr_per_w = cr_per_core // _NS
    nblk = cr_per_w // kk
    zeros = jnp.zeros((stripe, dim), jnp.float32)
    mesh = plsc.VectorSubcoreMesh(core_axis_name="c", subcore_axis_name="s",
                                  num_cores=_NC, num_subcores=_NS)

    @functools.partial(
        pl.kernel,
        out_type=jax.ShapeDtypeStruct((_NC * n_pad, dim), jnp.float32),
        mesh=mesh,
        scratch_types=[
            pltpu.VMEM((kk, ch), jnp.int32),
            pltpu.VMEM((kk * ch, dim), jnp.float32),
            pltpu.VMEM_SHARED((n_pad, dim), jnp.float32),
        ],
        compiler_params=pltpu.CompilerParams(use_tc_tiling_on_sc=False),
    )
    def k(msg_hbm, col_hbm, z_hbm, out_hbm, ci_v, grp_v, acc_sh):
        cid = lax.axis_index("c")
        sid = lax.axis_index("s")
        pltpu.sync_copy(z_hbm, acc_sh.at[pl.ds(sid * stripe, stripe)])
        plsc.subcore_barrier()

        def blk(b, carry):
            cr = cid * cr_per_core + sid * cr_per_w + b * kk
            mblk = cr // (4 * gpr)
            grp = (cr % (4 * gpr)) // gpr
            pltpu.sync_copy(col_hbm.at[pl.ds(cr, kk)], ci_v)
            pltpu.sync_copy(
                msg_hbm.at[pl.ds(mblk * (kk * ch), kk * ch),
                           pl.ds(grp * dim, dim)],
                grp_v)
            for j in range(kk):
                pltpu.sync_copy(grp_v.at[pl.ds(j * ch, ch)],
                                acc_sh.at[ci_v.at[j]], add=True)
            return carry

        lax.fori_loop(0, nblk, blk, 0)
        plsc.subcore_barrier()
        pltpu.sync_copy(acc_sh.at[pl.ds(sid * stripe, stripe)],
                        out_hbm.at[pl.ds(cid * n_pad + sid * stripe, stripe)])

    return k(msg_packed, col2d, zeros)



_BN = 5000


def _stats_kernel(x_ref, sx_ref, sxx_ref):
    x = x_ref[...]

    @pl.when(pl.program_id(0) == 0)
    def _():
        sx_ref[...] = jnp.zeros_like(sx_ref)
        sxx_ref[...] = jnp.zeros_like(sxx_ref)

    sx_ref[...] += jnp.sum(x, axis=0, keepdims=True)
    sxx_ref[...] += jnp.sum(x * x, axis=0, keepdims=True)


def _node_stats(x):
    n, d = x.shape
    return pl.pallas_call(
        _stats_kernel,
        grid=(n // _BN,),
        in_specs=[pl.BlockSpec((_BN, d), lambda i: (i, 0))],
        out_specs=[pl.BlockSpec((1, d), lambda i: (0, 0)),
                   pl.BlockSpec((1, d), lambda i: (0, 0))],
        out_shape=[jax.ShapeDtypeStruct((1, d), jnp.float32),
                   jax.ShapeDtypeStruct((1, d), jnp.float32)],
    )(x)


def _node_stage_a_kernel(x_ref, sx_ref, sxx_ref, gamma_ref, beta_ref,
                         w1_ref, b1_ref, w2_ref, b2_ref, wa_ref, wb_ref,
                         cb1_ref, n_scale_ref, xout_ref, p_ref, q_ref):
    inv_n = n_scale_ref[0, 0]
    mean = sx_ref[...] * inv_n
    var = sxx_ref[...] * inv_n - mean * mean
    x = x_ref[...]
    xn = (x - mean) * lax.rsqrt(var + _EPS) * gamma_ref[...] + beta_ref[...]
    h = jnp.maximum(jnp.dot(xn, w1_ref[...], preferred_element_type=jnp.float32)
                    + b1_ref[...], 0.0)
    h = jnp.tanh(jnp.dot(h, w2_ref[...], preferred_element_type=jnp.float32)
                 + b2_ref[...])
    feat = jnp.concatenate([h, xn], axis=-1)
    xout_ref[...] = xn
    p_ref[...] = (jnp.dot(feat, wa_ref[...], preferred_element_type=jnp.float32)
                  + cb1_ref[...])
    q_ref[...] = jnp.dot(feat, wb_ref[...], preferred_element_type=jnp.float32)


def _node_stage_a(x, gamma, beta, w1t, b1, w2t, b2, wa, wb, cb1):
    n, d = x.shape
    hd = w1t.shape[1]
    sx, sxx = _node_stats(x)
    n_scale = jnp.full((1, 1), 1.0 / n, dtype=jnp.float32)
    small = lambda s: pl.BlockSpec(s, lambda i: (0,) * len(s))
    return pl.pallas_call(
        _node_stage_a_kernel,
        grid=(n // _BN,),
        in_specs=[
            pl.BlockSpec((_BN, d), lambda i: (i, 0)),
            small((1, d)), small((1, d)), small((1, d)), small((1, d)),
            small(w1t.shape), small(b1.shape), small(w2t.shape),
            small(b2.shape), small(wa.shape), small(wb.shape),
            small(cb1.shape), small((1, 1)),
        ],
        out_specs=[pl.BlockSpec((_BN, d), lambda i: (i, 0)),
                   pl.BlockSpec((_BN, 2 * hd), lambda i: (i, 0)),
                   pl.BlockSpec((_BN, 2 * hd), lambda i: (i, 0))],
        out_shape=[
            jax.ShapeDtypeStruct((n, d), jnp.float32),
            jax.ShapeDtypeStruct((n, 2 * hd), jnp.float32),
            jax.ShapeDtypeStruct((n, 2 * hd), jnp.float32),
        ],
    )(x, sx, sxx, gamma, beta, w1t, b1, w2t, b2, wa, wb, cb1, n_scale)



def _edge_mlp1_kernel(g_ref, ea_ref, we_ref, w2_ref, b2_ref, out_ref):
    g = g_ref[...].astype(jnp.float32)
    hdim = g.shape[1] // 2
    eac = lax.dot_general(ea_ref[...], we_ref[...], (((0,), (0,)), ((), ())),
                          preferred_element_type=jnp.float32)
    h = jnp.maximum(g[:, :hdim] + g[:, hdim:] + eac, 0.0)
    msg = jnp.tanh(
        jnp.dot(h, w2_ref[...], preferred_element_type=jnp.float32) + b2_ref[...])
    seg = msg.shape[0] // 4
    out_ref[...] = jnp.concatenate(
        [msg[i * seg:(i + 1) * seg] for i in range(4)], axis=1)


def _edge_mlp1(g, ea, we, w2t, b2, block_e):
    e, gdim = g.shape
    odim = w2t.shape[1]
    grid = e // block_e
    return pl.pallas_call(
        _edge_mlp1_kernel,
        grid=(grid,),
        in_specs=[
            pl.BlockSpec((block_e, gdim), lambda i: (i, 0)),
            pl.BlockSpec((ea.shape[0], block_e), lambda i: (0, i)),
            pl.BlockSpec(we.shape, lambda i: (0, 0)),
            pl.BlockSpec(w2t.shape, lambda i: (0, 0)),
            pl.BlockSpec(b2.shape, lambda i: (0, 0)),
        ],
        out_specs=pl.BlockSpec((block_e * odim // 128, 128), lambda i: (i, 0)),
        out_shape=jax.ShapeDtypeStruct((e * odim // 128, 128), jnp.float32),
    )(g, ea, we, w2t, b2)


def _edge_mlp2_kernel(g_ref, ea_ref, we_ref, w2_ref, b2_ref, out_ref):
    g = g_ref[...].astype(jnp.float32)
    hdim = g.shape[1] // 2
    eac = lax.dot_general(ea_ref[...], we_ref[...], (((0,), (0,)), ((), ())),
                          preferred_element_type=jnp.float32)
    h = jnp.maximum(g[:, :hdim] + g[:, hdim:] + eac, 0.0)
    z = lax.dot_general(w2_ref[...], h, (((1,), (1,)), ((), ())),
                        preferred_element_type=jnp.float32) + b2_ref[...]
    out_ref[...] = jax.nn.sigmoid(z)


def _edge_mlp2(g, ea, we, w2t, b2, block_e):
    e, gdim = g.shape
    grid = e // block_e
    return pl.pallas_call(
        _edge_mlp2_kernel,
        grid=(grid,),
        in_specs=[
            pl.BlockSpec((block_e, gdim), lambda i: (i, 0)),
            pl.BlockSpec((ea.shape[0], block_e), lambda i: (0, i)),
            pl.BlockSpec(we.shape, lambda i: (0, 0)),
            pl.BlockSpec(w2t.shape, lambda i: (0, 0)),
            pl.BlockSpec(b2.shape, lambda i: (0, 0)),
        ],
        out_specs=pl.BlockSpec((1, block_e), lambda i: (0, i)),
        out_shape=jax.ShapeDtypeStruct((1, e), jnp.float32),
    )(g, ea, we, w2t, b2)



def _node_stage_e_kernel(hn0_ref, hn1_ref, x_ref, wr_ref, ws_ref, eb1_ref,
                         r_ref, s_ref):
    feat2 = jnp.concatenate([hn0_ref[...] + hn1_ref[...], x_ref[...]], axis=-1)
    r_ref[...] = jnp.dot(feat2, wr_ref[...], preferred_element_type=jnp.float32)
    s_ref[...] = (jnp.dot(feat2, ws_ref[...], preferred_element_type=jnp.float32)
                  + eb1_ref[...])


def _node_stage_e(hn0, hn1, xn, wr, ws, eb1):
    n = xn.shape[0]
    hdim = wr.shape[1]
    small = lambda s: pl.BlockSpec(s, lambda i: (0,) * len(s))
    return pl.pallas_call(
        _node_stage_e_kernel,
        grid=(n // _BN,),
        in_specs=[
            pl.BlockSpec((_BN, hn0.shape[1]), lambda i: (i, 0)),
            pl.BlockSpec((_BN, hn1.shape[1]), lambda i: (i, 0)),
            pl.BlockSpec((_BN, xn.shape[1]), lambda i: (i, 0)),
            small(wr.shape), small(ws.shape), small(eb1.shape),
        ],
        out_specs=[pl.BlockSpec((_BN, hdim), lambda i: (i, 0)),
                   pl.BlockSpec((_BN, hdim), lambda i: (i, 0))],
        out_shape=[
            jax.ShapeDtypeStruct((n, hdim), jnp.float32),
            jax.ShapeDtypeStruct((n, hdim), jnp.float32),
        ],
    )(hn0, hn1, xn, wr, ws, eb1)


def kernel(x, edge_index, edge_attr, bn_gamma, bn_beta,
           in_W1, in_b1, in_W2, in_b2,
           cv_W1, cv_b1, cv_W2, cv_b2,
           eg_W1, eg_b1, eg_W2, eg_b2):
    n, d = x.shape
    e = edge_index.shape[1]
    hd = in_W1.shape[0]
    fd = hd + d

    row = edge_index[0]
    col = edge_index[1]

    wa1 = (cv_W1[:, :fd] - cv_W1[:, fd:2 * fd]).T
    wb1 = cv_W1[:, fd:2 * fd].T
    we1 = cv_W1[:, 2 * fd:].T
    wr = eg_W1[:, :fd].T
    ws = eg_W1[:, fd:2 * fd].T
    we2 = eg_W1[:, 2 * fd:].T

    xn, p, q = _node_stage_a(
        x, bn_gamma.reshape(1, d), bn_beta.reshape(1, d),
        in_W1.T, in_b1.reshape(1, hd), in_W2.T, in_b2.reshape(1, hd),
        wa1, wb1, cv_b1.reshape(1, -1))

    chunk_quant = _NW * _CH * 4
    e_pad = ((e + chunk_quant - 1) // chunk_quant) * chunk_quant
    pad = e_pad - e
    row_g = jnp.concatenate([row, jnp.zeros((pad,), jnp.int32)]).reshape(-1, _CH)
    col_g = jnp.concatenate([col, jnp.zeros((pad,), jnp.int32)]).reshape(-1, _CH)
    ea_pad = jnp.pad(edge_attr.T, ((0, 0), (0, pad)))

    g1 = _sc_gather_pair(p, q, col_g, row_g)
    msg = _edge_mlp1(g1, ea_pad, we1, cv_W2.T, cv_b2.reshape(1, -1), 2048)

    n_pad = ((n + 1 + _NS * 8 - 1) // (_NS * 8)) * (_NS * 8)
    col_s = jnp.concatenate(
        [col, jnp.full((pad,), n, jnp.int32)]).reshape(-1, _CH)
    hn_parts = _sc_segsum(msg, col_s, n_pad, hd)

    r, s = _node_stage_e(hn_parts[:n], hn_parts[n_pad:n_pad + n],
                         xn, wr, ws, eg_b1.reshape(1, -1))
    g2 = _sc_gather_pair(r, s, row_g, col_g)
    out = _edge_mlp2(g2, ea_pad, we2, eg_W2, eg_b2.reshape(1, 1), 3200)
    return out.reshape(e_pad)[:e]

# --- scband reference (transcript-rebuilt; emitter-appended) ---
"""Pipeline reference for scband-edge-net-45810121179634 (READ-ONLY COPY).

The authoritative reference and input builder live on the scoring server;
editing this copy changes nothing except your own understanding.
"""

import jax, jax.numpy as jnp
import numpy as np

N = 50000
E = 800000
D = 16
HD = 32
ED = 4


def _lin(k, fan_in, fan_out):
    kw, kb = jax.random.split(k)
    bound = 1.0 / np.sqrt(fan_in)
    W = jax.random.uniform(kw, (fan_out, fan_in), minval=-bound, maxval=bound, dtype=jnp.float32)
    b = jax.random.uniform(kb, (fan_out,), minval=-bound, maxval=bound, dtype=jnp.float32)
    return W, b


def setup_inputs(seed: int = 0) -> dict:
    key = jax.random.key(seed)
    ks = jax.random.split(key, 12)
    x = jax.random.normal(ks[0], (N, D), dtype=jnp.float32)
    edge_index = jax.random.randint(ks[1], (2, E), 0, N, dtype=jnp.int32)
    edge_attr = jax.random.normal(ks[2], (E, ED), dtype=jnp.float32)
    bn_gamma = jnp.ones((D,), dtype=jnp.float32)
    bn_beta = jnp.zeros((D,), dtype=jnp.float32)
    in_W1, in_b1 = _lin(ks[3], D, HD)
    in_W2, in_b2 = _lin(ks[4], HD, HD)
    cdim = 2 * (HD + D) + ED
    cv_W1, cv_b1 = _lin(ks[5], cdim, 2 * HD)
    cv_W2, cv_b2 = _lin(ks[6], 2 * HD, HD)
    eg_W1, eg_b1 = _lin(ks[7], cdim, 2 * HD)
    eg_W2, eg_b2 = _lin(ks[8], 2 * HD, 1)
    return dict(x=x, edge_index=edge_index, edge_attr=edge_attr,
                bn_gamma=bn_gamma, bn_beta=bn_beta,
                in_W1=in_W1, in_b1=in_b1, in_W2=in_W2, in_b2=in_b2,
                cv_W1=cv_W1, cv_b1=cv_b1, cv_W2=cv_W2, cv_b2=cv_b2,
                eg_W1=eg_W1, eg_b1=eg_b1, eg_W2=eg_W2, eg_b2=eg_b2)


def reference(x, edge_index, edge_attr, bn_gamma, bn_beta,
              in_W1, in_b1, in_W2, in_b2,
              cv_W1, cv_b1, cv_W2, cv_b2,
              eg_W1, eg_b1, eg_W2, eg_b2):
    eps = 1e-5
    # BatchNorm1d (training mode: batch stats, biased variance)
    mean = jnp.mean(x, axis=0)
    var = jnp.var(x, axis=0)
    X = (x - mean) / jnp.sqrt(var + eps) * bn_gamma + bn_beta
    # inputnet: Linear -> ReLU -> Linear -> Tanh
    H = jnp.tanh(jnp.maximum(X @ in_W1.T + in_b1, 0.0) @ in_W2.T + in_b2)
    feat = jnp.concatenate([H, X], axis=-1)  # [N, HD+D]
    row = edge_index[0]  # source j
    col = edge_index[1]  # target i
    # EdgeConvWithEdgeAttr message: nn(cat([x_i, x_j - x_i, pseudo]))
    x_j = feat[row]
    x_i = feat[col]
    m_in = jnp.concatenate([x_i, x_j - x_i, edge_attr], axis=-1)
    msg = jnp.tanh(jnp.maximum(m_in @ cv_W1.T + cv_b1, 0.0) @ cv_W2.T + cv_b2)
    # aggr='add' at target nodes
    Hn = jax.ops.segment_sum(msg, col, num_segments=N)
    feat = jnp.concatenate([Hn, X], axis=-1)
    # edgenetwork: Linear -> ReLU -> Linear -> Sigmoid over cat([x[row], x[col], edge_attr])
    e_in = jnp.concatenate([feat[row], feat[col], edge_attr], axis=-1)
    out = jax.nn.sigmoid(jnp.maximum(e_in @ eg_W1.T + eg_b1, 0.0) @ eg_W2.T + eg_b2)
    return out.squeeze(-1)

if __name__ == "__main__":
    import jax
    _d = setup_inputs()
    print(jax.jit(kernel)(*tuple(_d.values())))

</pallas_src>

<mosaic_0001>
#map = affine_map<(d0, d1) -> (0, 0)>
module attributes {stable_mosaic.version = 14 : i64} {
  func.func @k(%arg0: i32, %arg1: i32, %arg2: memref<50000x64xf32, #tpu.memory_space<hbm>>, %arg3: memref<50000x64xf32, #tpu.memory_space<hbm>>, %arg4: memref<6272x128xi32, #tpu.memory_space<hbm>>, %arg5: memref<6272x128xi32, #tpu.memory_space<hbm>>, %arg6: memref<802816x128xf32, #tpu.memory_space<hbm>>, %arg7: memref<7x128xi32, #tpu.memory_space<vmem>>, %arg8: memref<7x128xi32, #tpu.memory_space<vmem>>, %arg9: memref<896x64xf32, #tpu.memory_space<vmem>>, %arg10: memref<896x64xf32, #tpu.memory_space<vmem>>, %arg11: memref<!tpu.dma_semaphore, #tpu.memory_space<semaphore_mem>>, %arg12: memref<!tpu.dma_semaphore, #tpu.memory_space<semaphore_mem>>) attributes {dimension_semantics = [#tpu.dimension_semantics<core_parallel>, #tpu.dimension_semantics<subcore_parallel>], iteration_bounds = array<i64: 2, 16>, scalar_prefetch = 0 : i64, scratch_operands = 6 : i64, tpu.core_type = #tpu.core_type<sc_vector_subcore>, window_params = [{transform_indices = #map}, {transform_indices = #map}, {transform_indices = #map}, {transform_indices = #map}, {transform_indices = #map}]} {
    %mul3A = arith.constant 2 : i32
    %mul3A_0 = arith.muli %arg1, %mul3A : i32
    %add3A = arith.addi %mul3A_0, %arg0 : i32
    %scan3A = arith.constant 0 : i32
    %scan3A_1 = arith.constant 0 : i32
    %scan3A_2 = arith.constant 28 : i32
    %scan3A_3 = arith.addi %scan3A_1, %scan3A_2 : i32
    %scan3A_4 = arith.constant 1 : i32
    scf.for %scan3A_6 = %scan3A_1 to %scan3A_3 step %scan3A_4  : i32 {
      %mul3A_7 = arith.constant 196 : i32
      %mul3A_8 = arith.muli %add3A, %mul3A_7 : i32
      %mul3A_9 = arith.constant 7 : i32
      %mul3A_10 = arith.muli %scan3A_6, %mul3A_9 : i32
      %add3A_11 = arith.addi %mul3A_8, %mul3A_10 : i32
      "tpu.region"() ({
        %run_scoped3A = tpu.sem_alloc : memref<!tpu.dma_semaphore, #tpu.memory_space<semaphore_mem>>
        %dma_start3A_294 = arith.constant 0 : i32
        %dma_start3A_295 = tpu.memref_slice %arg4[%add3A_11, %dma_start3A_294] : memref<6272x128xi32, #tpu.memory_space<hbm>> -> memref<7x128xi32, #tpu.memory_space<hbm>>
        %dma_start3A_296 = arith.constant 0 : i32
        %dma_start3A_297 = tpu.memref_slice %arg4[%add3A_11, %dma_start3A_296] : memref<6272x128xi32, #tpu.memory_space<hbm>> -> memref<7x128xi32, #tpu.memory_space<hbm>>
        tpu.enqueue_dma source(%dma_start3A_297 : memref<7x128xi32, #tpu.memory_space<hbm>>) target(%arg7 : memref<7x128xi32, #tpu.memory_space<vmem>>) target_semaphore(%run_scoped3A : memref<!tpu.dma_semaphore, #tpu.memory_space<semaphore_mem>>)
        %dma_wait3A_298 = arith.constant 0 : i32
        %dma_wait3A_299 = tpu.memref_slice %arg4[%add3A_11, %dma_wait3A_298] : memref<6272x128xi32, #tpu.memory_space<hbm>> -> memref<7x128xi32, #tpu.memory_space<hbm>>
        %dma_wait3A_300 = arith.constant 0 : i32
        %dma_wait3A_301 = tpu.memref_slice %arg4[%add3A_11, %dma_wait3A_300] : memref<6272x128xi32, #tpu.memory_space<hbm>> -> memref<7x128xi32, #tpu.memory_space<hbm>>
        tpu.wait_dma2 semaphore(%run_scoped3A : memref<!tpu.dma_semaphore, #tpu.memory_space<semaphore_mem>>) src(%dma_wait3A_301 : memref<7x128xi32, #tpu.memory_space<hbm>>) dst(%arg7 : memref<7x128xi32, #tpu.memory_space<vmem>>)
        tpu.yield
      }) : () -> ()
      "tpu.region"() ({
        %run_scoped3A = tpu.sem_alloc : memref<!tpu.dma_semaphore, #tpu.memory_space<semaphore_mem>>
        %dma_start3A_294 = arith.constant 0 : i32
        %dma_start3A_295 = tpu.memref_slice %arg5[%add3A_11, %dma_start3A_294] : memref<6272x128xi32, #tpu.memory_space<hbm>> -> memref<7x128xi32, #tpu.memory_space<hbm>>
        %dma_start3A_296 = arith.constant 0 : i32
        %dma_start3A_297 = tpu.memref_slice %arg5[%add3A_11, %dma_start3A_296] : memref<6272x128xi32, #tpu.memory_space<hbm>> -> memref<7x128xi32, #tpu.memory_space<hbm>>
        tpu.enqueue_dma source(%dma_start3A_297 : memref<7x128xi32, #tpu.memory_space<hbm>>) target(%arg8 : memref<7x128xi32, #tpu.memory_space<vmem>>) target_semaphore(%run_scoped3A : memref<!tpu.dma_semaphore, #tpu.memory_space<semaphore_mem>>)
        %dma_wait3A_298 = arith.constant 0 : i32
        %dma_wait3A_299 = tpu.memref_slice %arg5[%add3A_11, %dma_wait3A_298] : memref<6272x128xi32, #tpu.memory_space<hbm>> -> memref<7x128xi32, #tpu.memory_space<hbm>>
        %dma_wait3A_300 = arith.constant 0 : i32
        %dma_wait3A_301 = tpu.memref_slice %arg5[%add3A_11, %dma_wait3A_300] : memref<6272x128xi32, #tpu.memory_space<hbm>> -> memref<7x128xi32, #tpu.memory_space<hbm>>
        tpu.wait_dma2 semaphore(%run_scoped3A : memref<!tpu.dma_semaphore, #tpu.memory_space<semaphore_mem>>) src(%dma_wait3A_301 : memref<7x128xi32, #tpu.memory_space<hbm>>) dst(%arg8 : memref<7x128xi32, #tpu.memory_space<vmem>>)
        tpu.yield
      }) : () -> ()
      %dma_start3A = arith.constant 0 : i32
      %dma_start3A_12 = arith.constant 0 : i32
      %dma_start3A_13 = arith.constant 0 : i32
      %dma_start3A_14 = tpu.memref_slice %arg9[%dma_start3A_12, %dma_start3A_13] : memref<896x64xf32, #tpu.memory_space<vmem>> -> memref<128x64xf32, #tpu.memory_space<vmem>>
      %dma_start3A_15 = arith.constant 0 : i32
      %dma_start3A_16 = tpu.memref_slice %arg7[%dma_start3A, %dma_start3A_15] : memref<7x128xi32, #tpu.memory_space<vmem>> -> memref<1x128xi32, #tpu.memory_space<vmem>>
      %dma_start3A_17 = tpu.memref_squeeze %dma_start3A_16 : memref<1x128xi32, #tpu.memory_space<vmem>> -> memref<128xi32, #tpu.memory_space<vmem>>
      %dma_start3A_18 = arith.constant 0 : i32
      %dma_start3A_19 = arith.constant 0 : i32
      %dma_start3A_20 = tpu.memref_slice %arg2[%dma_start3A_18, %dma_start3A_19] : memref<50000x64xf32, #tpu.memory_space<hbm>> -> memref<50000x64xf32, #tpu.memory_space<hbm>>
      tpu.enqueue_indirect_dma source(%dma_start3A_20 : memref<50000x64xf32, #tpu.memory_space<hbm>>) target(%dma_start3A_14 : memref<128x64xf32, #tpu.memory_space<vmem>>) offsets(%dma_start3A_17 : memref<128xi32, #tpu.memory_space<vmem>>) semaphore(%arg11 : memref<!tpu.dma_semaphore, #tpu.memory_space<semaphore_mem>>)
      %dma_start3A_21 = arith.constant 1 : i32
      %dma_start3A_22 = arith.constant 128 : i32
      %dma_start3A_23 = arith.constant 0 : i32
      %dma_start3A_24 = tpu.memref_slice %arg9[%dma_start3A_22, %dma_start3A_23] : memref<896x64xf32, #tpu.memory_space<vmem>> -> memref<128x64xf32, #tpu.memory_space<vmem>>
      %dma_start3A_25 = arith.constant 0 : i32
      %dma_start3A_26 = tpu.memref_slice %arg7[%dma_start3A_21, %dma_start3A_25] : memref<7x128xi32, #tpu.memory_space<vmem>> -> memref<1x128xi32, #tpu.memory_space<vmem>>
      %dma_start3A_27 = tpu.memref_squeeze %dma_start3A_26 : memref<1x128xi32, #tpu.memory_space<vmem>> -> memref<128xi32, #tpu.memory_space<vmem>>
      %dma_start3A_28 = arith.constant 0 : i32
      %dma_start3A_29 = arith.constant 0 : i32
      %dma_start3A_30 = tpu.memref_slice %arg2[%dma_start3A_28, %dma_start3A_29] : memref<50000x64xf32, #tpu.memory_space<hbm>> -> memref<50000x64xf32, #tpu.memory_space<hbm>>
      tpu.enqueue_indirect_dma source(%dma_start3A_30 : memref<50000x64xf32, #tpu.memory_space<hbm>>) target(%dma_start3A_24 : memref<128x64xf32, #tpu.memory_space<vmem>>) offsets(%dma_start3A_27 : memref<128xi32, #tpu.memory_space<vmem>>) semaphore(%arg11 : memref<!tpu.dma_semaphore, #tpu.memory_space<semaphore_mem>>)
      %dma_start3A_31 = arith.constant 2 : i32
      %dma_start3A_32 = arith.constant 256 : i32
      %dma_start3A_33 = arith.constant 0 : i32
      %dma_start3A_34 = tpu.memref_slice %arg9[%dma_start3A_32, %dma_start3A_33] : memref<896x64xf32, #tpu.memory_space<vmem>> -> memref<128x64xf32, #tpu.memory_space<vmem>>
      %dma_start3A_35 = arith.constant 0 : i32
      %dma_start3A_36 = tpu.memref_slice %arg7[%dma_start3A_31, %dma_start3A_35] : memref<7x128xi32, #tpu.memory_space<vmem>> -> memref<1x128xi32, #tpu.memory_space<vmem>>
      %dma_start3A_37 = tpu.memref_squeeze %dma_start3A_36 : memref<1x128xi32, #tpu.memory_space<vmem>> -> memref<128xi32, #tpu.memory_space<vmem>>
      %dma_start3A_38 = arith.constant 0 : i32
      %dma_start3A_39 = arith.constant 0 : i32
      %dma_start3A_40 = tpu.memref_slice %arg2[%dma_start3A_38, %dma_start3A_39] : memref<50000x64xf32, #tpu.memory_space<hbm>> -> memref<50000x64xf32, #tpu.memory_space<hbm>>
      tpu.enqueue_indirect_dma source(%dma_start3A_40 : memref<50000x64xf32, #tpu.memory_space<hbm>>) target(%dma_start3A_34 : memref<128x64xf32, #tpu.memory_space<vmem>>) offsets(%dma_start3A_37 : memref<128xi32, #tpu.memory_space<vmem>>) semaphore(%arg11 : memref<!tpu.dma_semaphore, #tpu.memory_space<semaphore_mem>>)
      %dma_start3A_41 = arith.constant 3 : i32
      %dma_start3A_42 = arith.constant 384 : i32
      %dma_start3A_43 = arith.constant 0 : i32
      %dma_start3A_44 = tpu.memref_slice %arg9[%dma_start3A_42, %dma_start3A_43] : memref<896x64xf32, #tpu.memory_space<vmem>> -> memref<128x64xf32, #tpu.memory_space<vmem>>
      %dma_start3A_45 = arith.constant 0 : i32
      %dma_start3A_46 = tpu.memref_slice %arg7[%dma_start3A_41, %dma_start3A_45] : memref<7x128xi32, #tpu.memory_space<vmem>> -> memref<1x128xi32, #tpu.memory_space<vmem>>
      %dma_start3A_47 = tpu.memref_squeeze %dma_start3A_46 : memref<1x128xi32, #tpu.memory_space<vmem>> -> memref<128xi32, #tpu.memory_space<vmem>>
      %dma_start3A_48 = arith.constant 0 : i32
      %dma_start3A_49 = arith.constant 0 : i32
      %dma_start3A_50 = tpu.memref_slice %arg2[%dma_start3A_48, %dma_start3A_49] : memref<50000x64xf32, #tpu.memory_space<hbm>> -> memref<50000x64xf32, #tpu.memory_space<hbm>>
      tpu.enqueue_indirect_dma source(%dma_start3A_50 : memref<50000x64xf32, #tpu.memory_space<hbm>>) target(%dma_start3A_44 : memref<128x64xf32, #tpu.memory_space<vmem>>) offsets(%dma_start3A_47 : memref<128xi32, #tpu.memory_space<vmem>>) semaphore(%arg11 : memref<!tpu.dma_semaphore, #tpu.memory_space<semaphore_mem>>)
      %dma_start3A_51 = arith.constant 4 : i32
      %dma_start3A_52 = arith.constant 512 : i32
      %dma_start3A_53 = arith.constant 0 : i32
      %dma_start3A_54 = tpu.memref_slice %arg9[%dma_start3A_52, %dma_start3A_53] : memref<896x64xf32, #tpu.memory_space<vmem>> -> memref<128x64xf32, #tpu.memory_space<vmem>>
      %dma_start3A_55 = arith.constant 0 : i32
      %dma_start3A_56 = tpu.memref_slice %arg7[%dma_start3A_51, %dma_start3A_55] : memref<7x128xi32, #tpu.memory_space<vmem>> -> memref<1x128xi32, #tpu.memory_space<vmem>>
      %dma_start3A_57 = tpu.memref_squeeze %dma_start3A_56 : memref<1x128xi32, #tpu.memory_space<vmem>> -> memref<128xi32, #tpu.memory_space<vmem>>
      %dma_start3A_58 = arith.constant 0 : i32
      %dma_start3A_59 = arith.constant 0 : i32
      %dma_start3A_60 = tpu.memref_slice %arg2[%dma_start3A_58, %dma_start3A_59] : memref<50000x64xf32, #tpu.memory_space<hbm>> -> memref<50000x64xf32, #tpu.memory_space<hbm>>
      tpu.enqueue_indirect_dma source(%dma_start3A_60 : memref<50000x64xf32, #tpu.memory_space<hbm>>) target(%dma_start3A_54 : memref<128x64xf32, #tpu.memory_space<vmem>>) offsets(%dma_start3A_57 : memref<128xi32, #tpu.memory_space<vmem>>) semaphore(%arg11 : memref<!tpu.dma_semaphore, #tpu.memory_space<semaphore_mem>>)
      %dma_start3A_61 = arith.constant 5 : i32
      %dma_start3A_62 = arith.constant 640 : i32
      %dma_start3A_63 = arith.constant 0 : i32
      %dma_start3A_64 = tpu.memref_slice %arg9[%dma_start3A_62, %dma_start3A_63] : memref<896x64xf32, #tpu.memory_space<vmem>> -> memref<128x64xf32, #tpu.memory_space<vmem>>
      %dma_start3A_65 = arith.constant 0 : i32
      %dma_start3A_66 = tpu.memref_slice %arg7[%dma_start3A_61, %dma_start3A_65] : memref<7x128xi32, #tpu.memory_space<vmem>> -> memref<1x128xi32, #tpu.memory_space<vmem>>
      %dma_start3A_67 = tpu.memref_squeeze %dma_start3A_66 : memref<1x128xi32, #tpu.memory_space<vmem>> -> memref<128xi32, #tpu.memory_space<vmem>>
      %dma_start3A_68 = arith.constant 0 : i32
      %dma_start3A_69 = arith.constant 0 : i32
      %dma_start3A_70 = tpu.memref_slice %arg2[%dma_start3A_68, %dma_start3A_69] : memref<50000x64xf32, #tpu.memory_space<hbm>> -> memref<50000x64xf32, #tpu.memory_space<hbm>>
      tpu.enqueue_indirect_dma source(%dma_start3A_70 : memref<50000x64xf32, #tpu.memory_space<hbm>>) target(%dma_start3A_64 : memref<128x64xf32, #tpu.memory_space<vmem>>) offsets(%dma_start3A_67 : memref<128xi32, #tpu.memory_space<vmem>>) semaphore(%arg11 : memref<!tpu.dma_semaphore, #tpu.memory_space<semaphore_mem>>)
      %dma_start3A_71 = arith.constant 6 : i32
      %dma_start3A_72 = arith.constant 768 : i32
      %dma_start3A_73 = arith.constant 0 : i32
      %dma_start3A_74 = tpu.memref_slice %arg9[%dma_start3A_72, %dma_start3A_73] : memref<896x64xf32, #tpu.memory_space<vmem>> -> memref<128x64xf32, #tpu.memory_space<vmem>>
      %dma_start3A_75 = arith.constant 0 : i32
      %dma_start3A_76 = tpu.memref_slice %arg7[%dma_start3A_71, %dma_start3A_75] : memref<7x128xi32, #tpu.memory_space<vmem>> -> memref<1x128xi32, #tpu.memory_space<vmem>>
      %dma_start3A_77 = tpu.memref_squeeze %dma_start3A_76 : memref<1x128xi32, #tpu.memory_space<vmem>> -> memref<128xi32, #tpu.memory_space<vmem>>
      %dma_start3A_78 = arith.constant 0 : i32
      %dma_start3A_79 = arith.constant 0 : i32
      %dma_start3A_80 = tpu.memref_slice %arg2[%dma_start3A_78, %dma_start3A_79] : memref<50000x64xf32, #tpu.memory_space<hbm>> -> memref<50000x64xf32, #tpu.memory_space<hbm>>
      tpu.enqueue_indirect_dma source(%dma_start3A_80 : memref<50000x64xf32, #tpu.memory_space<hbm>>) target(%dma_start3A_74 : memref<128x64xf32, #tpu.memory_space<vmem>>) offsets(%dma_start3A_77 : memref<128xi32, #tpu.memory_space<vmem>>) semaphore(%arg11 : memref<!tpu.dma_semaphore, #tpu.memory_space<semaphore_mem>>)
      %dma_start3A_81 = arith.constant 0 : i32
      %dma_start3A_82 = arith.constant 0 : i32
      %dma_start3A_83 = arith.constant 0 : i32
      %dma_start3A_84 = tpu.memref_slice %arg10[%dma_start3A_82, %dma_start3A_83] : memref<896x64xf32, #tpu.memory_space<vmem>> -> memref<128x64xf32, #tpu.memory_space<vmem>>
      %dma_start3A_85 = arith.constant 0 : i32
      %dma_start3A_86 = tpu.memref_slice %arg8[%dma_start3A_81, %dma_start3A_85] : memref<7x128xi32, #tpu.memory_space<vmem>> -> memref<1x128xi32, #tpu.memory_space<vmem>>
      %dma_start3A_87 = tpu.memref_squeeze %dma_start3A_86 : memref<1x128xi32, #tpu.memory_space<vmem>> -> memref<128xi32, #tpu.memory_space<vmem>>
      %dma_start3A_88 = arith.constant 0 : i32
      %dma_start3A_89 = arith.constant 0 : i32
      %dma_start3A_90 = tpu.memref_slice %arg3[%dma_start3A_88, %dma_start3A_89] : memref<50000x64xf32, #tpu.memory_space<hbm>> -> memref<50000x64xf32, #tpu.memory_space<hbm>>
      tpu.enqueue_indirect_dma source(%dma_start3A_90 : memref<50000x64xf32, #tpu.memory_space<hbm>>) target(%dma_start3A_84 : memref<128x64xf32, #tpu.memory_space<vmem>>) offsets(%dma_start3A_87 : memref<128xi32, #tpu.memory_space<vmem>>) semaphore(%arg12 : memref<!tpu.dma_semaphore, #tpu.memory_space<semaphore_mem>>)
      %dma_start3A_91 = arith.constant 1 : i32
      %dma_start3A_92 = arith.constant 128 : i32
      %dma_start3A_93 = arith.constant 0 : i32
      %dma_start3A_94 = tpu.memref_slice %arg10[%dma_start3A_92, %dma_start3A_93] : memref<896x64xf32, #tpu.memory_space<vmem>> -> memref<128x64xf32, #tpu.memory_space<vmem>>
      %dma_start3A_95 = arith.constant 0 : i32
      %dma_start3A_96 = tpu.memref_slice %arg8[%dma_start3A_91, %dma_start3A_95] : memref<7x128xi32, #tpu.memory_space<vmem>> -> memref<1x128xi32, #tpu.memory_space<vmem>>
      %dma_start3A_97 = tpu.memref_squeeze %dma_start3A_96 : memref<1x128xi32, #tpu.memory_space<vmem>> -> memref<128xi32, #tpu.memory_space<vmem>>
      %dma_start3A_98 = arith.constant 0 : i32
      %dma_start3A_99 = arith.constant 0 : i32
      %dma_start3A_100 = tpu.memref_slice %arg3[%dma_start3A_98, %dma_start3A_99] : memref<50000x64xf32, #tpu.memory_space<hbm>> -> memref<50000x64xf32, #tpu.memory_space<hbm>>
      tpu.enqueue_indirect_dma source(%dma_start3A_100 : memref<50000x64xf32, #tpu.memory_space<hbm>>) target(%dma_start3A_94 : memref<128x64xf32, #tpu.memory_space<vmem>>) offsets(%dma_start3A_97 : memref<128xi32, #tpu.memory_space<vmem>>) semaphore(%arg12 : memref<!tpu.dma_semaphore, #tpu.memory_space<semaphore_mem>>)
      %dma_start3A_101 = arith.constant 2 : i32
      %dma_start3A_102 = arith.constant 256 : i32
      %dma_start3A_103 = arith.constant 0 : i32
      %dma_start3A_104 = tpu.memref_slice %arg10[%dma_start3A_102, %dma_start3A_103] : memref<896x64xf32, #tpu.memory_space<vmem>> -> memref<128x64xf32, #tpu.memory_space<vmem>>
      %dma_start3A_105 = arith.constant 0 : i32
      %dma_start3A_106 = tpu.memref_slice %arg8[%dma_start3A_101, %dma_start3A_105] : memref<7x128xi32, #tpu.memory_space<vmem>> -> memref<1x128xi32, #tpu.memory_space<vmem>>
      %dma_start3A_107 = tpu.memref_squeeze %dma_start3A_106 : memref<1x128xi32, #tpu.memory_space<vmem>> -> memref<128xi32, #tpu.memory_space<vmem>>
      %dma_start3A_108 = arith.constant 0 : i32
      %dma_start3A_109 = arith.constant 0 : i32
      %dma_start3A_110 = tpu.memref_slice %arg3[%dma_start3A_108, %dma_start3A_109] : memref<50000x64xf32, #tpu.memory_space<hbm>> -> memref<50000x64xf32, #tpu.memory_space<hbm>>
      tpu.enqueue_indirect_dma source(%dma_start3A_110 : memref<50000x64xf32, #tpu.memory_space<hbm>>) target(%dma_start3A_104 : memref<128x64xf32, #tpu.memory_space<vmem>>) offsets(%dma_start3A_107 : memref<128xi32, #tpu.memory_space<vmem>>) semaphore(%arg12 : memref<!tpu.dma_semaphore, #tpu.memory_space<semaphore_mem>>)
      %dma_start3A_111 = arith.constant 3 : i32
      %dma_start3A_112 = arith.constant 384 : i32
      %dma_start3A_113 = arith.constant 0 : i32
      %dma_start3A_114 = tpu.memref_slice %arg10[%dma_start3A_112, %dma_start3A_113] : memref<896x64xf32, #tpu.memory_space<vmem>> -> memref<128x64xf32, #tpu.memory_space<vmem>>
      %dma_start3A_115 = arith.constant 0 : i32
      %dma_start3A_116 = tpu.memref_slice %arg8[%dma_start3A_111, %dma_start3A_115] : memref<7x128xi32, #tpu.memory_space<vmem>> -> memref<1x128xi32, #tpu.memory_space<vmem>>
      %dma_start3A_117 = tpu.memref_squeeze %dma_start3A_116 : memref<1x128xi32, #tpu.memory_space<vmem>> -> memref<128xi32, #tpu.memory_space<vmem>>
      %dma_start3A_118 = arith.constant 0 : i32
      %dma_start3A_119 = arith.constant 0 : i32
      %dma_start3A_120 = tpu.memref_slice %arg3[%dma_start3A_118, %dma_start3A_119] : memref<50000x64xf32, #tpu.memory_space<hbm>> -> memref<50000x64xf32, #tpu.memory_space<hbm>>
      tpu.enqueue_indirect_dma source(%dma_start3A_120 : memref<50000x64xf32, #tpu.memory_space<hbm>>) target(%dma_start3A_114 : memref<128x64xf32, #tpu.memory_space<vmem>>) offsets(%dma_start3A_117 : memref<128xi32, #tpu.memory_space<vmem>>) semaphore(%arg12 : memref<!tpu.dma_semaphore, #tpu.memory_space<semaphore_mem>>)
      %dma_start3A_121 = arith.constant 4 : i32
      %dma_start3A_122 = arith.constant 512 : i32
      %dma_start3A_123 = arith.constant 0 : i32
      %dma_start3A_124 = tpu.memref_slice %arg10[%dma_start3A_122, %dma_start3A_123] : memref<896x64xf32, #tpu.memory_space<vmem>> -> memref<128x64xf32, #tpu.memory_space<vmem>>
      %dma_start3A_125 = arith.constant 0 : i32
      %dma_start3A_126 = tpu.memref_slice %arg8[%dma_start3A_121, %dma_start3A_125] : memref<7x128xi32, #tpu.memory_space<vmem>> -> memref<1x128xi32, #tpu.memory_space<vmem>>
      %dma_start3A_127 = tpu.memref_squeeze %dma_start3A_126 : memref<1x128xi32, #tpu.memory_space<vmem>> -> memref<128xi32, #tpu.memory_space<vmem>>
      %dma_start3A_128 = arith.constant 0 : i32
      %dma_start3A_129 = arith.constant 0 : i32
      %dma_start3A_130 = tpu.memref_slice %arg3[%dma_start3A_128, %dma_start3A_129] : memref<50000x64xf32, #tpu.memory_space<hbm>> -> memref<50000x64xf32, #tpu.memory_space<hbm>>
      tpu.enqueue_indirect_dma source(%dma_start3A_130 : memref<50000x64xf32, #tpu.memory_space<hbm>>) target(%dma_start3A_124 : memref<128x64xf32, #tpu.memory_space<vmem>>) offsets(%dma_start3A_127 : memref<128xi32, #tpu.memory_space<vmem>>) semaphore(%arg12 : memref<!tpu.dma_semaphore, #tpu.memory_space<semaphore_mem>>)
      %dma_start3A_131 = arith.constant 5 : i32
      %dma_start3A_132 = arith.constant 640 : i32
      %dma_start3A_133 = arith.constant 0 : i32
      %dma_start3A_134 = tpu.memref_slice %arg10[%dma_start3A_132, %dma_start3A_133] : memref<896x64xf32, #tpu.memory_space<vmem>> -> memref<128x64xf32, #tpu.memory_space<vmem>>
      %dma_start3A_135 = arith.constant 0 : i32
      %dma_start3A_136 = tpu.memref_slice %arg8[%dma_start3A_131, %dma_start3A_135] : memref<7x128xi32, #tpu.memory_space<vmem>> -> memref<1x128xi32, #tpu.memory_space<vmem>>
      %dma_start3A_137 = tpu.memref_squeeze %dma_start3A_136 : memref<1x128xi32, #tpu.memory_space<vmem>> -> memref<128xi32, #tpu.memory_space<vmem>>
      %dma_start3A_138 = arith.constant 0 : i32
      %dma_start3A_139 = arith.constant 0 : i32
      %dma_start3A_140 = tpu.memref_slice %arg3[%dma_start3A_138, %dma_start3A_139] : memref<50000x64xf32, #tpu.memory_space<hbm>> -> memref<50000x64xf32, #tpu.memory_space<hbm>>
      tpu.enqueue_indirect_dma source(%dma_start3A_140 : memref<50000x64xf32, #tpu.memory_space<hbm>>) target(%dma_start3A_134 : memref<128x64xf32, #tpu.memory_space<vmem>>) offsets(%dma_start3A_137 : memref<128xi32, #tpu.memory_space<vmem>>) semaphore(%arg12 : memref<!tpu.dma_semaphore, #tpu.memory_space<semaphore_mem>>)
      %dma_start3A_141 = arith.constant 6 : i32
      %dma_start3A_142 = arith.constant 768 : i32
      %dma_start3A_143 = arith.constant 0 : i32
      %dma_start3A_144 = tpu.memref_slice %arg10[%dma_start3A_142, %dma_start3A_143] : memref<896x64xf32, #tpu.memory_space<vmem>> -> memref<128x64xf32, #tpu.memory_space<vmem>>
      %dma_start3A_145 = arith.constant 0 : i32
      %dma_start3A_146 = tpu.memref_slice %arg8[%dma_start3A_141, %dma_start3A_145] : memref<7x128xi32, #tpu.memory_space<vmem>> -> memref<1x128xi32, #tpu.memory_space<vmem>>
      %dma_start3A_147 = tpu.memref_squeeze %dma_start3A_146 : memref<1x128xi32, #tpu.memory_space<vmem>> -> memref<128xi32, #tpu.memory_space<vmem>>
      %dma_start3A_148 = arith.constant 0 : i32
      %dma_start3A_149 = arith.constant 0 : i32
      %dma_start3A_150 = tpu.memref_slice %arg3[%dma_start3A_148, %dma_start3A_149] : memref<50000x64xf32, #tpu.memory_space<hbm>> -> memref<50000x64xf32, #tpu.memory_space<hbm>>
      tpu.enqueue_indirect_dma source(%dma_start3A_150 : memref<50000x64xf32, #tpu.memory_space<hbm>>) target(%dma_start3A_144 : memref<128x64xf32, #tpu.memory_space<vmem>>) offsets(%dma_start3A_147 : memref<128xi32, #tpu.memory_space<vmem>>) semaphore(%arg12 : memref<!tpu.dma_semaphore, #tpu.memory_space<semaphore_mem>>)
      %dma_wait3A = arith.constant 0 : i32
      %dma_wait3A_151 = arith.constant 0 : i32
      %dma_wait3A_152 = arith.constant 0 : i32
      %dma_wait3A_153 = tpu.memref_slice %arg9[%dma_wait3A_151, %dma_wait3A_152] : memref<896x64xf32, #tpu.memory_space<vmem>> -> memref<128x64xf32, #tpu.memory_space<vmem>>
      %dma_wait3A_154 = arith.constant 0 : i32
      %dma_wait3A_155 = tpu.memref_slice %arg7[%dma_wait3A, %dma_wait3A_154] : memref<7x128xi32, #tpu.memory_space<vmem>> -> memref<1x128xi32, #tpu.memory_space<vmem>>
      %dma_wait3A_156 = tpu.memref_squeeze %dma_wait3A_155 : memref<1x128xi32, #tpu.memory_space<vmem>> -> memref<128xi32, #tpu.memory_space<vmem>>
      %dma_wait3A_157 = arith.constant 0 : i32
      %dma_wait3A_158 = arith.constant 0 : i32
      %dma_wait3A_159 = tpu.memref_slice %arg2[%dma_wait3A_157, %dma_wait3A_158] : memref<50000x64xf32, #tpu.memory_space<hbm>> -> memref<50000x64xf32, #tpu.memory_space<hbm>>
      tpu.wait_indirect_dma semaphore(%arg11 : memref<!tpu.dma_semaphore, #tpu.memory_space<semaphore_mem>>) src(%dma_wait3A_159 : memref<50000x64xf32, #tpu.memory_space<hbm>>) dst(%dma_wait3A_153 : memref<128x64xf32, #tpu.memory_space<vmem>>)
      %dma_wait3A_160 = arith.constant 1 : i32
      %dma_wait3A_161 = arith.constant 128 : i32
      %dma_wait3A_162 = arith.constant 0 : i32
      %dma_wait3A_163 = tpu.memref_slice %arg9[%dma_wait3A_161, %dma_wait3A_162] : memref<896x64xf32, #tpu.memory_space<vmem>> -> memref<128x64xf32, #tpu.memory_space<vmem>>
      %dma_wait3A_164 = arith.constant 0 : i32
      %dma_wait3A_165 = tpu.memref_slice %arg7[%dma_wait3A_160, %dma_wait3A_164] : memref<7x128xi32, #tpu.memory_space<vmem>> -> memref<1x128xi32, #tpu.memory_space<vmem>>
      %dma_wait3A_166 = tpu.memref_squeeze %dma_wait3A_165 : memref<1x128xi32, #tpu.memory_space<vmem>> -> memref<128xi32, #tpu.memory_space<vmem>>
      %dma_wait3A_167 = arith.constant 0 : i32
      %dma_wait3A_168 = arith.constant 0 : i32
      %dma_wait3A_169 = tpu.memref_slice %arg2[%dma_wait3A_167, %dma_wait3A_168] : memref<50000x64xf32, #tpu.memory_space<hbm>> -> memref<50000x64xf32, #tpu.memory_space<hbm>>
      tpu.wait_indirect_dma semaphore(%arg11 : memref<!tpu.dma_semaphore, #tpu.memory_space<semaphore_mem>>) src(%dma_wait3A_169 : memref<50000x64xf32, #tpu.memory_space<hbm>>) dst(%dma_wait3A_163 : memref<128x64xf32, #tpu.memory_space<vmem>>)
      %dma_wait3A_170 = arith.constant 2 : i32
      %dma_wait3A_171 = arith.constant 256 : i32
      %dma_wait3A_172 = arith.constant 0 : i32
      %dma_wait3A_173 = tpu.memref_slice %arg9[%dma_wait3A_171, %dma_wait3A_172] : memref<896x64xf32, #tpu.memory_space<vmem>> -> memref<128x64xf32, #tpu.memory_space<vmem>>
      %dma_wait3A_174 = arith.constant 0 : i32
      %dma_wait3A_175 = tpu.memref_slice %arg7[%dma_wait3A_170, %dma_wait3A_174] : memref<7x128xi32, #tpu.memory_space<vmem>> -> memref<1x128xi32, #tpu.memory_space<vmem>>
      %dma_wait3A_176 = tpu.memref_squeeze %dma_wait3A_175 : memref<1x128xi32, #tpu.memory_space<vmem>> -> memref<128xi32, #tpu.memory_space<vmem>>
      %dma_wait3A_177 = arith.constant 0 : i32
      %dma_wait3A_178 = arith.constant 0 : i32
      %dma_wait3A_179 = tpu.memref_slice %arg2[%dma_wait3A_177, %dma_wait3A_178] : memref<50000x64xf32, #tpu.memory_space<hbm>> -> memref<50000x64xf32, #tpu.memory_space<hbm>>
      tpu.wait_indirect_dma semaphore(%arg11 : memref<!tpu.dma_semaphore, #tpu.memory_space<semaphore_mem>>) src(%dma_wait3A_179 : memref<50000x64xf32, #tpu.memory_space<hbm>>) dst(%dma_wait3A_173 : memref<128x64xf32, #tpu.memory_space<vmem>>)
      %dma_wait3A_180 = arith.constant 3 : i32
      %dma_wait3A_181 = arith.constant 384 : i32
      %dma_wait3A_182 = arith.constant 0 : i32
      %dma_wait3A_183 = tpu.memref_slice %arg9[%dma_wait3A_181, %dma_wait3A_182] : memref<896x64xf32, #tpu.memory_space<vmem>> -> memref<128x64xf32, #tpu.memory_space<vmem>>
      %dma_wait3A_184 = arith.constant 0 : i32
      %dma_wait3A_185 = tpu.memref_slice %arg7[%dma_wait3A_180, %dma_wait3A_184] : memref<7x128xi32, #tpu.memory_space<vmem>> -> memref<1x128xi32, #tpu.memory_space<vmem>>
      %dma_wait3A_186 = tpu.memref_squeeze %dma_wait3A_185 : memref<1x128xi32, #tpu.memory_space<vmem>> -> memref<128xi32, #tpu.memory_space<vmem>>
      %dma_wait3A_187 = arith.constant 0 : i32
      %dma_wait3A_188 = arith.constant 0 : i32
      %dma_wait3A_189 = tpu.memref_slice %arg2[%dma_wait3A_187, %dma_wait3A_188] : memref<50000x64xf32, #tpu.memory_space<hbm>> -> memref<50000x64xf32, #tpu.memory_space<hbm>>
      tpu.wait_indirect_dma semaphore(%arg11 : memref<!tpu.dma_semaphore, #tpu.memory_space<semaphore_mem>>) src(%dma_wait3A_189 : memref<50000x64xf32, #tpu.memory_space<hbm>>) dst(%dma_wait3A_183 : memref<128x64xf32, #tpu.memory_space<vmem>>)
      %dma_wait3A_190 = arith.constant 4 : i32
      %dma_wait3A_191 = arith.constant 512 : i32
      %dma_wait3A_192 = arith.constant 0 : i32
      %dma_wait3A_193 = tpu.memref_slice %arg9[%dma_wait3A_191, %dma_wait3A_192] : memref<896x64xf32, #tpu.memory_space<vmem>> -> memref<128x64xf32, #tpu.memory_space<vmem>>
      %dma_wait3A_194 = arith.constant 0 : i32
      %dma_wait3A_195 = tpu.memref_slice %arg7[%dma_wait3A_190, %dma_wait3A_194] : memref<7x128xi32, #tpu.memory_space<vmem>> -> memref<1x128xi32, #tpu.memory_space<vmem>>
      %dma_wait3A_196 = tpu.memref_squeeze %dma_wait3A_195 : memref<1x128xi32, #tpu.memory_space<vmem>> -> memref<128xi32, #tpu.memory_space<vmem>>
      %dma_wait3A_197 = arith.constant 0 : i32
      %dma_wait3A_198 = arith.constant 0 : i32
      %dma_wait3A_199 = tpu.memref_slice %arg2[%dma_wait3A_197, %dma_wait3A_198] : memref<50000x64xf32, #tpu.memory_space<hbm>> -> memref<50000x64xf32, #tpu.memory_space<hbm>>
      tpu.wait_indirect_dma semaphore(%arg11 : memref<!tpu.dma_semaphore, #tpu.memory_space<semaphore_mem>>) src(%dma_wait3A_199 : memref<50000x64xf32, #tpu.memory_space<hbm>>) dst(%dma_wait3A_193 : memref<128x64xf32, #tpu.memory_space<vmem>>)
      %dma_wait3A_200 = arith.constant 5 : i32
      %dma_wait3A_201 = arith.constant 640 : i32
      %dma_wait3A_202 = arith.constant 0 : i32
      %dma_wait3A_203 = tpu.memref_slice %arg9[%dma_wait3A_201, %dma_wait3A_202] : memref<896x64xf32, #tpu.memory_space<vmem>> -> memref<128x64xf32, #tpu.memory_space<vmem>>
      %dma_wait3A_204 = arith.constant 0 : i32
      %dma_wait3A_205 = tpu.memref_slice %arg7[%dma_wait3A_200, %dma_wait3A_204] : memref<7x128xi32, #tpu.memory_space<vmem>> -> memref<1x128xi32, #tpu.memory_space<vmem>>
      %dma_wait3A_206 = tpu.memref_squeeze %dma_wait3A_205 : memref<1x128xi32, #tpu.memory_space<vmem>> -> memref<128xi32, #tpu.memory_space<vmem>>
      %dma_wait3A_207 = arith.constant 0 : i32
      %dma_wait3A_208 = arith.constant 0 : i32
      %dma_wait3A_209 = tpu.memref_slice %arg2[%dma_wait3A_207, %dma_wait3A_208] : memref<50000x64xf32, #tpu.memory_space<hbm>> -> memref<50000x64xf32, #tpu.memory_space<hbm>>
      tpu.wait_indirect_dma semaphore(%arg11 : memref<!tpu.dma_semaphore, #tpu.memory_space<semaphore_mem>>) src(%dma_wait3A_209 : memref<50000x64xf32, #tpu.memory_space<hbm>>) dst(%dma_wait3A_203 : memref<128x64xf32, #tpu.memory_space<vmem>>)
      %dma_wait3A_210 = arith.constant 6 : i32
      %dma_wait3A_211 = arith.constant 768 : i32
      %dma_wait3A_212 = arith.constant 0 : i32
      %dma_wait3A_213 = tpu.memref_slice %arg9[%dma_wait3A_211, %dma_wait3A_212] : memref<896x64xf32, #tpu.memory_space<vmem>> -> memref<128x64xf32, #tpu.memory_space<vmem>>
      %dma_wait3A_214 = arith.constant 0 : i32
      %dma_wait3A_215 = tpu.memref_slice %arg7[%dma_wait3A_210, %dma_wait3A_214] : memref<7x128xi32, #tpu.memory_space<vmem>> -> memref<1x128xi32, #tpu.memory_space<vmem>>
      %dma_wait3A_216 = tpu.memref_squeeze %dma_wait3A_215 : memref<1x128xi32, #tpu.memory_space<vmem>> -> memref<128xi32, #tpu.memory_space<vmem>>
      %dma_wait3A_217 = arith.constant 0 : i32
      %dma_wait3A_218 = arith.constant 0 : i32
      %dma_wait3A_219 = tpu.memref_slice %arg2[%dma_wait3A_217, %dma_wait3A_218] : memref<50000x64xf32, #tpu.memory_space<hbm>> -> memref<50000x64xf32, #tpu.memory_space<hbm>>
      tpu.wait_indirect_dma semaphore(%arg11 : memref<!tpu.dma_semaphore, #tpu.memory_space<semaphore_mem>>) src(%dma_wait3A_219 : memref<50000x64xf32, #tpu.memory_space<hbm>>) dst(%dma_wait3A_213 : memref<128x64xf32, #tpu.memory_space<vmem>>)
      %dma_wait3A_220 = arith.constant 0 : i32
      %dma_wait3A_221 = arith.constant 0 : i32
      %dma_wait3A_222 = arith.constant 0 : i32
      %dma_wait3A_223 = tpu.memref_slice %arg10[%dma_wait3A_221, %dma_wait3A_222] : memref<896x64xf32, #tpu.memory_space<vmem>> -> memref<128x64xf32, #tpu.memory_space<vmem>>
      %dma_wait3A_224 = arith.constant 0 : i32
      %dma_wait3A_225 = tpu.memref_slice %arg8[%dma_wait3A_220, %dma_wait3A_224] : memref<7x128xi32, #tpu.memory_space<vmem>> -> memref<1x128xi32, #tpu.memory_space<vmem>>
      %dma_wait3A_226 = tpu.memref_squeeze %dma_wait3A_225 : memref<1x128xi32, #tpu.memory_space<vmem>> -> memref<128xi32, #tpu.memory_space<vmem>>
      %dma_wait3A_227 = arith.constant 0 : i32
      %dma_wait3A_228 = arith.constant 0 : i32
      %dma_wait3A_229 = tpu.memref_slice %arg3[%dma_wait3A_227, %dma_wait3A_228] : memref<50000x64xf32, #tpu.memory_space<hbm>> -> memref<50000x64xf32, #tpu.memory_space<hbm>>
      tpu.wait_indirect_dma semaphore(%arg12 : memref<!tpu.dma_semaphore, #tpu.memory_space<semaphore_mem>>) src(%dma_wait3A_229 : memref<50000x64xf32, #tpu.memory_space<hbm>>) dst(%dma_wait3A_223 : memref<128x64xf32, #tpu.memory_space<vmem>>)
      %dma_wait3A_230 = arith.constant 1 : i32
      %dma_wait3A_231 = arith.constant 128 : i32
      %dma_wait3A_232 = arith.constant 0 : i32
      %dma_wait3A_233 = tpu.memref_slice %arg10[%dma_wait3A_231, %dma_wait3A_232] : memref<896x64xf32, #tpu.memory_space<vmem>> -> memref<128x64xf32, #tpu.memory_space<vmem>>
      %dma_wait3A_234 = arith.constant 0 : i32
      %dma_wait3A_235 = tpu.memref_slice %arg8[%dma_wait3A_230, %dma_wait3A_234] : memref<7x128xi32, #tpu.memory_space<vmem>> -> memref<1x128xi32, #tpu.memory_space<vmem>>
      %dma_wait3A_236 = tpu.memref_squeeze %dma_wait3A_235 : memref<1x128xi32, #tpu.memory_space<vmem>> -> memref<128xi32, #tpu.memory_space<vmem>>
      %dma_wait3A_237 = arith.constant 0 : i32
      %dma_wait3A_238 = arith.constant 0 : i32
      %dma_wait3A_239 = tpu.memref_slice %arg3[%dma_wait3A_237, %dma_wait3A_238] : memref<50000x64xf32, #tpu.memory_space<hbm>> -> memref<50000x64xf32, #tpu.memory_space<hbm>>
      tpu.wait_indirect_dma semaphore(%arg12 : memref<!tpu.dma_semaphore, #tpu.memory_space<semaphore_mem>>) src(%dma_wait3A_239 : memref<50000x64xf32, #tpu.memory_space<hbm>>) dst(%dma_wait3A_233 : memref<128x64xf32, #tpu.memory_space<vmem>>)
      %dma_wait3A_240 = arith.constant 2 : i32
      %dma_wait3A_241 = arith.constant 256 : i32
      %dma_wait3A_242 = arith.constant 0 : i32
      %dma_wait3A_243 = tpu.memref_slice %arg10[%dma_wait3A_241, %dma_wait3A_242] : memref<896x64xf32, #tpu.memory_space<vmem>> -> memref<128x64xf32, #tpu.memory_space<vmem>>
      %dma_wait3A_244 = arith.constant 0 : i32
      %dma_wait3A_245 = tpu.memref_slice %arg8[%dma_wait3A_240, %dma_wait3A_244] : memref<7x128xi32, #tpu.memory_space<vmem>> -> memref<1x128xi32, #tpu.memory_space<vmem>>
      %dma_wait3A_246 = tpu.memref_squeeze %dma_wait3A_245 : memref<1x128xi32, #tpu.memory_space<vmem>> -> memref<128xi32, #tpu.memory_space<vmem>>
      %dma_wait3A_247 = arith.constant 0 : i32
      %dma_wait3A_248 = arith.constant 0 : i32
      %dma_wait3A_249 = tpu.memref_slice %arg3[%dma_wait3A_247, %dma_wait3A_248] : memref<50000x64xf32, #tpu.memory_space<hbm>> -> memref<50000x64xf32, #tpu.memory_space<hbm>>
      tpu.wait_indirect_dma semaphore(%arg12 : memref<!tpu.dma_semaphore, #tpu.memory_space<semaphore_mem>>) src(%dma_wait3A_249 : memref<50000x64xf32, #tpu.memory_space<hbm>>) dst(%dma_wait3A_243 : memref<128x64xf32, #tpu.memory_space<vmem>>)
      %dma_wait3A_250 = arith.constant 3 : i32
      %dma_wait3A_251 = arith.constant 384 : i32
      %dma_wait3A_252 = arith.constant 0 : i32
      %dma_wait3A_253 = tpu.memref_slice %arg10[%dma_wait3A_251, %dma_wait3A_252] : memref<896x64xf32, #tpu.memory_space<vmem>> -> memref<128x64xf32, #tpu.memory_space<vmem>>
      %dma_wait3A_254 = arith.constant 0 : i32
      %dma_wait3A_255 = tpu.memref_slice %arg8[%dma_wait3A_250, %dma_wait3A_254] : memref<7x128xi32, #tpu.memory_space<vmem>> -> memref<1x128xi32, #tpu.memory_space<vmem>>
      %dma_wait3A_256 = tpu.memref_squeeze %dma_wait3A_255 : memref<1x128xi32, #tpu.memory_space<vmem>> -> memref<128xi32, #tpu.memory_space<vmem>>
      %dma_wait3A_257 = arith.constant 0 : i32
      %dma_wait3A_258 = arith.constant 0 : i32
      %dma_wait3A_259 = tpu.memref_slice %arg3[%dma_wait3A_257, %dma_wait3A_258] : memref<50000x64xf32, #tpu.memory_space<hbm>> -> memref<50000x64xf32, #tpu.memory_space<hbm>>
      tpu.wait_indirect_dma semaphore(%arg12 : memref<!tpu.dma_semaphore, #tpu.memory_space<semaphore_mem>>) src(%dma_wait3A_259 : memref<50000x64xf32, #tpu.memory_space<hbm>>) dst(%dma_wait3A_253 : memref<128x64xf32, #tpu.memory_space<vmem>>)
      %dma_wait3A_260 = arith.constant 4 : i32
      %dma_wait3A_261 = arith.constant 512 : i32
      %dma_wait3A_262 = arith.constant 0 : i32
      %dma_wait3A_263 = tpu.memref_slice %arg10[%dma_wait3A_261, %dma_wait3A_262] : memref<896x64xf32, #tpu.memory_space<vmem>> -> memref<128x64xf32, #tpu.memory_space<vmem>>
      %dma_wait3A_264 = arith.constant 0 : i32
      %dma_wait3A_265 = tpu.memref_slice %arg8[%dma_wait3A_260, %dma_wait3A_264] : memref<7x128xi32, #tpu.memory_space<vmem>> -> memref<1x128xi32, #tpu.memory_space<vmem>>
      %dma_wait3A_266 = tpu.memref_squeeze %dma_wait3A_265 : memref<1x128xi32, #tpu.memory_space<vmem>> -> memref<128xi32, #tpu.memory_space<vmem>>
      %dma_wait3A_267 = arith.constant 0 : i32
      %dma_wait3A_268 = arith.constant 0 : i32
      %dma_wait3A_269 = tpu.memref_slice %arg3[%dma_wait3A_267, %dma_wait3A_268] : memref<50000x64xf32, #tpu.memory_space<hbm>> -> memref<50000x64xf32, #tpu.memory_space<hbm>>
      tpu.wait_indirect_dma semaphore(%arg12 : memref<!tpu.dma_semaphore, #tpu.memory_space<semaphore_mem>>) src(%dma_wait3A_269 : memref<50000x64xf32, #tpu.memory_space<hbm>>) dst(%dma_wait3A_263 : memref<128x64xf32, #tpu.memory_space<vmem>>)
      %dma_wait3A_270 = arith.constant 5 : i32
      %dma_wait3A_271 = arith.constant 640 : i32
      %dma_wait3A_272 = arith.constant 0 : i32
      %dma_wait3A_273 = tpu.memref_slice %arg10[%dma_wait3A_271, %dma_wait3A_272] : memref<896x64xf32, #tpu.memory_space<vmem>> -> memref<128x64xf32, #tpu.memory_space<vmem>>
      %dma_wait3A_274 = arith.constant 0 : i32
      %dma_wait3A_275 = tpu.memref_slice %arg8[%dma_wait3A_270, %dma_wait3A_274] : memref<7x128xi32, #tpu.memory_space<vmem>> -> memref<1x128xi32, #tpu.memory_space<vmem>>
      %dma_wait3A_276 = tpu.memref_squeeze %dma_wait3A_275 : memref<1x128xi32, #tpu.memory_space<vmem>> -> memref<128xi32, #tpu.memory_space<vmem>>
      %dma_wait3A_277 = arith.constant 0 : i32
      %dma_wait3A_278 = arith.constant 0 : i32
      %dma_wait3A_279 = tpu.memref_slice %arg3[%dma_wait3A_277, %dma_wait3A_278] : memref<50000x64xf32, #tpu.memory_space<hbm>> -> memref<50000x64xf32, #tpu.memory_space<hbm>>
      tpu.wait_indirect_dma semaphore(%arg12 : memref<!tpu.dma_semaphore, #tpu.memory_space<semaphore_mem>>) src(%dma_wait3A_279 : memref<50000x64xf32, #tpu.memory_space<hbm>>) dst(%dma_wait3A_273 : memref<128x64xf32, #tpu.memory_space<vmem>>)
      %dma_wait3A_280 = arith.constant 6 : i32
      %dma_wait3A_281 = arith.constant 768 : i32
      %dma_wait3A_282 = arith.constant 0 : i32
      %dma_wait3A_283 = tpu.memref_slice %arg10[%dma_wait3A_281, %dma_wait3A_282] : memref<896x64xf32, #tpu.memory_space<vmem>> -> memref<128x64xf32, #tpu.memory_space<vmem>>
      %dma_wait3A_284 = arith.constant 0 : i32
      %dma_wait3A_285 = tpu.memref_slice %arg8[%dma_wait3A_280, %dma_wait3A_284] : memref<7x128xi32, #tpu.memory_space<vmem>> -> memref<1x128xi32, #tpu.memory_space<vmem>>
      %dma_wait3A_286 = tpu.memref_squeeze %dma_wait3A_285 : memref<1x128xi32, #tpu.memory_space<vmem>> -> memref<128xi32, #tpu.memory_space<vmem>>
      %dma_wait3A_287 = arith.constant 0 : i32
      %dma_wait3A_288 = arith.constant 0 : i32
      %dma_wait3A_289 = tpu.memref_slice %arg3[%dma_wait3A_287, %dma_wait3A_288] : memref<50000x64xf32, #tpu.memory_space<hbm>> -> memref<50000x64xf32, #tpu.memory_space<hbm>>
      tpu.wait_indirect_dma semaphore(%arg12 : memref<!tpu.dma_semaphore, #tpu.memory_space<semaphore_mem>>) src(%dma_wait3A_289 : memref<50000x64xf32, #tpu.memory_space<hbm>>) dst(%dma_wait3A_283 : memref<128x64xf32, #tpu.memory_space<vmem>>)
      %mul3A_290 = arith.constant 128 : i32
      %mul3A_291 = arith.muli %add3A_11, %mul3A_290 : i32
      "tpu.region"() ({
        %run_scoped3A = tpu.sem_alloc : memref<!tpu.dma_semaphore, #tpu.memory_space<semaphore_mem>>
        %dma_start3A_294 = arith.constant 0 : i32
        %dma_start3A_295 = tpu.memref_slice %arg6[%mul3A_291, %dma_start3A_294] : memref<802816x128xf32, #tpu.memory_space<hbm>> -> memref<896x64xf32, #tpu.memory_space<hbm>>
        %dma_start3A_296 = arith.constant 0 : i32
        %dma_start3A_297 = tpu.memref_slice %arg6[%mul3A_291, %dma_start3A_296] : memref<802816x128xf32, #tpu.memory_space<hbm>> -> memref<896x64xf32, #tpu.memory_space<hbm>>
        tpu.enqueue_dma source(%arg9 : memref<896x64xf32, #tpu.memory_space<vmem>>) target(%dma_start3A_297 : memref<896x64xf32, #tpu.memory_space<hbm>>) target_semaphore(%run_scoped3A : memref<!tpu.dma_semaphore, #tpu.memory_space<semaphore_mem>>)
        %dma_wait3A_298 = arith.constant 0 : i32
        %dma_wait3A_299 = tpu.memref_slice %arg6[%mul3A_291, %dma_wait3A_298] : memref<802816x128xf32, #tpu.memory_space<hbm>> -> memref<896x64xf32, #tpu.memory_space<hbm>>
        %dma_wait3A_300 = arith.constant 0 : i32
        %dma_wait3A_301 = tpu.memref_slice %arg6[%mul3A_291, %dma_wait3A_300] : memref<802816x128xf32, #tpu.memory_space<hbm>> -> memref<896x64xf32, #tpu.memory_space<hbm>>
        tpu.wait_dma2 semaphore(%run_scoped3A : memref<!tpu.dma_semaphore, #tpu.memory_space<semaphore_mem>>) src(%arg9 : memref<896x64xf32, #tpu.memory_space<vmem>>) dst(%dma_wait3A_301 : memref<896x64xf32, #tpu.memory_space<hbm>>)
        tpu.yield
      }) : () -> ()
      %mul3A_292 = arith.constant 128 : i32
      %mul3A_293 = arith.muli %add3A_11, %mul3A_292 : i32
      "tpu.region"() ({
        %run_scoped3A = tpu.sem_alloc : memref<!tpu.dma_semaphore, #tpu.memory_space<semaphore_mem>>
        %dma_start3A_294 = arith.constant 64 : i32
        %dma_start3A_295 = tpu.memref_slice %arg6[%mul3A_293, %dma_start3A_294] : memref<802816x128xf32, #tpu.memory_space<hbm>> -> memref<896x64xf32, #tpu.memory_space<hbm>>
        %dma_start3A_296 = arith.constant 64 : i32
        %dma_start3A_297 = tpu.memref_slice %arg6[%mul3A_293, %dma_start3A_296] : memref<802816x128xf32, #tpu.memory_space<hbm>> -> memref<896x64xf32, #tpu.memory_space<hbm>>
        tpu.enqueue_dma source(%arg10 : memref<896x64xf32, #tpu.memory_space<vmem>>) target(%dma_start3A_297 : memref<896x64xf32, #tpu.memory_space<hbm>>) target_semaphore(%run_scoped3A : memref<!tpu.dma_semaphore, #tpu.memory_space<semaphore_mem>>)
        %dma_wait3A_298 = arith.constant 64 : i32
        %dma_wait3A_299 = tpu.memref_slice %arg6[%mul3A_293, %dma_wait3A_298] : memref<802816x128xf32, #tpu.memory_space<hbm>> -> memref<896x64xf32, #tpu.memory_space<hbm>>
        %dma_wait3A_300 = arith.constant 64 : i32
        %dma_wait3A_301 = tpu.memref_slice %arg6[%mul3A_293, %dma_wait3A_300] : memref<802816x128xf32, #tpu.memory_space<hbm>> -> memref<896x64xf32, #tpu.memory_space<hbm>>
        tpu.wait_dma2 semaphore(%run_scoped3A : memref<!tpu.dma_semaphore, #tpu.memory_space<semaphore_mem>>) src(%arg10 : memref<896x64xf32, #tpu.memory_space<vmem>>) dst(%dma_wait3A_301 : memref<896x64xf32, #tpu.memory_space<hbm>>)
        tpu.yield
      }) : () -> ()
    }
    %scan3A_5 = arith.constant 28 : i32
    return
  }
}

#map = affine_map<(d0, d1) -> (0, 0)>
module attributes {stable_mosaic.version = 14 : i64} {
  func.func @k(%arg0: i32, %arg1: i32, %arg2: memref<50000x64xf32, #tpu.memory_space<hbm>>, %arg3: memref<50000x64xf32, #tpu.memory_space<hbm>>, %arg4: memref<6272x128xi32, #tpu.memory_space<hbm>>, %arg5: memref<6272x128xi32, #tpu.memory_space<hbm>>, %arg6: memref<802816x128xf32, #tpu.memory_space<hbm>>, %arg7: memref<7x128xi32, #tpu.memory_space<vmem>>, %arg8: memref<7x128xi32, #tpu.memory_space<vmem>>, %arg9: memref<896x64xf32, #tpu.memory_space<vmem>>, %arg10: memref<896x64xf32, #tpu.memory_space<vmem>>, %arg11: memref<!tpu.dma_semaphore, #tpu.memory_space<semaphore_mem>>, %arg12: memref<!tpu.dma_semaphore, #tpu.memory_space<semaphore_mem>>) attributes {dimension_semantics = [#tpu.dimension_semantics<core_parallel>, #tpu.dimension_semantics<subcore_parallel>], iteration_bounds = array<i64: 2, 16>, scalar_prefetch = 0 : i64, scratch_operands = 6 : i64, tpu.core_type = #tpu.core_type<sc_vector_subcore>, window_params = [{transform_indices = #map}, {transform_indices = #map}, {transform_indices = #map}, {transform_indices = #map}, {transform_indices = #map}]} {
    %mul3A = arith.constant 2 : i32
    %mul3A_0 = arith.muli %arg1, %mul3A : i32
    %add3A = arith.addi %mul3A_0, %arg0 : i32
    %scan3A = arith.constant 0 : i32
    %scan3A_1 = arith.constant 0 : i32
    %scan3A_2 = arith.constant 28 : i32
    %scan3A_3 = arith.addi %scan3A_1, %scan3A_2 : i32
    %scan3A_4 = arith.constant 1 : i32
    scf.for %scan3A_6 = %scan3A_1 to %scan3A_3 step %scan3A_4  : i32 {
      %mul3A_7 = arith.constant 196 : i32
      %mul3A_8 = arith.muli %add3A, %mul3A_7 : i32
      %mul3A_9 = arith.constant 7 : i32
      %mul3A_10 = arith.muli %scan3A_6, %mul3A_9 : i32
      %add3A_11 = arith.addi %mul3A_8, %mul3A_10 : i32
      "tpu.region"() ({
        %run_scoped3A = tpu.sem_alloc : memref<!tpu.dma_semaphore, #tpu.memory_space<semaphore_mem>>
        %dma_start3A_294 = arith.constant 0 : i32
        %dma_start3A_295 = tpu.memref_slice %arg4[%add3A_11, %dma_start3A_294] : memref<6272x128xi32, #tpu.memory_space<hbm>> -> memref<7x128xi32, #tpu.memory_space<hbm>>
        %dma_start3A_296 = arith.constant 0 : i32
        %dma_start3A_297 = tpu.memref_slice %arg4[%add3A_11, %dma_start3A_296] : memref<6272x128xi32, #tpu.memory_space<hbm>> -> memref<7x128xi32, #tpu.memory_space<hbm>>
        tpu.enqueue_dma source(%dma_start3A_297 : memref<7x128xi32, #tpu.memory_space<hbm>>) target(%arg7 : memref<7x128xi32, #tpu.memory_space<vmem>>) target_semaphore(%run_scoped3A : memref<!tpu.dma_semaphore, #tpu.memory_space<semaphore_mem>>)
        %dma_wait3A_298 = arith.constant 0 : i32
        %dma_wait3A_299 = tpu.memref_slice %arg4[%add3A_11, %dma_wait3A_298] : memref<6272x128xi32, #tpu.memory_space<hbm>> -> memref<7x128xi32, #tpu.memory_space<hbm>>
        %dma_wait3A_300 = arith.constant 0 : i32
        %dma_wait3A_301 = tpu.memref_slice %arg4[%add3A_11, %dma_wait3A_300] : memref<6272x128xi32, #tpu.memory_space<hbm>> -> memref<7x128xi32, #tpu.memory_space<hbm>>
        tpu.wait_dma2 semaphore(%run_scoped3A : memref<!tpu.dma_semaphore, #tpu.memory_space<semaphore_mem>>) src(%dma_wait3A_301 : memref<7x128xi32, #tpu.memory_space<hbm>>) dst(%arg7 : memref<7x128xi32, #tpu.memory_space<vmem>>)
        tpu.yield
      }) : () -> ()
      "tpu.region"() ({
        %run_scoped3A = tpu.sem_alloc : memref<!tpu.dma_semaphore, #tpu.memory_space<semaphore_mem>>
        %dma_start3A_294 = arith.constant 0 : i32
        %dma_start3A_295 = tpu.memref_slice %arg5[%add3A_11, %dma_start3A_294] : memref<6272x128xi32, #tpu.memory_space<hbm>> -> memref<7x128xi32, #tpu.memory_space<hbm>>
        %dma_start3A_296 = arith.constant 0 : i32
        %dma_start3A_297 = tpu.memref_slice %arg5[%add3A_11, %dma_start3A_296] : memref<6272x128xi32, #tpu.memory_space<hbm>> -> memref<7x128xi32, #tpu.memory_space<hbm>>
        tpu.enqueue_dma source(%dma_start3A_297 : memref<7x128xi32, #tpu.memory_space<hbm>>) target(%arg8 : memref<7x128xi32, #tpu.memory_space<vmem>>) target_semaphore(%run_scoped3A : memref<!tpu.dma_semaphore, #tpu.memory_space<semaphore_mem>>)
        %dma_wait3A_298 = arith.constant 0 : i32
        %dma_wait3A_299 = tpu.memref_slice %arg5[%add3A_11, %dma_wait3A_298] : memref<6272x128xi32, #tpu.memory_space<hbm>> -> memref<7x128xi32, #tpu.memory_space<hbm>>
        %dma_wait3A_300 = arith.constant 0 : i32
        %dma_wait3A_301 = tpu.memref_slice %arg5[%add3A_11, %dma_wait3A_300] : memref<6272x128xi32, #tpu.memory_space<hbm>> -> memref<7x128xi32, #tpu.memory_space<hbm>>
        tpu.wait_dma2 semaphore(%run_scoped3A : memref<!tpu.dma_semaphore, #tpu.memory_space<semaphore_mem>>) src(%dma_wait3A_301 : memref<7x128xi32, #tpu.memory_space<hbm>>) dst(%arg8 : memref<7x128xi32, #tpu.memory_space<vmem>>)
        tpu.yield
      }) : () -> ()
      %dma_start3A = arith.constant 0 : i32
      %dma_start3A_12 = arith.constant 0 : i32
      %dma_start3A_13 = arith.constant 0 : i32
      %dma_start3A_14 = tpu.memref_slice %arg9[%dma_start3A_12, %dma_start3A_13] : memref<896x64xf32, #tpu.memory_space<vmem>> -> memref<128x64xf32, #tpu.memory_space<vmem>>
      %dma_start3A_15 = arith.constant 0 : i32
      %dma_start3A_16 = tpu.memref_slice %arg7[%dma_start3A, %dma_start3A_15] : memref<7x128xi32, #tpu.memory_space<vmem>> -> memref<1x128xi32, #tpu.memory_space<vmem>>
      %dma_start3A_17 = tpu.memref_squeeze %dma_start3A_16 : memref<1x128xi32, #tpu.memory_space<vmem>> -> memref<128xi32, #tpu.memory_space<vmem>>
      %dma_start3A_18 = arith.constant 0 : i32
      %dma_start3A_19 = arith.constant 0 : i32
      %dma_start3A_20 = tpu.memref_slice %arg2[%dma_start3A_18, %dma_start3A_19] : memref<50000x64xf32, #tpu.memory_space<hbm>> -> memref<50000x64xf32, #tpu.memory_space<hbm>>
      tpu.enqueue_indirect_dma source(%dma_start3A_20 : memref<50000x64xf32, #tpu.memory_space<hbm>>) target(%dma_start3A_14 : memref<128x64xf32, #tpu.memory_space<vmem>>) offsets(%dma_start3A_17 : memref<128xi32, #tpu.memory_space<vmem>>) semaphore(%arg11 : memref<!tpu.dma_semaphore, #tpu.memory_space<semaphore_mem>>)
      %dma_start3A_21 = arith.constant 1 : i32
      %dma_start3A_22 = arith.constant 128 : i32
      %dma_start3A_23 = arith.constant 0 : i32
      %dma_start3A_24 = tpu.memref_slice %arg9[%dma_start3A_22, %dma_start3A_23] : memref<896x64xf32, #tpu.memory_space<vmem>> -> memref<128x64xf32, #tpu.memory_space<vmem>>
      %dma_start3A_25 = arith.constant 0 : i32
      %dma_start3A_26 = tpu.memref_slice %arg7[%dma_start3A_21, %dma_start3A_25] : memref<7x128xi32, #tpu.memory_space<vmem>> -> memref<1x128xi32, #tpu.memory_space<vmem>>
      %dma_start3A_27 = tpu.memref_squeeze %dma_start3A_26 : memref<1x128xi32, #tpu.memory_space<vmem>> -> memref<128xi32, #tpu.memory_space<vmem>>
      %dma_start3A_28 = arith.constant 0 : i32
      %dma_start3A_29 = arith.constant 0 : i32
      %dma_start3A_30 = tpu.memref_slice %arg2[%dma_start3A_28, %dma_start3A_29] : memref<50000x64xf32, #tpu.memory_space<hbm>> -> memref<50000x64xf32, #tpu.memory_space<hbm>>
      tpu.enqueue_indirect_dma source(%dma_start3A_30 : memref<50000x64xf32, #tpu.memory_space<hbm>>) target(%dma_start3A_24 : memref<128x64xf32, #tpu.memory_space<vmem>>) offsets(%dma_start3A_27 : memref<128xi32, #tpu.memory_space<vmem>>) semaphore(%arg11 : memref<!tpu.dma_semaphore, #tpu.memory_space<semaphore_mem>>)
      %dma_start3A_31 = arith.constant 2 : i32
      %dma_start3A_32 = arith.constant 256 : i32
      %dma_start3A_33 = arith.constant 0 : i32
      %dma_start3A_34 = tpu.memref_slice %arg9[%dma_start3A_32, %dma_start3A_33] : memref<896x64xf32, #tpu.memory_space<vmem>> -> memref<128x64xf32, #tpu.memory_space<vmem>>
      %dma_start3A_35 = arith.constant 0 : i32
      %dma_start3A_36 = tpu.memref_slice %arg7[%dma_start3A_31, %dma_start3A_35] : memref<7x128xi32, #tpu.memory_space<vmem>> -> memref<1x128xi32, #tpu.memory_space<vmem>>
      %dma_start3A_37 = tpu.memref_squeeze %dma_start3A_36 : memref<1x128xi32, #tpu.memory_space<vmem>> -> memref<128xi32, #tpu.memory_space<vmem>>
      %dma_start3A_38 = arith.constant 0 : i32
      %dma_start3A_39 = arith.constant 0 : i32
      %dma_start3A_40 = tpu.memref_slice %arg2[%dma_start3A_38, %dma_start3A_39] : memref<50000x64xf32, #tpu.memory_space<hbm>> -> memref<50000x64xf32, #tpu.memory_space<hbm>>
      tpu.enqueue_indirect_dma source(%dma_start3A_40 : memref<50000x64xf32, #tpu.memory_space<hbm>>) target(%dma_start3A_34 : memref<128x64xf32, #tpu.memory_space<vmem>>) offsets(%dma_start3A_37 : memref<128xi32, #tpu.memory_space<vmem>>) semaphore(%arg11 : memref<!tpu.dma_semaphore, #tpu.memory_space<semaphore_mem>>)
      %dma_start3A_41 = arith.constant 3 : i32
      %dma_start3A_42 = arith.constant 384 : i32
      %dma_start3A_43 = arith.constant 0 : i32
      %dma_start3A_44 = tpu.memref_slice %arg9[%dma_start3A_42, %dma_start3A_43] : memref<896x64xf32, #tpu.memory_space<vmem>> -> memref<128x64xf32, #tpu.memory_space<vmem>>
      %dma_start3A_45 = arith.constant 0 : i32
      %dma_start3A_46 = tpu.memref_slice %arg7[%dma_start3A_41, %dma_start3A_45] : memref<7x128xi32, #tpu.memory_space<vmem>> -> memref<1x128xi32, #tpu.memory_space<vmem>>
      %dma_start3A_47 = tpu.memref_squeeze %dma_start3A_46 : memref<1x128xi32, #tpu.memory_space<vmem>> -> memref<128xi32, #tpu.memory_space<vmem>>
      %dma_start3A_48 = arith.constant 0 : i32
      %dma_start3A_49 = arith.constant 0 : i32
      %dma_start3A_50 = tpu.memref_slice %arg2[%dma_start3A_48, %dma_start3A_49] : memref<50000x64xf32, #tpu.memory_space<hbm>> -> memref<50000x64xf32, #tpu.memory_space<hbm>>
      tpu.enqueue_indirect_dma source(%dma_start3A_50 : memref<50000x64xf32, #tpu.memory_space<hbm>>) target(%dma_start3A_44 : memref<128x64xf32, #tpu.memory_space<vmem>>) offsets(%dma_start3A_47 : memref<128xi32, #tpu.memory_space<vmem>>) semaphore(%arg11 : memref<!tpu.dma_semaphore, #tpu.memory_space<semaphore_mem>>)
      %dma_start3A_51 = arith.constant 4 : i32
      %dma_start3A_52 = arith.constant 512 : i32
      %dma_start3A_53 = arith.constant 0 : i32
      %dma_start3A_54 = tpu.memref_slice %arg9[%dma_start3A_52, %dma_start3A_53] : memref<896x64xf32, #tpu.memory_space<vmem>> -> memref<128x64xf32, #tpu.memory_space<vmem>>
      %dma_start3A_55 = arith.constant 0 : i32
      %dma_start3A_56 = tpu.memref_slice %arg7[%dma_start3A_51, %dma_start3A_55] : memref<7x128xi32, #tpu.memory_space<vmem>> -> memref<1x128xi32, #tpu.memory_space<vmem>>
      %dma_start3A_57 = tpu.memref_squeeze %dma_start3A_56 : memref<1x128xi32, #tpu.memory_space<vmem>> -> memref<128xi32, #tpu.memory_space<vmem>>
      %dma_start3A_58 = arith.constant 0 : i32
      %dma_start3A_59 = arith.constant 0 : i32
      %dma_start3A_60 = tpu.memref_slice %arg2[%dma_start3A_58, %dma_start3A_59] : memref<50000x64xf32, #tpu.memory_space<hbm>> -> memref<50000x64xf32, #tpu.memory_space<hbm>>
      tpu.enqueue_indirect_dma source(%dma_start3A_60 : memref<50000x64xf32, #tpu.memory_space<hbm>>) target(%dma_start3A_54 : memref<128x64xf32, #tpu.memory_space<vmem>>) offsets(%dma_start3A_57 : memref<128xi32, #tpu.memory_space<vmem>>) semaphore(%arg11 : memref<!tpu.dma_semaphore, #tpu.memory_space<semaphore_mem>>)
      %dma_start3A_61 = arith.constant 5 : i32
      %dma_start3A_62 = arith.constant 640 : i32
      %dma_start3A_63 = arith.constant 0 : i32
      %dma_start3A_64 = tpu.memref_slice %arg9[%dma_start3A_62, %dma_start3A_63] : memref<896x64xf32, #tpu.memory_space<vmem>> -> memref<128x64xf32, #tpu.memory_space<vmem>>
      %dma_start3A_65 = arith.constant 0 : i32
      %dma_start3A_66 = tpu.memref_slice %arg7[%dma_start3A_61, %dma_start3A_65] : memref<7x128xi32, #tpu.memory_space<vmem>> -> memref<1x128xi32, #tpu.memory_space<vmem>>
      %dma_start3A_67 = tpu.memref_squeeze %dma_start3A_66 : memref<1x128xi32, #tpu.memory_space<vmem>> -> memref<128xi32, #tpu.memory_space<vmem>>
      %dma_start3A_68 = arith.constant 0 : i32
      %dma_start3A_69 = arith.constant 0 : i32
      %dma_start3A_70 = tpu.memref_slice %arg2[%dma_start3A_68, %dma_start3A_69] : memref<50000x64xf32, #tpu.memory_space<hbm>> -> memref<50000x64xf32, #tpu.memory_space<hbm>>
      tpu.enqueue_indirect_dma source(%dma_start3A_70 : memref<50000x64xf32, #tpu.memory_space<hbm>>) target(%dma_start3A_64 : memref<128x64xf32, #tpu.memory_space<vmem>>) offsets(%dma_start3A_67 : memref<128xi32, #tpu.memory_space<vmem>>) semaphore(%arg11 : memref<!tpu.dma_semaphore, #tpu.memory_space<semaphore_mem>>)
      %dma_start3A_71 = arith.constant 6 : i32
      %dma_start3A_72 = arith.constant 768 : i32
      %dma_start3A_73 = arith.constant 0 : i32
      %dma_start3A_74 = tpu.memref_slice %arg9[%dma_start3A_72, %dma_start3A_73] : memref<896x64xf32, #tpu.memory_space<vmem>> -> memref<128x64xf32, #tpu.memory_space<vmem>>
      %dma_start3A_75 = arith.constant 0 : i32
      %dma_start3A_76 = tpu.memref_slice %arg7[%dma_start3A_71, %dma_start3A_75] : memref<7x128xi32, #tpu.memory_space<vmem>> -> memref<1x128xi32, #tpu.memory_space<vmem>>
      %dma_start3A_77 = tpu.memref_squeeze %dma_start3A_76 : memref<1x128xi32, #tpu.memory_space<vmem>> -> memref<128xi32, #tpu.memory_space<vmem>>
      %dma_start3A_78 = arith.constant 0 : i32
      %dma_start3A_79 = arith.constant 0 : i32
      %dma_start3A_80 = tpu.memref_slice %arg2[%dma_start3A_78, %dma_start3A_79] : memref<50000x64xf32, #tpu.memory_space<hbm>> -> memref<50000x64xf32, #tpu.memory_space<hbm>>
      tpu.enqueue_indirect_dma source(%dma_start3A_80 : memref<50000x64xf32, #tpu.memory_space<hbm>>) target(%dma_start3A_74 : memref<128x64xf32, #tpu.memory_space<vmem>>) offsets(%dma_start3A_77 : memref<128xi32, #tpu.memory_space<vmem>>) semaphore(%arg11 : memref<!tpu.dma_semaphore, #tpu.memory_space<semaphore_mem>>)
      %dma_start3A_81 = arith.constant 0 : i32
      %dma_start3A_82 = arith.constant 0 : i32
      %dma_start3A_83 = arith.constant 0 : i32
      %dma_start3A_84 = tpu.memref_slice %arg10[%dma_start3A_82, %dma_start3A_83] : memref<896x64xf32, #tpu.memory_space<vmem>> -> memref<128x64xf32, #tpu.memory_space<vmem>>
      %dma_start3A_85 = arith.constant 0 : i32
      %dma_start3A_86 = tpu.memref_slice %arg8[%dma_start3A_81, %dma_start3A_85] : memref<7x128xi32, #tpu.memory_space<vmem>> -> memref<1x128xi32, #tpu.memory_space<vmem>>
      %dma_start3A_87 = tpu.memref_squeeze %dma_start3A_86 : memref<1x128xi32, #tpu.memory_space<vmem>> -> memref<128xi32, #tpu.memory_space<vmem>>
      %dma_start3A_88 = arith.constant 0 : i32
      %dma_start3A_89 = arith.constant 0 : i32
      %dma_start3A_90 = tpu.memref_slice %arg3[%dma_start3A_88, %dma_start3A_89] : memref<50000x64xf32, #tpu.memory_space<hbm>> -> memref<50000x64xf32, #tpu.memory_space<hbm>>
      tpu.enqueue_indirect_dma source(%dma_start3A_90 : memref<50000x64xf32, #tpu.memory_space<hbm>>) target(%dma_start3A_84 : memref<128x64xf32, #tpu.memory_space<vmem>>) offsets(%dma_start3A_87 : memref<128xi32, #tpu.memory_space<vmem>>) semaphore(%arg12 : memref<!tpu.dma_semaphore, #tpu.memory_space<semaphore_mem>>)
      %dma_start3A_91 = arith.constant 1 : i32
      %dma_start3A_92 = arith.constant 128 : i32
      %dma_start3A_93 = arith.constant 0 : i32
      %dma_start3A_94 = tpu.memref_slice %arg10[%dma_start3A_92, %dma_start3A_93] : memref<896x64xf32, #tpu.memory_space<vmem>> -> memref<128x64xf32, #tpu.memory_space<vmem>>
      %dma_start3A_95 = arith.constant 0 : i32
      %dma_start3A_96 = tpu.memref_slice %arg8[%dma_start3A_91, %dma_start3A_95] : memref<7x128xi32, #tpu.memory_space<vmem>> -> memref<1x128xi32, #tpu.memory_space<vmem>>
      %dma_start3A_97 = tpu.memref_squeeze %dma_start3A_96 : memref<1x128xi32, #tpu.memory_space<vmem>> -> memref<128xi32, #tpu.memory_space<vmem>>
      %dma_start3A_98 = arith.constant 0 : i32
      %dma_start3A_99 = arith.constant 0 : i32
      %dma_start3A_100 = tpu.memref_slice %arg3[%dma_start3A_98, %dma_start3A_99] : memref<50000x64xf32, #tpu.memory_space<hbm>> -> memref<50000x64xf32, #tpu.memory_space<hbm>>
      tpu.enqueue_indirect_dma source(%dma_start3A_100 : memref<50000x64xf32, #tpu.memory_space<hbm>>) target(%dma_start3A_94 : memref<128x64xf32, #tpu.memory_space<vmem>>) offsets(%dma_start3A_97 : memref<128xi32, #tpu.memory_space<vmem>>) semaphore(%arg12 : memref<!tpu.dma_semaphore, #tpu.memory_space<semaphore_mem>>)
      %dma_start3A_101 = arith.constant 2 : i32
      %dma_start3A_102 = arith.constant 256 : i32
      %dma_start3A_103 = arith.constant 0 : i32
      %dma_start3A_104 = tpu.memref_slice %arg10[%dma_start3A_102, %dma_start3A_103] : memref<896x64xf32, #tpu.memory_space<vmem>> -> memref<128x64xf32, #tpu.memory_space<vmem>>
      %dma_start3A_105 = arith.constant 0 : i32
      %dma_start3A_106 = tpu.memref_slice %arg8[%dma_start3A_101, %dma_start3A_105] : memref<7x128xi32, #tpu.memory_space<vmem>> -> memref<1x128xi32, #tpu.memory_space<vmem>>
      %dma_start3A_107 = tpu.memref_squeeze %dma_start3A_106 : memref<1x128xi32, #tpu.memory_space<vmem>> -> memref<128xi32, #tpu.memory_space<vmem>>
      %dma_start3A_108 = arith.constant 0 : i32
      %dma_start3A_109 = arith.constant 0 : i32
      %dma_start3A_110 = tpu.memref_slice %arg3[%dma_start3A_108, %dma_start3A_109] : memref<50000x64xf32, #tpu.memory_space<hbm>> -> memref<50000x64xf32, #tpu.memory_space<hbm>>
      tpu.enqueue_indirect_dma source(%dma_start3A_110 : memref<50000x64xf32, #tpu.memory_space<hbm>>) target(%dma_start3A_104 : memref<128x64xf32, #tpu.memory_space<vmem>>) offsets(%dma_start3A_107 : memref<128xi32, #tpu.memory_space<vmem>>) semaphore(%arg12 : memref<!tpu.dma_semaphore, #tpu.memory_space<semaphore_mem>>)
      %dma_start3A_111 = arith.constant 3 : i32
      %dma_start3A_112 = arith.constant 384 : i32
      %dma_start3A_113 = arith.constant 0 : i32
      %dma_start3A_114 = tpu.memref_slice %arg10[%dma_start3A_112, %dma_start3A_113] : memref<896x64xf32, #tpu.memory_space<vmem>> -> memref<128x64xf32, #tpu.memory_space<vmem>>
      %dma_start3A_115 = arith.constant 0 : i32
      %dma_start3A_116 = tpu.memref_slice %arg8[%dma_start3A_111, %dma_start3A_115] : memref<7x128xi32, #tpu.memory_space<vmem>> -> memref<1x128xi32, #tpu.memory_space<vmem>>
      %dma_start3A_117 = tpu.memref_squeeze %dma_start3A_116 : memref<1x128xi32, #tpu.memory_space<vmem>> -> memref<128xi32, #tpu.memory_space<vmem>>
      %dma_start3A_118 = arith.constant 0 : i32
      %dma_start3A_119 = arith.constant 0 : i32
      %dma_start3A_120 = tpu.memref_slice %arg3[%dma_start3A_118, %dma_start3A_119] : memref<50000x64xf32, #tpu.memory_space<hbm>> -> memref<50000x64xf32, #tpu.memory_space<hbm>>
      tpu.enqueue_indirect_dma source(%dma_start3A_120 : memref<50000x64xf32, #tpu.memory_space<hbm>>) target(%dma_start3A_114 : memref<128x64xf32, #tpu.memory_space<vmem>>) offsets(%dma_start3A_117 : memref<128xi32, #tpu.memory_space<vmem>>) semaphore(%arg12 : memref<!tpu.dma_semaphore, #tpu.memory_space<semaphore_mem>>)
      %dma_start3A_121 = arith.constant 4 : i32
      %dma_start3A_122 = arith.constant 512 : i32
      %dma_start3A_123 = arith.constant 0 : i32
      %dma_start3A_124 = tpu.memref_slice %arg10[%dma_start3A_122, %dma_start3A_123] : memref<896x64xf32, #tpu.memory_space<vmem>> -> memref<128x64xf32, #tpu.memory_space<vmem>>
      %dma_start3A_125 = arith.constant 0 : i32
      %dma_start3A_126 = tpu.memref_slice %arg8[%dma_start3A_121, %dma_start3A_125] : memref<7x128xi32, #tpu.memory_space<vmem>> -> memref<1x128xi32, #tpu.memory_space<vmem>>
      %dma_start3A_127 = tpu.memref_squeeze %dma_start3A_126 : memref<1x128xi32, #tpu.memory_space<vmem>> -> memref<128xi32, #tpu.memory_space<vmem>>
      %dma_start3A_128 = arith.constant 0 : i32
      %dma_start3A_129 = arith.constant 0 : i32
      %dma_start3A_130 = tpu.memref_slice %arg3[%dma_start3A_128, %dma_start3A_129] : memref<50000x64xf32, #tpu.memory_space<hbm>> -> memref<50000x64xf32, #tpu.memory_space<hbm>>
      tpu.enqueue_indirect_dma source(%dma_start3A_130 : memref<50000x64xf32, #tpu.memory_space<hbm>>) target(%dma_start3A_124 : memref<128x64xf32, #tpu.memory_space<vmem>>) offsets(%dma_start3A_127 : memref<128xi32, #tpu.memory_space<vmem>>) semaphore(%arg12 : memref<!tpu.dma_semaphore, #tpu.memory_space<semaphore_mem>>)
      %dma_start3A_131 = arith.constant 5 : i32
      %dma_start3A_132 = arith.constant 640 : i32
      %dma_start3A_133 = arith.constant 0 : i32
      %dma_start3A_134 = tpu.memref_slice %arg10[%dma_start3A_132, %dma_start3A_133] : memref<896x64xf32, #tpu.memory_space<vmem>> -> memref<128x64xf32, #tpu.memory_space<vmem>>
      %dma_start3A_135 = arith.constant 0 : i32
      %dma_start3A_136 = tpu.memref_slice %arg8[%dma_start3A_131, %dma_start3A_135] : memref<7x128xi32, #tpu.memory_space<vmem>> -> memref<1x128xi32, #tpu.memory_space<vmem>>
      %dma_start3A_137 = tpu.memref_squeeze %dma_start3A_136 : memref<1x128xi32, #tpu.memory_space<vmem>> -> memref<128xi32, #tpu.memory_space<vmem>>
      %dma_start3A_138 = arith.constant 0 : i32
      %dma_start3A_139 = arith.constant 0 : i32
      %dma_start3A_140 = tpu.memref_slice %arg3[%dma_start3A_138, %dma_start3A_139] : memref<50000x64xf32, #tpu.memory_space<hbm>> -> memref<50000x64xf32, #tpu.memory_space<hbm>>
      tpu.enqueue_indirect_dma source(%dma_start3A_140 : memref<50000x64xf32, #tpu.memory_space<hbm>>) target(%dma_start3A_134 : memref<128x64xf32, #tpu.memory_space<vmem>>) offsets(%dma_start3A_137 : memref<128xi32, #tpu.memory_space<vmem>>) semaphore(%arg12 : memref<!tpu.dma_semaphore, #tpu.memory_space<semaphore_mem>>)
      %dma_start3A_141 = arith.constant 6 : i32
      %dma_start3A_142 = arith.constant 768 : i32
      %dma_start3A_143 = arith.constant 0 : i32
      %dma_start3A_144 = tpu.memref_slice %arg10[%dma_start3A_142, %dma_start3A_143] : memref<896x64xf32, #tpu.memory_space<vmem>> -> memref<128x64xf32, #tpu.memory_space<vmem>>
      %dma_start3A_145 = arith.constant 0 : i32
      %dma_start3A_146 = tpu.memref_slice %arg8[%dma_start3A_141, %dma_start3A_145] : memref<7x128xi32, #tpu.memory_space<vmem>> -> memref<1x128xi32, #tpu.memory_space<vmem>>
      %dma_start3A_147 = tpu.memref_squeeze %dma_start3A_146 : memref<1x128xi32, #tpu.memory_space<vmem>> -> memref<128xi32, #tpu.memory_space<vmem>>
      %dma_start3A_148 = arith.constant 0 : i32
      %dma_start3A_149 = arith.constant 0 : i32
      %dma_start3A_150 = tpu.memref_slice %arg3[%dma_start3A_148, %dma_start3A_149] : memref<50000x64xf32, #tpu.memory_space<hbm>> -> memref<50000x64xf32, #tpu.memory_space<hbm>>
      tpu.enqueue_indirect_dma source(%dma_start3A_150 : memref<50000x64xf32, #tpu.memory_space<hbm>>) target(%dma_start3A_144 : memref<128x64xf32, #tpu.memory_space<vmem>>) offsets(%dma_start3A_147 : memref<128xi32, #tpu.memory_space<vmem>>) semaphore(%arg12 : memref<!tpu.dma_semaphore, #tpu.memory_space<semaphore_mem>>)
      %dma_wait3A = arith.constant 0 : i32
      %dma_wait3A_151 = arith.constant 0 : i32
      %dma_wait3A_152 = arith.constant 0 : i32
      %dma_wait3A_153 = tpu.memref_slice %arg9[%dma_wait3A_151, %dma_wait3A_152] : memref<896x64xf32, #tpu.memory_space<vmem>> -> memref<128x64xf32, #tpu.memory_space<vmem>>
      %dma_wait3A_154 = arith.constant 0 : i32
      %dma_wait3A_155 = tpu.memref_slice %arg7[%dma_wait3A, %dma_wait3A_154] : memref<7x128xi32, #tpu.memory_space<vmem>> -> memref<1x128xi32, #tpu.memory_space<vmem>>
      %dma_wait3A_156 = tpu.memref_squeeze %dma_wait3A_155 : memref<1x128xi32, #tpu.memory_space<vmem>> -> memref<128xi32, #tpu.memory_space<vmem>>
      %dma_wait3A_157 = arith.constant 0 : i32
      %dma_wait3A_158 = arith.constant 0 : i32
      %dma_wait3A_159 = tpu.memref_slice %arg2[%dma_wait3A_157, %dma_wait3A_158] : memref<50000x64xf32, #tpu.memory_space<hbm>> -> memref<50000x64xf32, #tpu.memory_space<hbm>>
      tpu.wait_indirect_dma semaphore(%arg11 : memref<!tpu.dma_semaphore, #tpu.memory_space<semaphore_mem>>) src(%dma_wait3A_159 : memref<50000x64xf32, #tpu.memory_space<hbm>>) dst(%dma_wait3A_153 : memref<128x64xf32, #tpu.memory_space<vmem>>)
      %dma_wait3A_160 = arith.constant 1 : i32
      %dma_wait3A_161 = arith.constant 128 : i32
      %dma_wait3A_162 = arith.constant 0 : i32
      %dma_wait3A_163 = tpu.memref_slice %arg9[%dma_wait3A_161, %dma_wait3A_162] : memref<896x64xf32, #tpu.memory_space<vmem>> -> memref<128x64xf32, #tpu.memory_space<vmem>>
      %dma_wait3A_164 = arith.constant 0 : i32
      %dma_wait3A_165 = tpu.memref_slice %arg7[%dma_wait3A_160, %dma_wait3A_164] : memref<7x128xi32, #tpu.memory_space<vmem>> -> memref<1x128xi32, #tpu.memory_space<vmem>>
      %dma_wait3A_166 = tpu.memref_squeeze %dma_wait3A_165 : memref<1x128xi32, #tpu.memory_space<vmem>> -> memref<128xi32, #tpu.memory_space<vmem>>
      %dma_wait3A_167 = arith.constant 0 : i32
      %dma_wait3A_168 = arith.constant 0 : i32
      %dma_wait3A_169 = tpu.memref_slice %arg2[%dma_wait3A_167, %dma_wait3A_168] : memref<50000x64xf32, #tpu.memory_space<hbm>> -> memref<50000x64xf32, #tpu.memory_space<hbm>>
      tpu.wait_indirect_dma semaphore(%arg11 : memref<!tpu.dma_semaphore, #tpu.memory_space<semaphore_mem>>) src(%dma_wait3A_169 : memref<50000x64xf32, #tpu.memory_space<hbm>>) dst(%dma_wait3A_163 : memref<128x64xf32, #tpu.memory_space<vmem>>)
      %dma_wait3A_170 = arith.constant 2 : i32
      %dma_wait3A_171 = arith.constant 256 : i32
      %dma_wait3A_172 = arith.constant 0 : i32
      %dma_wait3A_173 = tpu.memref_slice %arg9[%dma_wait3A_171, %dma_wait3A_172] : memref<896x64xf32, #tpu.memory_space<vmem>> -> memref<128x64xf32, #tpu.memory_space<vmem>>
      %dma_wait3A_174 = arith.constant 0 : i32
      %dma_wait3A_175 = tpu.memref_slice %arg7[%dma_wait3A_170, %dma_wait3A_174] : memref<7x128xi32, #tpu.memory_space<vmem>> -> memref<1x128xi32, #tpu.memory_space<vmem>>
      %dma_wait3A_176 = tpu.memref_squeeze %dma_wait3A_175 : memref<1x128xi32, #tpu.memory_space<vmem>> -> memref<128xi32, #tpu.memory_space<vmem>>
      %dma_wait3A_177 = arith.constant 0 : i32
      %dma_wait3A_178 = arith.constant 0 : i32
      %dma_wait3A_179 = tpu.memref_slice %arg2[%dma_wait3A_177, %dma_wait3A_178] : memref<50000x64xf32, #tpu.memory_space<hbm>> -> memref<50000x64xf32, #tpu.memory_space<hbm>>
      tpu.wait_indirect_dma semaphore(%arg11 : memref<!tpu.dma_semaphore, #tpu.memory_space<semaphore_mem>>) src(%dma_wait3A_179 : memref<50000x64xf32, #tpu.memory_space<hbm>>) dst(%dma_wait3A_173 : memref<128x64xf32, #tpu.memory_space<vmem>>)
      %dma_wait3A_180 = arith.constant 3 : i32
      %dma_wait3A_181 = arith.constant 384 : i32
      %dma_wait3A_182 = arith.constant 0 : i32
      %dma_wait3A_183 = tpu.memref_slice %arg9[%dma_wait3A_181, %dma_wait3A_182] : memref<896x64xf32, #tpu.memory_space<vmem>> -> memref<128x64xf32, #tpu.memory_space<vmem>>
      %dma_wait3A_184 = arith.constant 0 : i32
      %dma_wait3A_185 = tpu.memref_slice %arg7[%dma_wait3A_180, %dma_wait3A_184] : memref<7x128xi32, #tpu.memory_space<vmem>> -> memref<1x128xi32, #tpu.memory_space<vmem>>
      %dma_wait3A_186 = tpu.memref_squeeze %dma_wait3A_185 : memref<1x128xi32, #tpu.memory_space<vmem>> -> memref<128xi32, #tpu.memory_space<vmem>>
      %dma_wait3A_187 = arith.constant 0 : i32
      %dma_wait3A_188 = arith.constant 0 : i32
      %dma_wait3A_189 = tpu.memref_slice %arg2[%dma_wait3A_187, %dma_wait3A_188] : memref<50000x64xf32, #tpu.memory_space<hbm>> -> memref<50000x64xf32, #tpu.memory_space<hbm>>
      tpu.wait_indirect_dma semaphore(%arg11 : memref<!tpu.dma_semaphore, #tpu.memory_space<semaphore_mem>>) src(%dma_wait3A_189 : memref<50000x64xf32, #tpu.memory_space<hbm>>) dst(%dma_wait3A_183 : memref<128x64xf32, #tpu.memory_space<vmem>>)
      %dma_wait3A_190 = arith.constant 4 : i32
      %dma_wait3A_191 = arith.constant 512 : i32
      %dma_wait3A_192 = arith.constant 0 : i32
      %dma_wait3A_193 = tpu.memref_slice %arg9[%dma_wait3A_191, %dma_wait3A_192] : memref<896x64xf32, #tpu.memory_space<vmem>> -> memref<128x64xf32, #tpu.memory_space<vmem>>
      %dma_wait3A_194 = arith.constant 0 : i32
      %dma_wait3A_195 = tpu.memref_slice %arg7[%dma_wait3A_190, %dma_wait3A_194] : memref<7x128xi32, #tpu.memory_space<vmem>> -> memref<1x128xi32, #tpu.memory_space<vmem>>
      %dma_wait3A_196 = tpu.memref_squeeze %dma_wait3A_195 : memref<1x128xi32, #tpu.memory_space<vmem>> -> memref<128xi32, #tpu.memory_space<vmem>>
      %dma_wait3A_197 = arith.constant 0 : i32
      %dma_wait3A_198 = arith.constant 0 : i32
      %dma_wait3A_199 = tpu.memref_slice %arg2[%dma_wait3A_197, %dma_wait3A_198] : memref<50000x64xf32, #tpu.memory_space<hbm>> -> memref<50000x64xf32, #tpu.memory_space<hbm>>
      tpu.wait_indirect_dma semaphore(%arg11 : memref<!tpu.dma_semaphore, #tpu.memory_space<semaphore_mem>>) src(%dma_wait3A_199 : memref<50000x64xf32, #tpu.memory_space<hbm>>) dst(%dma_wait3A_193 : memref<128x64xf32, #tpu.memory_space<vmem>>)
      %dma_wait3A_200 = arith.constant 5 : i32
      %dma_wait3A_201 = arith.constant 640 : i32
      %dma_wait3A_202 = arith.constant 0 : i32
      %dma_wait3A_203 = tpu.memref_slice %arg9[%dma_wait3A_201, %dma_wait3A_202] : memref<896x64xf32, #tpu.memory_space<vmem>> -> memref<128x64xf32, #tpu.memory_space<vmem>>
      %dma_wait3A_204 = arith.constant 0 : i32
      %dma_wait3A_205 = tpu.memref_slice %arg7[%dma_wait3A_200, %dma_wait3A_204] : memref<7x128xi32, #tpu.memory_space<vmem>> -> memref<1x128xi32, #tpu.memory_space<vmem>>
      %dma_wait3A_206 = tpu.memref_squeeze %dma_wait3A_205 : memref<1x128xi32, #tpu.memory_space<vmem>> -> memref<128xi32, #tpu.memory_space<vmem>>
      %dma_wait3A_207 = arith.constant 0 : i32
      %dma_wait3A_208 = arith.constant 0 : i32
      %dma_wait3A_209 = tpu.memref_slice %arg2[%dma_wait3A_207, %dma_wait3A_208] : memref<50000x64xf32, #tpu.memory_space<hbm>> -> memref<50000x64xf32, #tpu.memory_space<hbm>>
      tpu.wait_indirect_dma semaphore(%arg11 : memref<!tpu.dma_semaphore, #tpu.memory_space<semaphore_mem>>) src(%dma_wait3A_209 : memref<50000x64xf32, #tpu.memory_space<hbm>>) dst(%dma_wait3A_203 : memref<128x64xf32, #tpu.memory_space<vmem>>)
      %dma_wait3A_210 = arith.constant 6 : i32
      %dma_wait3A_211 = arith.constant 768 : i32
      %dma_wait3A_212 = arith.constant 0 : i32
      %dma_wait3A_213 = tpu.memref_slice %arg9[%dma_wait3A_211, %dma_wait3A_212] : memref<896x64xf32, #tpu.memory_space<vmem>> -> memref<128x64xf32, #tpu.memory_space<vmem>>
      %dma_wait3A_214 = arith.constant 0 : i32
      %dma_wait3A_215 = tpu.memref_slice %arg7[%dma_wait3A_210, %dma_wait3A_214] : memref<7x128xi32, #tpu.memory_space<vmem>> -> memref<1x128xi32, #tpu.memory_space<vmem>>
      %dma_wait3A_216 = tpu.memref_squeeze %dma_wait3A_215 : memref<1x128xi32, #tpu.memory_space<vmem>> -> memref<128xi32, #tpu.memory_space<vmem>>
      %dma_wait3A_217 = arith.constant 0 : i32
      %dma_wait3A_218 = arith.constant 0 : i32
      %dma_wait3A_219 = tpu.memref_slice %arg2[%dma_wait3A_217, %dma_wait3A_218] : memref<50000x64xf32, #tpu.memory_space<hbm>> -> memref<50000x64xf32, #tpu.memory_space<hbm>>
      tpu.wait_indirect_dma semaphore(%arg11 : memref<!tpu.dma_semaphore, #tpu.memory_space<semaphore_mem>>) src(%dma_wait3A_219 : memref<50000x64xf32, #tpu.memory_space<hbm>>) dst(%dma_wait3A_213 : memref<128x64xf32, #tpu.memory_space<vmem>>)
      %dma_wait3A_220 = arith.constant 0 : i32
      %dma_wait3A_221 = arith.constant 0 : i32
      %dma_wait3A_222 = arith.constant 0 : i32
      %dma_wait3A_223 = tpu.memref_slice %arg10[%dma_wait3A_221, %dma_wait3A_222] : memref<896x64xf32, #tpu.memory_space<vmem>> -> memref<128x64xf32, #tpu.memory_space<vmem>>
      %dma_wait3A_224 = arith.constant 0 : i32
      %dma_wait3A_225 = tpu.memref_slice %arg8[%dma_wait3A_220, %dma_wait3A_224] : memref<7x128xi32, #tpu.memory_space<vmem>> -> memref<1x128xi32, #tpu.memory_space<vmem>>
      %dma_wait3A_226 = tpu.memref_squeeze %dma_wait3A_225 : memref<1x128xi32, #tpu.memory_space<vmem>> -> memref<128xi32, #tpu.memory_space<vmem>>
      %dma_wait3A_227 = arith.constant 0 : i32
      %dma_wait3A_228 = arith.constant 0 : i32
      %dma_wait3A_229 = tpu.memref_slice %arg3[%dma_wait3A_227, %dma_wait3A_228] : memref<50000x64xf32, #tpu.memory_space<hbm>> -> memref<50000x64xf32, #tpu.memory_space<hbm>>
      tpu.wait_indirect_dma semaphore(%arg12 : memref<!tpu.dma_semaphore, #tpu.memory_space<semaphore_mem>>) src(%dma_wait3A_229 : memref<50000x64xf32, #tpu.memory_space<hbm>>) dst(%dma_wait3A_223 : memref<128x64xf32, #tpu.memory_space<vmem>>)
      %dma_wait3A_230 = arith.constant 1 : i32
      %dma_wait3A_231 = arith.constant 128 : i32
      %dma_wait3A_232 = arith.constant 0 : i32
      %dma_wait3A_233 = tpu.memref_slice %arg10[%dma_wait3A_231, %dma_wait3A_232] : memref<896x64xf32, #tpu.memory_space<vmem>> -> memref<128x64xf32, #tpu.memory_space<vmem>>
      %dma_wait3A_234 = arith.constant 0 : i32
      %dma_wait3A_235 = tpu.memref_slice %arg8[%dma_wait3A_230, %dma_wait3A_234] : memref<7x128xi32, #tpu.memory_space<vmem>> -> memref<1x128xi32, #tpu.memory_space<vmem>>
      %dma_wait3A_236 = tpu.memref_squeeze %dma_wait3A_235 : memref<1x128xi32, #tpu.memory_space<vmem>> -> memref<128xi32, #tpu.memory_space<vmem>>
      %dma_wait3A_237 = arith.constant 0 : i32
      %dma_wait3A_238 = arith.constant 0 : i32
      %dma_wait3A_239 = tpu.memref_slice %arg3[%dma_wait3A_237, %dma_wait3A_238] : memref<50000x64xf32, #tpu.memory_space<hbm>> -> memref<50000x64xf32, #tpu.memory_space<hbm>>
      tpu.wait_indirect_dma semaphore(%arg12 : memref<!tpu.dma_semaphore, #tpu.memory_space<semaphore_mem>>) src(%dma_wait3A_239 : memref<50000x64xf32, #tpu.memory_space<hbm>>) dst(%dma_wait3A_233 : memref<128x64xf32, #tpu.memory_space<vmem>>)
      %dma_wait3A_240 = arith.constant 2 : i32
      %dma_wait3A_241 = arith.constant 256 : i32
      %dma_wait3A_242 = arith.constant 0 : i32
      %dma_wait3A_243 = tpu.memref_slice %arg10[%dma_wait3A_241, %dma_wait3A_242] : memref<896x64xf32, #tpu.memory_space<vmem>> -> memref<128x64xf32, #tpu.memory_space<vmem>>
      %dma_wait3A_244 = arith.constant 0 : i32
      %dma_wait3A_245 = tpu.memref_slice %arg8[%dma_wait3A_240, %dma_wait3A_244] : memref<7x128xi32, #tpu.memory_space<vmem>> -> memref<1x128xi32, #tpu.memory_space<vmem>>
      %dma_wait3A_246 = tpu.memref_squeeze %dma_wait3A_245 : memref<1x128xi32, #tpu.memory_space<vmem>> -> memref<128xi32, #tpu.memory_space<vmem>>
      %dma_wait3A_247 = arith.constant 0 : i32
      %dma_wait3A_248 = arith.constant 0 : i32
      %dma_wait3A_249 = tpu.memref_slice %arg3[%dma_wait3A_247, %dma_wait3A_248] : memref<50000x64xf32, #tpu.memory_space<hbm>> -> memref<50000x64xf32, #tpu.memory_space<hbm>>
      tpu.wait_indirect_dma semaphore(%arg12 : memref<!tpu.dma_semaphore, #tpu.memory_space<semaphore_mem>>) src(%dma_wait3A_249 : memref<50000x64xf32, #tpu.memory_space<hbm>>) dst(%dma_wait3A_243 : memref<128x64xf32, #tpu.memory_space<vmem>>)
      %dma_wait3A_250 = arith.constant 3 : i32
      %dma_wait3A_251 = arith.constant 384 : i32
      %dma_wait3A_252 = arith.constant 0 : i32
      %dma_wait3A_253 = tpu.memref_slice %arg10[%dma_wait3A_251, %dma_wait3A_252] : memref<896x64xf32, #tpu.memory_space<vmem>> -> memref<128x64xf32, #tpu.memory_space<vmem>>
      %dma_wait3A_254 = arith.constant 0 : i32
      %dma_wait3A_255 = tpu.memref_slice %arg8[%dma_wait3A_250, %dma_wait3A_254] : memref<7x128xi32, #tpu.memory_space<vmem>> -> memref<1x128xi32, #tpu.memory_space<vmem>>
      %dma_wait3A_256 = tpu.memref_squeeze %dma_wait3A_255 : memref<1x128xi32, #tpu.memory_space<vmem>> -> memref<128xi32, #tpu.memory_space<vmem>>
      %dma_wait3A_257 = arith.constant 0 : i32
      %dma_wait3A_258 = arith.constant 0 : i32
      %dma_wait3A_259 = tpu.memref_slice %arg3[%dma_wait3A_257, %dma_wait3A_258] : memref<50000x64xf32, #tpu.memory_space<hbm>> -> memref<50000x64xf32, #tpu.memory_space<hbm>>
      tpu.wait_indirect_dma semaphore(%arg12 : memref<!tpu.dma_semaphore, #tpu.memory_space<semaphore_mem>>) src(%dma_wait3A_259 : memref<50000x64xf32, #tpu.memory_space<hbm>>) dst(%dma_wait3A_253 : memref<128x64xf32, #tpu.memory_space<vmem>>)
      %dma_wait3A_260 = arith.constant 4 : i32
      %dma_wait3A_261 = arith.constant 512 : i32
      %dma_wait3A_262 = arith.constant 0 : i32
      %dma_wait3A_263 = tpu.memref_slice %arg10[%dma_wait3A_261, %dma_wait3A_262] : memref<896x64xf32, #tpu.memory_space<vmem>> -> memref<128x64xf32, #tpu.memory_space<vmem>>
      %dma_wait3A_264 = arith.constant 0 : i32
      %dma_wait3A_265 = tpu.memref_slice %arg8[%dma_wait3A_260, %dma_wait3A_264] : memref<7x128xi32, #tpu.memory_space<vmem>> -> memref<1x128xi32, #tpu.memory_space<vmem>>
      %dma_wait3A_266 = tpu.memref_squeeze %dma_wait3A_265 : memref<1x128xi32, #tpu.memory_space<vmem>> -> memref<128xi32, #tpu.memory_space<vmem>>
      %dma_wait3A_267 = arith.constant 0 : i32
      %dma_wait3A_268 = arith.constant 0 : i32
      %dma_wait3A_269 = tpu.memref_slice %arg3[%dma_wait3A_267, %dma_wait3A_268] : memref<50000x64xf32, #tpu.memory_space<hbm>> -> memref<50000x64xf32, #tpu.memory_space<hbm>>
      tpu.wait_indirect_dma semaphore(%arg12 : memref<!tpu.dma_semaphore, #tpu.memory_space<semaphore_mem>>) src(%dma_wait3A_269 : memref<50000x64xf32, #tpu.memory_space<hbm>>) dst(%dma_wait3A_263 : memref<128x64xf32, #tpu.memory_space<vmem>>)
      %dma_wait3A_270 = arith.constant 5 : i32
      %dma_wait3A_271 = arith.constant 640 : i32
      %dma_wait3A_272 = arith.constant 0 : i32
      %dma_wait3A_273 = tpu.memref_slice %arg10[%dma_wait3A_271, %dma_wait3A_272] : memref<896x64xf32, #tpu.memory_space<vmem>> -> memref<128x64xf32, #tpu.memory_space<vmem>>
      %dma_wait3A_274 = arith.constant 0 : i32
      %dma_wait3A_275 = tpu.memref_slice %arg8[%dma_wait3A_270, %dma_wait3A_274] : memref<7x128xi32, #tpu.memory_space<vmem>> -> memref<1x128xi32, #tpu.memory_space<vmem>>
      %dma_wait3A_276 = tpu.memref_squeeze %dma_wait3A_275 : memref<1x128xi32, #tpu.memory_space<vmem>> -> memref<128xi32, #tpu.memory_space<vmem>>
      %dma_wait3A_277 = arith.constant 0 : i32
      %dma_wait3A_278 = arith.constant 0 : i32
      %dma_wait3A_279 = tpu.memref_slice %arg3[%dma_wait3A_277, %dma_wait3A_278] : memref<50000x64xf32, #tpu.memory_space<hbm>> -> memref<50000x64xf32, #tpu.memory_space<hbm>>
      tpu.wait_indirect_dma semaphore(%arg12 : memref<!tpu.dma_semaphore, #tpu.memory_space<semaphore_mem>>) src(%dma_wait3A_279 : memref<50000x64xf32, #tpu.memory_space<hbm>>) dst(%dma_wait3A_273 : memref<128x64xf32, #tpu.memory_space<vmem>>)
      %dma_wait3A_280 = arith.constant 6 : i32
      %dma_wait3A_281 = arith.constant 768 : i32
      %dma_wait3A_282 = arith.constant 0 : i32
      %dma_wait3A_283 = tpu.memref_slice %arg10[%dma_wait3A_281, %dma_wait3A_282] : memref<896x64xf32, #tpu.memory_space<vmem>> -> memref<128x64xf32, #tpu.memory_space<vmem>>
      %dma_wait3A_284 = arith.constant 0 : i32
      %dma_wait3A_285 = tpu.memref_slice %arg8[%dma_wait3A_280, %dma_wait3A_284] : memref<7x128xi32, #tpu.memory_space<vmem>> -> memref<1x128xi32, #tpu.memory_space<vmem>>
      %dma_wait3A_286 = tpu.memref_squeeze %dma_wait3A_285 : memref<1x128xi32, #tpu.memory_space<vmem>> -> memref<128xi32, #tpu.memory_space<vmem>>
      %dma_wait3A_287 = arith.constant 0 : i32
      %dma_wait3A_288 = arith.constant 0 : i32
      %dma_wait3A_289 = tpu.memref_slice %arg3[%dma_wait3A_287, %dma_wait3A_288] : memref<50000x64xf32, #tpu.memory_space<hbm>> -> memref<50000x64xf32, #tpu.memory_space<hbm>>
      tpu.wait_indirect_dma semaphore(%arg12 : memref<!tpu.dma_semaphore, #tpu.memory_space<semaphore_mem>>) src(%dma_wait3A_289 : memref<50000x64xf32, #tpu.memory_space<hbm>>) dst(%dma_wait3A_283 : memref<128x64xf32, #tpu.memory_space<vmem>>)
      %mul3A_290 = arith.constant 128 : i32
      %mul3A_291 = arith.muli %add3A_11, %mul3A_290 : i32
      "tpu.region"() ({
        %run_scoped3A = tpu.sem_alloc : memref<!tpu.dma_semaphore, #tpu.memory_space<semaphore_mem>>
        %dma_start3A_294 = arith.constant 0 : i32
        %dma_start3A_295 = tpu.memref_slice %arg6[%mul3A_291, %dma_start3A_294] : memref<802816x128xf32, #tpu.memory_space<hbm>> -> memref<896x64xf32, #tpu.memory_space<hbm>>
        %dma_start3A_296 = arith.constant 0 : i32
        %dma_start3A_297 = tpu.memref_slice %arg6[%mul3A_291, %dma_start3A_296] : memref<802816x128xf32, #tpu.memory_space<hbm>> -> memref<896x64xf32, #tpu.memory_space<hbm>>
        tpu.enqueue_dma source(%arg9 : memref<896x64xf32, #tpu.memory_space<vmem>>) target(%dma_start3A_297 : memref<896x64xf32, #tpu.memory_space<hbm>>) target_semaphore(%run_scoped3A : memref<!tpu.dma_semaphore, #tpu.memory_space<semaphore_mem>>)
        %dma_wait3A_298 = arith.constant 0 : i32
        %dma_wait3A_299 = tpu.memref_slice %arg6[%mul3A_291, %dma_wait3A_298] : memref<802816x128xf32, #tpu.memory_space<hbm>> -> memref<896x64xf32, #tpu.memory_space<hbm>>
        %dma_wait3A_300 = arith.constant 0 : i32
        %dma_wait3A_301 = tpu.memref_slice %arg6[%mul3A_291, %dma_wait3A_300] : memref<802816x128xf32, #tpu.memory_space<hbm>> -> memref<896x64xf32, #tpu.memory_space<hbm>>
        tpu.wait_dma2 semaphore(%run_scoped3A : memref<!tpu.dma_semaphore, #tpu.memory_space<semaphore_mem>>) src(%arg9 : memref<896x64xf32, #tpu.memory_space<vmem>>) dst(%dma_wait3A_301 : memref<896x64xf32, #tpu.memory_space<hbm>>)
        tpu.yield
      }) : () -> ()
      %mul3A_292 = arith.constant 128 : i32
      %mul3A_293 = arith.muli %add3A_11, %mul3A_292 : i32
      "tpu.region"() ({
        %run_scoped3A = tpu.sem_alloc : memref<!tpu.dma_semaphore, #tpu.memory_space<semaphore_mem>>
        %dma_start3A_294 = arith.constant 64 : i32
        %dma_start3A_295 = tpu.memref_slice %arg6[%mul3A_293, %dma_start3A_294] : memref<802816x128xf32, #tpu.memory_space<hbm>> -> memref<896x64xf32, #tpu.memory_space<hbm>>
        %dma_start3A_296 = arith.constant 64 : i32
        %dma_start3A_297 = tpu.memref_slice %arg6[%mul3A_293, %dma_start3A_296] : memref<802816x128xf32, #tpu.memory_space<hbm>> -> memref<896x64xf32, #tpu.memory_space<hbm>>
        tpu.enqueue_dma source(%arg10 : memref<896x64xf32, #tpu.memory_space<vmem>>) target(%dma_start3A_297 : memref<896x64xf32, #tpu.memory_space<hbm>>) target_semaphore(%run_scoped3A : memref<!tpu.dma_semaphore, #tpu.memory_space<semaphore_mem>>)
        %dma_wait3A_298 = arith.constant 64 : i32
        %dma_wait3A_299 = tpu.memref_slice %arg6[%mul3A_293, %dma_wait3A_298] : memref<802816x128xf32, #tpu.memory_space<hbm>> -> memref<896x64xf32, #tpu.memory_space<hbm>>
        %dma_wait3A_300 = arith.constant 64 : i32
        %dma_wait3A_301 = tpu.memref_slice %arg6[%mul3A_293, %dma_wait3A_300] : memref<802816x128xf32, #tpu.memory_space<hbm>> -> memref<896x64xf32, #tpu.memory_space<hbm>>
        tpu.wait_dma2 semaphore(%run_scoped3A : memref<!tpu.dma_semaphore, #tpu.memory_space<semaphore_mem>>) src(%arg10 : memref<896x64xf32, #tpu.memory_space<vmem>>) dst(%dma_wait3A_301 : memref<896x64xf32, #tpu.memory_space<hbm>>)
        tpu.yield
      }) : () -> ()
    }
    %scan3A_5 = arith.constant 28 : i32
    return
  }
}

#map = affine_map<(d0, d1) -> (0, 0)>
module attributes {stable_mosaic.version = 14 : i64} {
  func.func @k(%arg0: i32, %arg1: i32, %arg2: memref<200704x128xf32, #tpu.memory_space<hbm>>, %arg3: memref<6272x128xi32, #tpu.memory_space<hbm>>, %arg4: memref<3128x32xf32, #tpu.memory_space<hbm>>, %arg5: memref<100096x32xf32, #tpu.memory_space<hbm>>, %arg6: memref<4x128xi32, #tpu.memory_space<vmem>>, %arg7: memref<512x32xf32, #tpu.memory_space<vmem>>, %arg8: memref<50048x32xf32, #tpu.memory_space<vmem_shared>>) attributes {dimension_semantics = [#tpu.dimension_semantics<core_parallel>, #tpu.dimension_semantics<subcore_parallel>], iteration_bounds = array<i64: 2, 16>, scalar_prefetch = 0 : i64, scratch_operands = 3 : i64, tpu.core_type = #tpu.core_type<sc_vector_subcore>, window_params = [{transform_indices = #map}, {transform_indices = #map}, {transform_indices = #map}, {transform_indices = #map}]} {
    %mul3A = arith.constant 3128 : i32
    %mul3A_0 = arith.muli %arg1, %mul3A : i32
    "tpu.region"() ({
      %run_scoped3A = tpu.sem_alloc : memref<!tpu.dma_semaphore, #tpu.memory_space<semaphore_mem>>
      %dma_start3A = arith.constant 0 : i32
      %dma_start3A_13 = tpu.memref_slice %arg8[%mul3A_0, %dma_start3A] : memref<50048x32xf32, #tpu.memory_space<vmem_shared>> -> memref<3128x32xf32, #tpu.memory_space<vmem_shared>>
      tpu.enqueue_dma source(%arg4 : memref<3128x32xf32, #tpu.memory_space<hbm>>) target(%dma_start3A_13 : memref<3128x32xf32, #tpu.memory_space<vmem_shared>>) target_semaphore(%run_scoped3A : memref<!tpu.dma_semaphore, #tpu.memory_space<semaphore_mem>>)
      %dma_wait3A = arith.constant 0 : i32
      %dma_wait3A_14 = tpu.memref_slice %arg8[%mul3A_0, %dma_wait3A] : memref<50048x32xf32, #tpu.memory_space<vmem_shared>> -> memref<3128x32xf32, #tpu.memory_space<vmem_shared>>
      tpu.wait_dma2 semaphore(%run_scoped3A : memref<!tpu.dma_semaphore, #tpu.memory_space<semaphore_mem>>) src(%arg4 : memref<3128x32xf32, #tpu.memory_space<hbm>>) dst(%dma_wait3A_14 : memref<3128x32xf32, #tpu.memory_space<vmem_shared>>)
      tpu.yield
    }) : () -> ()
    %barrier3A = arith.constant 0 : index
    tpu.barrier barrier_id(%barrier3A)
    %scan3A = arith.constant 0 : i32
    %scan3A_1 = arith.constant 0 : i32
    %scan3A_2 = arith.constant 49 : i32
    %scan3A_3 = arith.addi %scan3A_1, %scan3A_2 : i32
    %scan3A_4 = arith.constant 1 : i32
    scf.for %scan3A_13 = %scan3A_1 to %scan3A_3 step %scan3A_4  : i32 {
      %mul3A_14 = arith.constant 3136 : i32
      %mul3A_15 = arith.muli %arg0, %mul3A_14 : i32
      %mul3A_16 = arith.constant 196 : i32
      %mul3A_17 = arith.muli %arg1, %mul3A_16 : i32
      %add3A_18 = arith.addi %mul3A_15, %mul3A_17 : i32
      %mul3A_19 = arith.constant 4 : i32
      %mul3A_20 = arith.muli %scan3A_13, %mul3A_19 : i32
      %add3A_21 = arith.addi %add3A_18, %mul3A_20 : i32
      %jit3A = arith.constant 16 : i32
      %div3A = arith.divsi %add3A_21, %jit3A : i32
      %sign3A = arith.constant 0 : i32
      %sign3A_22 = arith.cmpi sgt, %add3A_21, %sign3A : i32
      %sign3A_23 = arith.extui %sign3A_22 : i1 to i32
      %sign3A_24 = arith.constant 0 : i32
      %sign3A_25 = arith.cmpi slt, %add3A_21, %sign3A_24 : i32
      %sign3A_26 = arith.extui %sign3A_25 : i1 to i32
      %sign3A_27 = arith.subi %sign3A_23, %sign3A_26 : i32
      %sign3A_28 = arith.constant 0 : i32
      %sign3A_29 = arith.cmpi sgt, %jit3A, %sign3A_28 : i32
      %sign3A_30 = arith.extui %sign3A_29 : i1 to i32
      %sign3A_31 = arith.constant 0 : i32
      %sign3A_32 = arith.cmpi slt, %jit3A, %sign3A_31 : i32
      %sign3A_33 = arith.extui %sign3A_32 : i1 to i32
      %sign3A_34 = arith.subi %sign3A_30, %sign3A_33 : i32
      %ne3A = arith.cmpi ne, %sign3A_27, %sign3A_34 : i32
      %rem3A = arith.remsi %add3A_21, %jit3A : i32
      %ne3A_35 = arith.constant 0 : i32
      %ne3A_36 = arith.cmpi ne, %rem3A, %ne3A_35 : i32
      %and3A = arith.andi %ne3A, %ne3A_36 : i1
      %sub3A = arith.constant 1 : i32
      %sub3A_37 = arith.subi %div3A, %sub3A : i32
      %select_n3A = arith.select %and3A, %sub3A_37, %div3A : i32
      %jit3A_38 = arith.constant 16 : i32
      %eq3A = arith.constant 0 : i32
      %eq3A_39 = arith.cmpi eq, %jit3A_38, %eq3A : i32
      %jit3A_40 = arith.constant 1 : i32
      %select_n3A_41 = arith.select %eq3A_39, %jit3A_40, %jit3A_38 : i32
      %rem3A_42 = arith.remsi %add3A_21, %select_n3A_41 : i32
      %ne3A_43 = arith.constant 0 : i32
      %ne3A_44 = arith.cmpi ne, %rem3A_42, %ne3A_43 : i32
      %lt3A = arith.constant 0 : i32
      %lt3A_45 = arith.cmpi slt, %rem3A_42, %lt3A : i32
      %lt3A_46 = arith.constant 0 : i32
      %lt3A_47 = arith.cmpi slt, %select_n3A_41, %lt3A_46 : i32
      %ne3A_48 = arith.xori %lt3A_45, %lt3A_47 : i1
      %and3A_49 = arith.andi %ne3A_48, %ne3A_44 : i1
      %add3A_50 = arith.addi %rem3A_42, %select_n3A_41 : i32
      %select_n3A_51 = arith.select %and3A_49, %add3A_50, %rem3A_42 : i32
      %jit3A_52 = arith.constant 4 : i32
      %div3A_53 = arith.divsi %select_n3A_51, %jit3A_52 : i32
      %sign3A_54 = arith.constant 0 : i32
      %sign3A_55 = arith.cmpi sgt, %select_n3A_51, %sign3A_54 : i32
      %sign3A_56 = arith.extui %sign3A_55 : i1 to i32
      %sign3A_57 = arith.constant 0 : i32
      %sign3A_58 = arith.cmpi slt, %select_n3A_51, %sign3A_57 : i32
      %sign3A_59 = arith.extui %sign3A_58 : i1 to i32
      %sign3A_60 = arith.subi %sign3A_56, %sign3A_59 : i32
      %sign3A_61 = arith.constant 0 : i32
      %sign3A_62 = arith.cmpi sgt, %jit3A_52, %sign3A_61 : i32
      %sign3A_63 = arith.extui %sign3A_62 : i1 to i32
      %sign3A_64 = arith.constant 0 : i32
      %sign3A_65 = arith.cmpi slt, %jit3A_52, %sign3A_64 : i32
      %sign3A_66 = arith.extui %sign3A_65 : i1 to i32
      %sign3A_67 = arith.subi %sign3A_63, %sign3A_66 : i32
      %ne3A_68 = arith.cmpi ne, %sign3A_60, %sign3A_67 : i32
      %rem3A_69 = arith.remsi %select_n3A_51, %jit3A_52 : i32
      %ne3A_70 = arith.constant 0 : i32
      %ne3A_71 = arith.cmpi ne, %rem3A_69, %ne3A_70 : i32
      %and3A_72 = arith.andi %ne3A_68, %ne3A_71 : i1
      %sub3A_73 = arith.constant 1 : i32
      %sub3A_74 = arith.subi %div3A_53, %sub3A_73 : i32
      %select_n3A_75 = arith.select %and3A_72, %sub3A_74, %div3A_53 : i32
      "tpu.region"() ({
        %run_scoped3A_83 = tpu.sem_alloc : memref<!tpu.dma_semaphore, #tpu.memory_space<semaphore_mem>>
        %dma_start3A = arith.constant 0 : i32
        %dma_start3A_84 = tpu.memref_slice %arg3[%add3A_21, %dma_start3A] : memref<6272x128xi32, #tpu.memory_space<hbm>> -> memref<4x128xi32, #tpu.memory_space<hbm>>
        %dma_start3A_85 = arith.constant 0 : i32
        %dma_start3A_86 = tpu.memref_slice %arg3[%add3A_21, %dma_start3A_85] : memref<6272x128xi32, #tpu.memory_space<hbm>> -> memref<4x128xi32, #tpu.memory_space<hbm>>
        tpu.enqueue_dma source(%dma_start3A_86 : memref<4x128xi32, #tpu.memory_space<hbm>>) target(%arg6 : memref<4x128xi32, #tpu.memory_space<vmem>>) target_semaphore(%run_scoped3A_83 : memref<!tpu.dma_semaphore, #tpu.memory_space<semaphore_mem>>)
        %dma_wait3A = arith.constant 0 : i32
        %dma_wait3A_87 = tpu.memref_slice %arg3[%add3A_21, %dma_wait3A] : memref<6272x128xi32, #tpu.memory_space<hbm>> -> memref<4x128xi32, #tpu.memory_space<hbm>>
        %dma_wait3A_88 = arith.constant 0 : i32
        %dma_wait3A_89 = tpu.memref_slice %arg3[%add3A_21, %dma_wait3A_88] : memref<6272x128xi32, #tpu.memory_space<hbm>> -> memref<4x128xi32, #tpu.memory_space<hbm>>
        tpu.wait_dma2 semaphore(%run_scoped3A_83 : memref<!tpu.dma_semaphore, #tpu.memory_space<semaphore_mem>>) src(%dma_wait3A_89 : memref<4x128xi32, #tpu.memory_space<hbm>>) dst(%arg6 : memref<4x128xi32, #tpu.memory_space<vmem>>)
        tpu.yield
      }) : () -> ()
      %mul3A_76 = arith.constant 512 : i32
      %mul3A_77 = arith.muli %select_n3A, %mul3A_76 : i32
      %mul3A_78 = arith.constant 32 : i32
      %mul3A_79 = arith.muli %select_n3A_75, %mul3A_78 : i32
      "tpu.region"() ({
        %run_scoped3A_83 = tpu.sem_alloc : memref<!tpu.dma_semaphore, #tpu.memory_space<semaphore_mem>>
        %dma_start3A = tpu.memref_slice %arg2[%mul3A_77, %mul3A_79] : memref<200704x128xf32, #tpu.memory_space<hbm>> -> memref<512x32xf32, #tpu.memory_space<hbm>>
        %dma_start3A_84 = tpu.memref_slice %arg2[%mul3A_77, %mul3A_79] : memref<200704x128xf32, #tpu.memory_space<hbm>> -> memref<512x32xf32, #tpu.memory_space<hbm>>
        tpu.enqueue_dma source(%dma_start3A_84 : memref<512x32xf32, #tpu.memory_space<hbm>>) target(%arg7 : memref<512x32xf32, #tpu.memory_space<vmem>>) target_semaphore(%run_scoped3A_83 : memref<!tpu.dma_semaphore, #tpu.memory_space<semaphore_mem>>)
        %dma_wait3A = tpu.memref_slice %arg2[%mul3A_77, %mul3A_79] : memref<200704x128xf32, #tpu.memory_space<hbm>> -> memref<512x32xf32, #tpu.memory_space<hbm>>
        %dma_wait3A_85 = tpu.memref_slice %arg2[%mul3A_77, %mul3A_79] : memref<200704x128xf32, #tpu.memory_space<hbm>> -> memref<512x32xf32, #tpu.memory_space<hbm>>
        tpu.wait_dma2 semaphore(%run_scoped3A_83 : memref<!tpu.dma_semaphore, #tpu.memory_space<semaphore_mem>>) src(%dma_wait3A_85 : memref<512x32xf32, #tpu.memory_space<hbm>>) dst(%arg7 : memref<512x32xf32, #tpu.memory_space<vmem>>)
        tpu.yield
      }) : () -> ()
      %run_scoped3A = arith.constant 0 : i32
      "tpu.region"() ({
        %run_scoped3A_83 = tpu.sem_alloc : memref<!tpu.dma_semaphore, #tpu.memory_space<semaphore_mem>>
        %dma_start3A = arith.constant 0 : i32
        %dma_start3A_84 = arith.constant 0 : i32
        %dma_start3A_85 = tpu.memref_slice %arg7[%dma_start3A, %dma_start3A_84] : memref<512x32xf32, #tpu.memory_space<vmem>> -> memref<128x32xf32, #tpu.memory_space<vmem>>
        %dma_start3A_86 = arith.constant 0 : i32
        %dma_start3A_87 = tpu.memref_slice %arg6[%run_scoped3A, %dma_start3A_86] : memref<4x128xi32, #tpu.memory_space<vmem>> -> memref<1x128xi32, #tpu.memory_space<vmem>>
        %dma_start3A_88 = tpu.memref_squeeze %dma_start3A_87 : memref<1x128xi32, #tpu.memory_space<vmem>> -> memref<128xi32, #tpu.memory_space<vmem>>
        %dma_start3A_89 = arith.constant 0 : i32
        %dma_start3A_90 = arith.constant 0 : i32
        %dma_start3A_91 = tpu.memref_slice %arg8[%dma_start3A_89, %dma_start3A_90] : memref<50048x32xf32, #tpu.memory_space<vmem_shared>> -> memref<50048x32xf32, #tpu.memory_space<vmem_shared>>
        tpu.enqueue_indirect_dma source(%dma_start3A_85 : memref<128x32xf32, #tpu.memory_space<vmem>>) target(%dma_start3A_91 : memref<50048x32xf32, #tpu.memory_space<vmem_shared>>) offsets(%dma_start3A_88 : memref<128xi32, #tpu.memory_space<vmem>>) semaphore(%run_scoped3A_83 : memref<!tpu.dma_semaphore, #tpu.memory_space<semaphore_mem>>) {add = true}
        %dma_wait3A = arith.constant 0 : i32
        %dma_wait3A_92 = arith.constant 0 : i32
        %dma_wait3A_93 = tpu.memref_slice %arg7[%dma_wait3A, %dma_wait3A_92] : memref<512x32xf32, #tpu.memory_space<vmem>> -> memref<128x32xf32, #tpu.memory_space<vmem>>
        %dma_wait3A_94 = arith.constant 0 : i32
        %dma_wait3A_95 = tpu.memref_slice %arg6[%run_scoped3A, %dma_wait3A_94] : memref<4x128xi32, #tpu.memory_space<vmem>> -> memref<1x128xi32, #tpu.memory_space<vmem>>
        %dma_wait3A_96 = tpu.memref_squeeze %dma_wait3A_95 : memref<1x128xi32, #tpu.memory_space<vmem>> -> memref<128xi32, #tpu.memory_space<vmem>>
        %dma_wait3A_97 = arith.constant 0 : i32
        %dma_wait3A_98 = arith.constant 0 : i32
        %dma_wait3A_99 = tpu.memref_slice %arg8[%dma_wait3A_97, %dma_wait3A_98] : memref<50048x32xf32, #tpu.memory_space<vmem_shared>> -> memref<50048x32xf32, #tpu.memory_space<vmem_shared>>
        tpu.wait_indirect_dma semaphore(%run_scoped3A_83 : memref<!tpu.dma_semaphore, #tpu.memory_space<semaphore_mem>>) src(%dma_wait3A_93 : memref<128x32xf32, #tpu.memory_space<vmem>>) dst(%dma_wait3A_99 : memref<50048x32xf32, #tpu.memory_space<vmem_shared>>)
        tpu.yield
      }) : () -> ()
      %run_scoped3A_80 = arith.constant 1 : i32
      "tpu.region"() ({
        %run_scoped3A_83 = tpu.sem_alloc : memref<!tpu.dma_semaphore, #tpu.memory_space<semaphore_mem>>
        %dma_start3A = arith.constant 128 : i32
        %dma_start3A_84 = arith.constant 0 : i32
        %dma_start3A_85 = tpu.memref_slice %arg7[%dma_start3A, %dma_start3A_84] : memref<512x32xf32, #tpu.memory_space<vmem>> -> memref<128x32xf32, #tpu.memory_space<vmem>>
        %dma_start3A_86 = arith.constant 0 : i32
        %dma_start3A_87 = tpu.memref_slice %arg6[%run_scoped3A_80, %dma_start3A_86] : memref<4x128xi32, #tpu.memory_space<vmem>> -> memref<1x128xi32, #tpu.memory_space<vmem>>
        %dma_start3A_88 = tpu.memref_squeeze %dma_start3A_87 : memref<1x128xi32, #tpu.memory_space<vmem>> -> memref<128xi32, #tpu.memory_space<vmem>>
        %dma_start3A_89 = arith.constant 0 : i32
        %dma_start3A_90 = arith.constant 0 : i32
        %dma_start3A_91 = tpu.memref_slice %arg8[%dma_start3A_89, %dma_start3A_90] : memref<50048x32xf32, #tpu.memory_space<vmem_shared>> -> memref<50048x32xf32, #tpu.memory_space<vmem_shared>>
        tpu.enqueue_indirect_dma source(%dma_start3A_85 : memref<128x32xf32, #tpu.memory_space<vmem>>) target(%dma_start3A_91 : memref<50048x32xf32, #tpu.memory_space<vmem_shared>>) offsets(%dma_start3A_88 : memref<128xi32, #tpu.memory_space<vmem>>) semaphore(%run_scoped3A_83 : memref<!tpu.dma_semaphore, #tpu.memory_space<semaphore_mem>>) {add = true}
        %dma_wait3A = arith.constant 128 : i32
        %dma_wait3A_92 = arith.constant 0 : i32
        %dma_wait3A_93 = tpu.memref_slice %arg7[%dma_wait3A, %dma_wait3A_92] : memref<512x32xf32, #tpu.memory_space<vmem>> -> memref<128x32xf32, #tpu.memory_space<vmem>>
        %dma_wait3A_94 = arith.constant 0 : i32
        %dma_wait3A_95 = tpu.memref_slice %arg6[%run_scoped3A_80, %dma_wait3A_94] : memref<4x128xi32, #tpu.memory_space<vmem>> -> memref<1x128xi32, #tpu.memory_space<vmem>>
        %dma_wait3A_96 = tpu.memref_squeeze %dma_wait3A_95 : memref<1x128xi32, #tpu.memory_space<vmem>> -> memref<128xi32, #tpu.memory_space<vmem>>
        %dma_wait3A_97 = arith.constant 0 : i32
        %dma_wait3A_98 = arith.constant 0 : i32
        %dma_wait3A_99 = tpu.memref_slice %arg8[%dma_wait3A_97, %dma_wait3A_98] : memref<50048x32xf32, #tpu.memory_space<vmem_shared>> -> memref<50048x32xf32, #tpu.memory_space<vmem_shared>>
        tpu.wait_indirect_dma semaphore(%run_scoped3A_83 : memref<!tpu.dma_semaphore, #tpu.memory_space<semaphore_mem>>) src(%dma_wait3A_93 : memref<128x32xf32, #tpu.memory_space<vmem>>) dst(%dma_wait3A_99 : memref<50048x32xf32, #tpu.memory_space<vmem_shared>>)
        tpu.yield
      }) : () -> ()
      %run_scoped3A_81 = arith.constant 2 : i32
      "tpu.region"() ({
        %run_scoped3A_83 = tpu.sem_alloc : memref<!tpu.dma_semaphore, #tpu.memory_space<semaphore_mem>>
        %dma_start3A = arith.constant 256 : i32
        %dma_start3A_84 = arith.constant 0 : i32
        %dma_start3A_85 = tpu.memref_slice %arg7[%dma_start3A, %dma_start3A_84] : memref<512x32xf32, #tpu.memory_space<vmem>> -> memref<128x32xf32, #tpu.memory_space<vmem>>
        %dma_start3A_86 = arith.constant 0 : i32
        %dma_start3A_87 = tpu.memref_slice %arg6[%run_scoped3A_81, %dma_start3A_86] : memref<4x128xi32, #tpu.memory_space<vmem>> -> memref<1x128xi32, #tpu.memory_space<vmem>>
        %dma_start3A_88 = tpu.memref_squeeze %dma_start3A_87 : memref<1x128xi32, #tpu.memory_space<vmem>> -> memref<128xi32, #tpu.memory_space<vmem>>
        %dma_start3A_89 = arith.constant 0 : i32
        %dma_start3A_90 = arith.constant 0 : i32
        %dma_start3A_91 = tpu.memref_slice %arg8[%dma_start3A_89, %dma_start3A_90] : memref<50048x32xf32, #tpu.memory_space<vmem_shared>> -> memref<50048x32xf32, #tpu.memory_space<vmem_shared>>
        tpu.enqueue_indirect_dma source(%dma_start3A_85 : memref<128x32xf32, #tpu.memory_space<vmem>>) target(%dma_start3A_91 : memref<50048x32xf32, #tpu.memory_space<vmem_shared>>) offsets(%dma_start3A_88 : memref<128xi32, #tpu.memory_space<vmem>>) semaphore(%run_scoped3A_83 : memref<!tpu.dma_semaphore, #tpu.memory_space<semaphore_mem>>) {add = true}
        %dma_wait3A = arith.constant 256 : i32
        %dma_wait3A_92 = arith.constant 0 : i32
        %dma_wait3A_93 = tpu.memref_slice %arg7[%dma_wait3A, %dma_wait3A_92] : memref<512x32xf32, #tpu.memory_space<vmem>> -> memref<128x32xf32, #tpu.memory_space<vmem>>
        %dma_wait3A_94 = arith.constant 0 : i32
        %dma_wait3A_95 = tpu.memref_slice %arg6[%run_scoped3A_81, %dma_wait3A_94] : memref<4x128xi32, #tpu.memory_space<vmem>> -> memref<1x128xi32, #tpu.memory_space<vmem>>
        %dma_wait3A_96 = tpu.memref_squeeze %dma_wait3A_95 : memref<1x128xi32, #tpu.memory_space<vmem>> -> memref<128xi32, #tpu.memory_space<vmem>>
        %dma_wait3A_97 = arith.constant 0 : i32
        %dma_wait3A_98 = arith.constant 0 : i32
        %dma_wait3A_99 = tpu.memref_slice %arg8[%dma_wait3A_97, %dma_wait3A_98] : memref<50048x32xf32, #tpu.memory_space<vmem_shared>> -> memref<50048x32xf32, #tpu.memory_space<vmem_shared>>
        tpu.wait_indirect_dma semaphore(%run_scoped3A_83 : memref<!tpu.dma_semaphore, #tpu.memory_space<semaphore_mem>>) src(%dma_wait3A_93 : memref<128x32xf32, #tpu.memory_space<vmem>>) dst(%dma_wait3A_99 : memref<50048x32xf32, #tpu.memory_space<vmem_shared>>)
        tpu.yield
      }) : () -> ()
      %run_scoped3A_82 = arith.constant 3 : i32
      "tpu.region"() ({
        %run_scoped3A_83 = tpu.sem_alloc : memref<!tpu.dma_semaphore, #tpu.memory_space<semaphore_mem>>
        %dma_start3A = arith.constant 384 : i32
        %dma_start3A_84 = arith.constant 0 : i32
        %dma_start3A_85 = tpu.memref_slice %arg7[%dma_start3A, %dma_start3A_84] : memref<512x32xf32, #tpu.memory_space<vmem>> -> memref<128x32xf32, #tpu.memory_space<vmem>>
        %dma_start3A_86 = arith.constant 0 : i32
        %dma_start3A_87 = tpu.memref_slice %arg6[%run_scoped3A_82, %dma_start3A_86] : memref<4x128xi32, #tpu.memory_space<vmem>> -> memref<1x128xi32, #tpu.memory_space<vmem>>
        %dma_start3A_88 = tpu.memref_squeeze %dma_start3A_87 : memref<1x128xi32, #tpu.memory_space<vmem>> -> memref<128xi32, #tpu.memory_space<vmem>>
        %dma_start3A_89 = arith.constant 0 : i32
        %dma_start3A_90 = arith.constant 0 : i32
        %dma_start3A_91 = tpu.memref_slice %arg8[%dma_start3A_89, %dma_start3A_90] : memref<50048x32xf32, #tpu.memory_space<vmem_shared>> -> memref<50048x32xf32, #tpu.memory_space<vmem_shared>>
        tpu.enqueue_indirect_dma source(%dma_start3A_85 : memref<128x32xf32, #tpu.memory_space<vmem>>) target(%dma_start3A_91 : memref<50048x32xf32, #tpu.memory_space<vmem_shared>>) offsets(%dma_start3A_88 : memref<128xi32, #tpu.memory_space<vmem>>) semaphore(%run_scoped3A_83 : memref<!tpu.dma_semaphore, #tpu.memory_space<semaphore_mem>>) {add = true}
        %dma_wait3A = arith.constant 384 : i32
        %dma_wait3A_92 = arith.constant 0 : i32
        %dma_wait3A_93 = tpu.memref_slice %arg7[%dma_wait3A, %dma_wait3A_92] : memref<512x32xf32, #tpu.memory_space<vmem>> -> memref<128x32xf32, #tpu.memory_space<vmem>>
        %dma_wait3A_94 = arith.constant 0 : i32
        %dma_wait3A_95 = tpu.memref_slice %arg6[%run_scoped3A_82, %dma_wait3A_94] : memref<4x128xi32, #tpu.memory_space<vmem>> -> memref<1x128xi32, #tpu.memory_space<vmem>>
        %dma_wait3A_96 = tpu.memref_squeeze %dma_wait3A_95 : memref<1x128xi32, #tpu.memory_space<vmem>> -> memref<128xi32, #tpu.memory_space<vmem>>
        %dma_wait3A_97 = arith.constant 0 : i32
        %dma_wait3A_98 = arith.constant 0 : i32
        %dma_wait3A_99 = tpu.memref_slice %arg8[%dma_wait3A_97, %dma_wait3A_98] : memref<50048x32xf32, #tpu.memory_space<vmem_shared>> -> memref<50048x32xf32, #tpu.memory_space<vmem_shared>>
        tpu.wait_indirect_dma semaphore(%run_scoped3A_83 : memref<!tpu.dma_semaphore, #tpu.memory_space<semaphore_mem>>) src(%dma_wait3A_93 : memref<128x32xf32, #tpu.memory_space<vmem>>) dst(%dma_wait3A_99 : memref<50048x32xf32, #tpu.memory_space<vmem_shared>>)
        tpu.yield
      }) : () -> ()
    }
    %scan3A_5 = arith.constant 49 : i32
    %barrier3A_6 = arith.constant 0 : index
    tpu.barrier barrier_id(%barrier3A_6)
    %mul3A_7 = arith.constant 3128 : i32
    %mul3A_8 = arith.muli %arg1, %mul3A_7 : i32
    %mul3A_9 = arith.constant 50048 : i32
    %mul3A_10 = arith.muli %arg0, %mul3A_9 : i32
    %mul3A_11 = arith.constant 3128 : i32
    %mul3A_12 = arith.muli %arg1, %mul3A_11 : i32
    %add3A = arith.addi %mul3A_10, %mul3A_12 : i32
    "tpu.region"() ({
      %run_scoped3A = tpu.sem_alloc : memref<!tpu.dma_semaphore, #tpu.memory_space<semaphore_mem>>
      %dma_start3A = arith.constant 0 : i32
      %dma_start3A_13 = tpu.memref_slice %arg5[%add3A, %dma_start3A] : memref<100096x32xf32, #tpu.memory_space<hbm>> -> memref<3128x32xf32, #tpu.memory_space<hbm>>
      %dma_start3A_14 = arith.constant 0 : i32
      %dma_start3A_15 = tpu.memref_slice %arg8[%mul3A_8, %dma_start3A_14] : memref<50048x32xf32, #tpu.memory_space<vmem_shared>> -> memref<3128x32xf32, #tpu.memory_space<vmem_shared>>
      tpu.enqueue_dma source(%dma_start3A_15 : memref<3128x32xf32, #tpu.memory_space<vmem_shared>>) target(%dma_start3A_13 : memref<3128x32xf32, #tpu.memory_space<hbm>>) target_semaphore(%run_scoped3A : memref<!tpu.dma_semaphore, #tpu.memory_space<semaphore_mem>>)
      %dma_wait3A = arith.constant 0 : i32
      %dma_wait3A_16 = tpu.memref_slice %arg5[%add3A, %dma_wait3A] : memref<100096x32xf32, #tpu.memory_space<hbm>> -> memref<3128x32xf32, #tpu.memory_space<hbm>>
      %dma_wait3A_17 = arith.constant 0 : i32
      %dma_wait3A_18 = tpu.memref_slice %arg8[%mul3A_8, %dma_wait3A_17] : memref<50048x32xf32, #tpu.memory_space<vmem_shared>> -> memref<3128x32xf32, #tpu.memory_space<vmem_shared>>
      tpu.wait_dma2 semaphore(%run_scoped3A : memref<!tpu.dma_semaphore, #tpu.memory_space<semaphore_mem>>) src(%dma_wait3A_18 : memref<3128x32xf32, #tpu.memory_space<vmem_shared>>) dst(%dma_wait3A_16 : memref<3128x32xf32, #tpu.memory_space<hbm>>)
      tpu.yield
    }) : () -> ()
    return
  }
}

module attributes {stable_mosaic.version = 14 : i64} {
  func.func @_stats_kernel(%arg0: i32, %arg1: memref<5000x16xf32, #tpu.memory_space<vmem>>, %arg2: memref<1x16xf32, #tpu.memory_space<vmem>>, %arg3: memref<1x16xf32, #tpu.memory_space<vmem>>) attributes {dimension_semantics = [#tpu.dimension_semantics<arbitrary>], iteration_bounds = array<i64: 10>, scalar_prefetch = 0 : i64, scratch_operands = 0 : i64, tpu.core_type = #tpu.core_type<tc>, window_params = [{transform_indices = @transform_0, window_bounds = array<i64: 5000, 16>}, {pipeline_mode = #tpu.pipeline_mode<synchronous>, transform_indices = @transform_1, window_bounds = array<i64: 1, 16>}, {pipeline_mode = #tpu.pipeline_mode<synchronous>, transform_indices = @transform_2, window_bounds = array<i64: 1, 16>}]} {
    %get3A = arith.constant 0 : index
    %get3A_0 = arith.constant 0 : index
    %get3A_1 = vector.load %arg1[%get3A, %get3A_0] : memref<5000x16xf32, #tpu.memory_space<vmem>>, vector<5000x16xf32>
    %eq3A = arith.constant 0 : i32
    %eq3A_2 = arith.cmpi eq, %arg0, %eq3A : i32
    %convert_element_type3A = arith.extui %eq3A_2 : i1 to i32
    %cond3A = arith.constant 0 : i32
    %cond3A_3 = arith.cmpi ne, %convert_element_type3A, %cond3A : i32
    scf.if %cond3A_3 {
      %broadcast_in_dim3A_20 = arith.constant 0.000000e+00 : f32
      %broadcast_in_dim3A_21 = vector.broadcast %broadcast_in_dim3A_20 : f32 to vector<1x16xf32>
      %swap3A_22 = arith.constant 0 : index
      %swap3A_23 = arith.constant 0 : index
      %swap3A_24 = vector.load %arg2[%swap3A_22, %swap3A_23] : memref<1x16xf32, #tpu.memory_space<vmem>>, vector<1x16xf32>
      tpu.vector_store %arg2[%swap3A_22, %swap3A_23], %broadcast_in_dim3A_21 {strides = array<i32>} : memref<1x16xf32, #tpu.memory_space<vmem>>, vector<1x16xf32>,
      %broadcast_in_dim3A_25 = arith.constant 0.000000e+00 : f32
      %broadcast_in_dim3A_26 = vector.broadcast %broadcast_in_dim3A_25 : f32 to vector<1x16xf32>
      %swap3A_27 = arith.constant 0 : index
      %swap3A_28 = arith.constant 0 : index
      %swap3A_29 = vector.load %arg3[%swap3A_27, %swap3A_28] : memref<1x16xf32, #tpu.memory_space<vmem>>, vector<1x16xf32>
      tpu.vector_store %arg3[%swap3A_27, %swap3A_28], %broadcast_in_dim3A_26 {strides = array<i32>} : memref<1x16xf32, #tpu.memory_space<vmem>>, vector<1x16xf32>,
    } else {
    }
    %get3A_4 = arith.constant 0 : index
    %get3A_5 = arith.constant 0 : index
    %get3A_6 = vector.load %arg2[%get3A_4, %get3A_5] : memref<1x16xf32, #tpu.memory_space<vmem>>, vector<1x16xf32>
    %reduce_sum3A = arith.constant dense<0.000000e+00> : vector<16xf32>
    %reduce_sum3A_7 = vector.multi_reduction <add>, %get3A_1, %reduce_sum3A [0] : vector<5000x16xf32> to vector<16xf32>
    %broadcast_in_dim3A = vector.shape_cast %reduce_sum3A_7 : vector<16xf32> to vector<1x16xf32>
    %add3A = arith.addf %get3A_6, %broadcast_in_dim3A : vector<1x16xf32>
    %swap3A = arith.constant 0 : index
    %swap3A_8 = arith.constant 0 : index
    %swap3A_9 = vector.load %arg2[%swap3A, %swap3A_8] : memref<1x16xf32, #tpu.memory_space<vmem>>, vector<1x16xf32>
    tpu.vector_store %arg2[%swap3A, %swap3A_8], %add3A {strides = array<i32>} : memref<1x16xf32, #tpu.memory_space<vmem>>, vector<1x16xf32>,
    %get3A_10 = arith.constant 0 : index
    %get3A_11 = arith.constant 0 : index
    %get3A_12 = vector.load %arg3[%get3A_10, %get3A_11] : memref<1x16xf32, #tpu.memory_space<vmem>>, vector<1x16xf32>
    %mul3A = arith.mulf %get3A_1, %get3A_1 : vector<5000x16xf32>
    %reduce_sum3A_13 = arith.constant dense<0.000000e+00> : vector<16xf32>
    %reduce_sum3A_14 = vector.multi_reduction <add>, %mul3A, %reduce_sum3A_13 [0] : vector<5000x16xf32> to vector<16xf32>
    %broadcast_in_dim3A_15 = vector.shape_cast %reduce_sum3A_14 : vector<16xf32> to vector<1x16xf32>
    %add3A_16 = arith.addf %get3A_12, %broadcast_in_dim3A_15 : vector<1x16xf32>
    %swap3A_17 = arith.constant 0 : index
    %swap3A_18 = arith.constant 0 : index
    %swap3A_19 = vector.load %arg3[%swap3A_17, %swap3A_18] : memref<1x16xf32, #tpu.memory_space<vmem>>, vector<1x16xf32>
    tpu.vector_store %arg3[%swap3A_17, %swap3A_18], %add3A_16 {strides = array<i32>} : memref<1x16xf32, #tpu.memory_space<vmem>>, vector<1x16xf32>,
    return
  }
  func.func @transform_0(%arg0: i32) -> (i32, i32) {
    %c0_i32 = arith.constant 0 : i32
    %c0_i32_0 = arith.constant 0 : i32
    return %arg0, %c0_i32 : i32, i32
  }
  func.func @transform_1(%arg0: i32) -> (i32, i32) {
    %c0_i32 = arith.constant 0 : i32
    %c0_i32_0 = arith.constant 0 : i32
    %c0_i32_1 = arith.constant 0 : i32
    return %c0_i32, %c0_i32_0 : i32, i32
  }
  func.func @transform_2(%arg0: i32) -> (i32, i32) {
    %c0_i32 = arith.constant 0 : i32
    %c0_i32_0 = arith.constant 0 : i32
    %c0_i32_1 = arith.constant 0 : i32
    return %c0_i32, %c0_i32_0 : i32, i32
  }
}

module attributes {stable_mosaic.version = 14 : i64} {
  func.func @_node_stage_a_kernel(%arg0: i32, %arg1: memref<5000x16xf32, #tpu.memory_space<vmem>>, %arg2: memref<1x16xf32, #tpu.memory_space<vmem>>, %arg3: memref<1x16xf32, #tpu.memory_space<vmem>>, %arg4: memref<1x16xf32, #tpu.memory_space<vmem>>, %arg5: memref<1x16xf32, #tpu.memory_space<vmem>>, %arg6: memref<16x32xf32, #tpu.memory_space<vmem>>, %arg7: memref<1x32xf32, #tpu.memory_space<vmem>>, %arg8: memref<32x32xf32, #tpu.memory_space<vmem>>, %arg9: memref<1x32xf32, #tpu.memory_space<vmem>>, %arg10: memref<48x64xf32, #tpu.memory_space<vmem>>, %arg11: memref<48x64xf32, #tpu.memory_space<vmem>>, %arg12: memref<1x64xf32, #tpu.memory_space<vmem>>, %arg13: memref<1x1xf32, #tpu.memory_space<vmem>>, %arg14: memref<5000x16xf32, #tpu.memory_space<vmem>>, %arg15: memref<5000x64xf32, #tpu.memory_space<vmem>>, %arg16: memref<5000x64xf32, #tpu.memory_space<vmem>>) attributes {dimension_semantics = [#tpu.dimension_semantics<arbitrary>], iteration_bounds = array<i64: 10>, scalar_prefetch = 0 : i64, scratch_operands = 0 : i64, tpu.core_type = #tpu.core_type<tc>, window_params = [{transform_indices = @transform_0, window_bounds = array<i64: 5000, 16>}, {pipeline_mode = #tpu.pipeline_mode<synchronous>, transform_indices = @transform_1, window_bounds = array<i64: 1, 16>}, {pipeline_mode = #tpu.pipeline_mode<synchronous>, transform_indices = @transform_2, window_bounds = array<i64: 1, 16>}, {pipeline_mode = #tpu.pipeline_mode<synchronous>, transform_indices = @transform_3, window_bounds = array<i64: 1, 16>}, {pipeline_mode = #tpu.pipeline_mode<synchronous>, transform_indices = @transform_4, window_bounds = array<i64: 1, 16>}, {pipeline_mode = #tpu.pipeline_mode<synchronous>, transform_indices = @transform_5, window_bounds = array<i64: 16, 32>}, {pipeline_mode = #tpu.pipeline_mode<synchronous>, transform_indices = @transform_6, window_bounds = array<i64: 1, 32>}, {pipeline_mode = #tpu.pipeline_mode<synchronous>, transform_indices = @transform_7, window_bounds = array<i64: 32, 32>}, {pipeline_mode = #tpu.pipeline_mode<synchronous>, transform_indices = @transform_8, window_bounds = array<i64: 1, 32>}, {pipeline_mode = #tpu.pipeline_mode<synchronous>, transform_indices = @transform_9, window_bounds = array<i64: 48, 64>}, {pipeline_mode = #tpu.pipeline_mode<synchronous>, transform_indices = @transform_10, window_bounds = array<i64: 48, 64>}, {pipeline_mode = #tpu.pipeline_mode<synchronous>, transform_indices = @transform_11, window_bounds = array<i64: 1, 64>}, {pipeline_mode = #tpu.pipeline_mode<synchronous>, transform_indices = @transform_12, window_bounds = array<i64: 1, 1>}, {transform_indices = @transform_13, window_bounds = array<i64: 5000, 16>}, {transform_indices = @transform_14, window_bounds = array<i64: 5000, 64>}, {transform_indices = @transform_15, window_bounds = array<i64: 5000, 64>}]} {
    %get3A = arith.constant 0 : index
    %get3A_0 = arith.constant 0 : index
    %get3A_1 = vector.load %arg13[%get3A, %get3A_0] : memref<1x1xf32, #tpu.memory_space<vmem>>, vector<1x1xf32>
    %get3A_2 = vector.extract %get3A_1[0, 0] : f32 from vector<1x1xf32>
    %get3A_3 = arith.constant 0 : index
    %get3A_4 = arith.constant 0 : index
    %get3A_5 = vector.load %arg2[%get3A_3, %get3A_4] : memref<1x16xf32, #tpu.memory_space<vmem>>, vector<1x16xf32>
    %mul3A = vector.broadcast %get3A_2 : f32 to vector<1x16xf32>
    %mul3A_6 = arith.mulf %get3A_5, %mul3A : vector<1x16xf32>
    %get3A_7 = arith.constant 0 : index
    %get3A_8 = arith.constant 0 : index
    %get3A_9 = vector.load %arg3[%get3A_7, %get3A_8] : memref<1x16xf32, #tpu.memory_space<vmem>>, vector<1x16xf32>
    %mul3A_10 = vector.broadcast %get3A_2 : f32 to vector<1x16xf32>
    %mul3A_11 = arith.mulf %get3A_9, %mul3A_10 : vector<1x16xf32>
    %mul3A_12 = arith.mulf %mul3A_6, %mul3A_6 : vector<1x16xf32>
    %sub3A = arith.subf %mul3A_11, %mul3A_12 : vector<1x16xf32>
    %get3A_13 = arith.constant 0 : index
    %get3A_14 = arith.constant 0 : index
    %get3A_15 = vector.load %arg1[%get3A_13, %get3A_14] : memref<5000x16xf32, #tpu.memory_space<vmem>>, vector<5000x16xf32>
    %sub3A_16 = vector.broadcast %mul3A_6 : vector<1x16xf32> to vector<5000x16xf32>
    %sub3A_17 = arith.subf %get3A_15, %sub3A_16 : vector<5000x16xf32>
    %add3A = arith.constant 9.99999974E-6 : f32
    %add3A_18 = vector.broadcast %add3A : f32 to vector<1x16xf32>
    %add3A_19 = arith.addf %sub3A, %add3A_18 : vector<1x16xf32>
    %rsqrt3A = math.rsqrt %add3A_19 : vector<1x16xf32>
    %mul3A_20 = vector.broadcast %rsqrt3A : vector<1x16xf32> to vector<5000x16xf32>
    %mul3A_21 = arith.mulf %sub3A_17, %mul3A_20 : vector<5000x16xf32>
    %get3A_22 = arith.constant 0 : index
    %get3A_23 = arith.constant 0 : index
    %get3A_24 = vector.load %arg4[%get3A_22, %get3A_23] : memref<1x16xf32, #tpu.memory_space<vmem>>, vector<1x16xf32>
    %mul3A_25 = vector.broadcast %get3A_24 : vector<1x16xf32> to vector<5000x16xf32>
    %mul3A_26 = arith.mulf %mul3A_21, %mul3A_25 : vector<5000x16xf32>
    %get3A_27 = arith.constant 0 : index
    %get3A_28 = arith.constant 0 : index
    %get3A_29 = vector.load %arg5[%get3A_27, %get3A_28] : memref<1x16xf32, #tpu.memory_space<vmem>>, vector<1x16xf32>
    %add3A_30 = vector.broadcast %get3A_29 : vector<1x16xf32> to vector<5000x16xf32>
    %add3A_31 = arith.addf %mul3A_26, %add3A_30 : vector<5000x16xf32>
    %get3A_32 = arith.constant 0 : index
    %get3A_33 = arith.constant 0 : index
    %get3A_34 = vector.load %arg6[%get3A_32, %get3A_33] : memref<16x32xf32, #tpu.memory_space<vmem>>, vector<16x32xf32>
    %dot_general3A = arith.constant dense<0.000000e+00> : vector<5000x32xf32>
    %dot_general3A_35 = tpu.matmul %add3A_31, %get3A_34, %dot_general3A {dimension_numbers = #tpu.dot_dimension_numbers<[1], [0], [0], [1], [0, 0, 1, 1], [], []>, transpose_lhs_hint = false} : vector<5000x16xf32>, vector<16x32xf32>, vector<5000x32xf32> -> vector<5000x32xf32>
    %get3A_36 = arith.constant 0 : index
    %get3A_37 = arith.constant 0 : index
    %get3A_38 = vector.load %arg7[%get3A_36, %get3A_37] : memref<1x32xf32, #tpu.memory_space<vmem>>, vector<1x32xf32>
    %add3A_39 = vector.broadcast %get3A_38 : vector<1x32xf32> to vector<5000x32xf32>
    %add3A_40 = arith.addf %dot_general3A_35, %add3A_39 : vector<5000x32xf32>
    %max3A = arith.constant 0.000000e+00 : f32
    %max3A_41 = vector.broadcast %max3A : f32 to vector<5000x32xf32>
    %max3A_42 = arith.maximumf %add3A_40, %max3A_41 : vector<5000x32xf32>
    %get3A_43 = arith.constant 0 : index
    %get3A_44 = arith.constant 0 : index
    %get3A_45 = vector.load %arg8[%get3A_43, %get3A_44] : memref<32x32xf32, #tpu.memory_space<vmem>>, vector<32x32xf32>
    %dot_general3A_46 = arith.constant dense<0.000000e+00> : vector<5000x32xf32>
    %dot_general3A_47 = tpu.matmul %max3A_42, %get3A_45, %dot_general3A_46 {dimension_numbers = #tpu.dot_dimension_numbers<[1], [0], [0], [1], [0, 0, 1, 1], [], []>, transpose_lhs_hint = false} : vector<5000x32xf32>, vector<32x32xf32>, vector<5000x32xf32> -> vector<5000x32xf32>
    %get3A_48 = arith.constant 0 : index
    %get3A_49 = arith.constant 0 : index
    %get3A_50 = vector.load %arg9[%get3A_48, %get3A_49] : memref<1x32xf32, #tpu.memory_space<vmem>>, vector<1x32xf32>
    %add3A_51 = vector.broadcast %get3A_50 : vector<1x32xf32> to vector<5000x32xf32>
    %add3A_52 = arith.addf %dot_general3A_47, %add3A_51 : vector<5000x32xf32>
    %tanh3A = math.tanh %add3A_52 : vector<5000x32xf32>
    %concatenate3A = tpu.concatenate %tanh3A, %add3A_31 in 1 : vector<5000x32xf32>, vector<5000x16xf32> -> vector<5000x48xf32>
    %swap3A = arith.constant 0 : index
    %swap3A_53 = arith.constant 0 : index
    %swap3A_54 = vector.load %arg14[%swap3A, %swap3A_53] : memref<5000x16xf32, #tpu.memory_space<vmem>>, vector<5000x16xf32>
    tpu.vector_store %arg14[%swap3A, %swap3A_53], %add3A_31 {strides = array<i32>} : memref<5000x16xf32, #tpu.memory_space<vmem>>, vector<5000x16xf32>,
    %get3A_55 = arith.constant 0 : index
    %get3A_56 = arith.constant 0 : index
    %get3A_57 = vector.load %arg10[%get3A_55, %get3A_56] : memref<48x64xf32, #tpu.memory_space<vmem>>, vector<48x64xf32>
    %dot_general3A_58 = arith.constant dense<0.000000e+00> : vector<5000x64xf32>
    %dot_general3A_59 = tpu.matmul %concatenate3A, %get3A_57, %dot_general3A_58 {dimension_numbers = #tpu.dot_dimension_numbers<[1], [0], [0], [1], [0, 0, 1, 1], [], []>, transpose_lhs_hint = false} : vector<5000x48xf32>, vector<48x64xf32>, vector<5000x64xf32> -> vector<5000x64xf32>
    %get3A_60 = arith.constant 0 : index
    %get3A_61 = arith.constant 0 : index
    %get3A_62 = vector.load %arg12[%get3A_60, %get3A_61] : memref<1x64xf32, #tpu.memory_space<vmem>>, vector<1x64xf32>
    %add3A_63 = vector.broadcast %get3A_62 : vector<1x64xf32> to vector<5000x64xf32>
    %add3A_64 = arith.addf %dot_general3A_59, %add3A_63 : vector<5000x64xf32>
    %swap3A_65 = arith.constant 0 : index
    %swap3A_66 = arith.constant 0 : index
    %swap3A_67 = vector.load %arg15[%swap3A_65, %swap3A_66] : memref<5000x64xf32, #tpu.memory_space<vmem>>, vector<5000x64xf32>
    tpu.vector_store %arg15[%swap3A_65, %swap3A_66], %add3A_64 {strides = array<i32>} : memref<5000x64xf32, #tpu.memory_space<vmem>>, vector<5000x64xf32>,
    %get3A_68 = arith.constant 0 : index
    %get3A_69 = arith.constant 0 : index
    %get3A_70 = vector.load %arg11[%get3A_68, %get3A_69] : memref<48x64xf32, #tpu.memory_space<vmem>>, vector<48x64xf32>
    %dot_general3A_71 = arith.constant dense<0.000000e+00> : vector<5000x64xf32>
    %dot_general3A_72 = tpu.matmul %concatenate3A, %get3A_70, %dot_general3A_71 {dimension_numbers = #tpu.dot_dimension_numbers<[1], [0], [0], [1], [0, 0, 1, 1], [], []>, transpose_lhs_hint = false} : vector<5000x48xf32>, vector<48x64xf32>, vector<5000x64xf32> -> vector<5000x64xf32>
    %swap3A_73 = arith.constant 0 : index
    %swap3A_74 = arith.constant 0 : index
    %swap3A_75 = vector.load %arg16[%swap3A_73, %swap3A_74] : memref<5000x64xf32, #tpu.memory_space<vmem>>, vector<5000x64xf32>
    tpu.vector_store %arg16[%swap3A_73, %swap3A_74], %dot_general3A_72 {strides = array<i32>} : memref<5000x64xf32, #tpu.memory_space<vmem>>, vector<5000x64xf32>,
    return
  }
  func.func @transform_0(%arg0: i32) -> (i32, i32) {
    %c0_i32 = arith.constant 0 : i32
    %c0_i32_0 = arith.constant 0 : i32
    return %arg0, %c0_i32 : i32, i32
  }
  func.func @transform_1(%arg0: i32) -> (i32, i32) {
    %c0_i32 = arith.constant 0 : i32
    %c0_i32_0 = arith.constant 0 : i32
    %c0_i32_1 = arith.constant 0 : i32
    return %c0_i32, %c0_i32_0 : i32, i32
  }
  func.func @transform_2(%arg0: i32) -> (i32, i32) {
    %c0_i32 = arith.constant 0 : i32
    %c0_i32_0 = arith.constant 0 : i32
    %c0_i32_1 = arith.constant 0 : i32
    return %c0_i32, %c0_i32_0 : i32, i32
  }
  func.func @transform_3(%arg0: i32) -> (i32, i32) {
    %c0_i32 = arith.constant 0 : i32
    %c0_i32_0 = arith.constant 0 : i32
    %c0_i32_1 = arith.constant 0 : i32
    return %c0_i32, %c0_i32_0 : i32, i32
  }
  func.func @transform_4(%arg0: i32) -> (i32, i32) {
    %c0_i32 = arith.constant 0 : i32
    %c0_i32_0 = arith.constant 0 : i32
    %c0_i32_1 = arith.constant 0 : i32
    return %c0_i32, %c0_i32_0 : i32, i32
  }
  func.func @transform_5(%arg0: i32) -> (i32, i32) {
    %c0_i32 = arith.constant 0 : i32
    %c0_i32_0 = arith.constant 0 : i32
    %c0_i32_1 = arith.constant 0 : i32
    return %c0_i32, %c0_i32_0 : i32, i32
  }
  func.func @transform_6(%arg0: i32) -> (i32, i32) {
    %c0_i32 = arith.constant 0 : i32
    %c0_i32_0 = arith.constant 0 : i32
    %c0_i32_1 = arith.constant 0 : i32
    return %c0_i32, %c0_i32_0 : i32, i32
  }
  func.func @transform_7(%arg0: i32) -> (i32, i32) {
    %c0_i32 = arith.constant 0 : i32
    %c0_i32_0 = arith.constant 0 : i32
    %c0_i32_1 = arith.constant 0 : i32
    return %c0_i32, %c0_i32_0 : i32, i32
  }
  func.func @transform_8(%arg0: i32) -> (i32, i32) {
    %c0_i32 = arith.constant 0 : i32
    %c0_i32_0 = arith.constant 0 : i32
    %c0_i32_1 = arith.constant 0 : i32
    return %c0_i32, %c0_i32_0 : i32, i32
  }
  func.func @transform_9(%arg0: i32) -> (i32, i32) {
    %c0_i32 = arith.constant 0 : i32
    %c0_i32_0 = arith.constant 0 : i32
    %c0_i32_1 = arith.constant 0 : i32
    return %c0_i32, %c0_i32_0 : i32, i32
  }
  func.func @transform_10(%arg0: i32) -> (i32, i32) {
    %c0_i32 = arith.constant 0 : i32
    %c0_i32_0 = arith.constant 0 : i32
    %c0_i32_1 = arith.constant 0 : i32
    return %c0_i32, %c0_i32_0 : i32, i32
  }
  func.func @transform_11(%arg0: i32) -> (i32, i32) {
    %c0_i32 = arith.constant 0 : i32
    %c0_i32_0 = arith.constant 0 : i32
    %c0_i32_1 = arith.constant 0 : i32
    return %c0_i32, %c0_i32_0 : i32, i32
  }
  func.func @transform_12(%arg0: i32) -> (i32, i32) {
    %c0_i32 = arith.constant 0 : i32
    %c0_i32_0 = arith.constant 0 : i32
    %c0_i32_1 = arith.constant 0 : i32
    return %c0_i32, %c0_i32_0 : i32, i32
  }
  func.func @transform_13(%arg0: i32) -> (i32, i32) {
    %c0_i32 = arith.constant 0 : i32
    %c0_i32_0 = arith.constant 0 : i32
    return %arg0, %c0_i32 : i32, i32
  }
  func.func @transform_14(%arg0: i32) -> (i32, i32) {
    %c0_i32 = arith.constant 0 : i32
    %c0_i32_0 = arith.constant 0 : i32
    return %arg0, %c0_i32 : i32, i32
  }
  func.func @transform_15(%arg0: i32) -> (i32, i32) {
    %c0_i32 = arith.constant 0 : i32
    %c0_i32_0 = arith.constant 0 : i32
    return %arg0, %c0_i32 : i32, i32
  }
}

module attributes {stable_mosaic.version = 14 : i64} {
  func.func @_edge_mlp1_kernel(%arg0: i32, %arg1: memref<2048x128xf32, #tpu.memory_space<vmem>>, %arg2: memref<4x2048xf32, #tpu.memory_space<vmem>>, %arg3: memref<4x64xf32, #tpu.memory_space<vmem>>, %arg4: memref<64x32xf32, #tpu.memory_space<vmem>>, %arg5: memref<1x32xf32, #tpu.memory_space<vmem>>, %arg6: memref<512x128xf32, #tpu.memory_space<vmem>>) attributes {dimension_semantics = [#tpu.dimension_semantics<arbitrary>], iteration_bounds = array<i64: 392>, scalar_prefetch = 0 : i64, scratch_operands = 0 : i64, tpu.core_type = #tpu.core_type<tc>, window_params = [{transform_indices = @transform_0, window_bounds = array<i64: 2048, 128>}, {transform_indices = @transform_1, window_bounds = array<i64: 4, 2048>}, {pipeline_mode = #tpu.pipeline_mode<synchronous>, transform_indices = @transform_2, window_bounds = array<i64: 4, 64>}, {pipeline_mode = #tpu.pipeline_mode<synchronous>, transform_indices = @transform_3, window_bounds = array<i64: 64, 32>}, {pipeline_mode = #tpu.pipeline_mode<synchronous>, transform_indices = @transform_4, window_bounds = array<i64: 1, 32>}, {transform_indices = @transform_5, window_bounds = array<i64: 512, 128>}]} {
    %get3A = arith.constant 0 : index
    %get3A_0 = arith.constant 0 : index
    %get3A_1 = vector.load %arg1[%get3A, %get3A_0] : memref<2048x128xf32, #tpu.memory_space<vmem>>, vector<2048x128xf32>
    %get3A_2 = arith.constant 0 : index
    %get3A_3 = arith.constant 0 : index
    %get3A_4 = vector.load %arg2[%get3A_2, %get3A_3] : memref<4x2048xf32, #tpu.memory_space<vmem>>, vector<4x2048xf32>
    %get3A_5 = arith.constant 0 : index
    %get3A_6 = arith.constant 0 : index
    %get3A_7 = vector.load %arg3[%get3A_5, %get3A_6] : memref<4x64xf32, #tpu.memory_space<vmem>>, vector<4x64xf32>
    %dot_general3A = arith.constant dense<0.000000e+00> : vector<2048x64xf32>
    %dot_general3A_8 = tpu.matmul %get3A_4, %get3A_7, %dot_general3A {dimension_numbers = #tpu.dot_dimension_numbers<[0], [0], [1], [1], [0, 1, 1, 1], [], []>, transpose_lhs_hint = false} : vector<4x2048xf32>, vector<4x64xf32>, vector<2048x64xf32> -> vector<2048x64xf32>
    %slice3A = vector.extract_strided_slice %get3A_1 {offsets = [0, 0], sizes = [2048, 64], strides = [1, 1]} : vector<2048x128xf32> to vector<2048x64xf32>
    %slice3A_9 = vector.extract_strided_slice %get3A_1 {offsets = [0, 64], sizes = [2048, 64], strides = [1, 1]} : vector<2048x128xf32> to vector<2048x64xf32>
    %add3A = arith.addf %slice3A, %slice3A_9 : vector<2048x64xf32>
    %add3A_10 = arith.addf %add3A, %dot_general3A_8 : vector<2048x64xf32>
    %max3A = arith.constant 0.000000e+00 : f32
    %max3A_11 = vector.broadcast %max3A : f32 to vector<2048x64xf32>
    %max3A_12 = arith.maximumf %add3A_10, %max3A_11 : vector<2048x64xf32>
    %get3A_13 = arith.constant 0 : index
    %get3A_14 = arith.constant 0 : index
    %get3A_15 = vector.load %arg4[%get3A_13, %get3A_14] : memref<64x32xf32, #tpu.memory_space<vmem>>, vector<64x32xf32>
    %dot_general3A_16 = arith.constant dense<0.000000e+00> : vector<2048x32xf32>
    %dot_general3A_17 = tpu.matmul %max3A_12, %get3A_15, %dot_general3A_16 {dimension_numbers = #tpu.dot_dimension_numbers<[1], [0], [0], [1], [0, 0, 1, 1], [], []>, transpose_lhs_hint = false} : vector<2048x64xf32>, vector<64x32xf32>, vector<2048x32xf32> -> vector<2048x32xf32>
    %get3A_18 = arith.constant 0 : index
    %get3A_19 = arith.constant 0 : index
    %get3A_20 = vector.load %arg5[%get3A_18, %get3A_19] : memref<1x32xf32, #tpu.memory_space<vmem>>, vector<1x32xf32>
    %add3A_21 = vector.broadcast %get3A_20 : vector<1x32xf32> to vector<2048x32xf32>
    %add3A_22 = arith.addf %dot_general3A_17, %add3A_21 : vector<2048x32xf32>
    %tanh3A = math.tanh %add3A_22 : vector<2048x32xf32>
    %slice3A_23 = vector.extract_strided_slice %tanh3A {offsets = [0, 0], sizes = [512, 32], strides = [1, 1]} : vector<2048x32xf32> to vector<512x32xf32>
    %slice3A_24 = vector.extract_strided_slice %tanh3A {offsets = [512, 0], sizes = [512, 32], strides = [1, 1]} : vector<2048x32xf32> to vector<512x32xf32>
    %slice3A_25 = vector.extract_strided_slice %tanh3A {offsets = [1024, 0], sizes = [512, 32], strides = [1, 1]} : vector<2048x32xf32> to vector<512x32xf32>
    %slice3A_26 = vector.extract_strided_slice %tanh3A {offsets = [1536, 0], sizes = [512, 32], strides = [1, 1]} : vector<2048x32xf32> to vector<512x32xf32>
    %concatenate3A = tpu.concatenate %slice3A_23, %slice3A_24, %slice3A_25, %slice3A_26 in 1 : vector<512x32xf32>, vector<512x32xf32>, vector<512x32xf32>, vector<512x32xf32> -> vector<512x128xf32>
    %swap3A = arith.constant 0 : index
    %swap3A_27 = arith.constant 0 : index
    %swap3A_28 = vector.load %arg6[%swap3A, %swap3A_27] : memref<512x128xf32, #tpu.memory_space<vmem>>, vector<512x128xf32>
    tpu.vector_store %arg6[%swap3A, %swap3A_27], %concatenate3A {strides = array<i32>} : memref<512x128xf32, #tpu.memory_space<vmem>>, vector<512x128xf32>,
    return
  }
  func.func @transform_0(%arg0: i32) -> (i32, i32) {
    %c0_i32 = arith.constant 0 : i32
    %c0_i32_0 = arith.constant 0 : i32
    return %arg0, %c0_i32 : i32, i32
  }
  func.func @transform_1(%arg0: i32) -> (i32, i32) {
    %c0_i32 = arith.constant 0 : i32
    %c0_i32_0 = arith.constant 0 : i32
    return %c0_i32, %arg0 : i32, i32
  }
  func.func @transform_2(%arg0: i32) -> (i32, i32) {
    %c0_i32 = arith.constant 0 : i32
    %c0_i32_0 = arith.constant 0 : i32
    %c0_i32_1 = arith.constant 0 : i32
    return %c0_i32, %c0_i32_0 : i32, i32
  }
  func.func @transform_3(%arg0: i32) -> (i32, i32) {
    %c0_i32 = arith.constant 0 : i32
    %c0_i32_0 = arith.constant 0 : i32
    %c0_i32_1 = arith.constant 0 : i32
    return %c0_i32, %c0_i32_0 : i32, i32
  }
  func.func @transform_4(%arg0: i32) -> (i32, i32) {
    %c0_i32 = arith.constant 0 : i32
    %c0_i32_0 = arith.constant 0 : i32
    %c0_i32_1 = arith.constant 0 : i32
    return %c0_i32, %c0_i32_0 : i32, i32
  }
  func.func @transform_5(%arg0: i32) -> (i32, i32) {
    %c0_i32 = arith.constant 0 : i32
    %c0_i32_0 = arith.constant 0 : i32
    return %arg0, %c0_i32 : i32, i32
  }
}

module attributes {stable_mosaic.version = 14 : i64} {
  func.func @_node_stage_e_kernel(%arg0: i32, %arg1: memref<5000x32xf32, #tpu.memory_space<vmem>>, %arg2: memref<5000x32xf32, #tpu.memory_space<vmem>>, %arg3: memref<5000x16xf32, #tpu.memory_space<vmem>>, %arg4: memref<48x64xf32, #tpu.memory_space<vmem>>, %arg5: memref<48x64xf32, #tpu.memory_space<vmem>>, %arg6: memref<1x64xf32, #tpu.memory_space<vmem>>, %arg7: memref<5000x64xf32, #tpu.memory_space<vmem>>, %arg8: memref<5000x64xf32, #tpu.memory_space<vmem>>) attributes {dimension_semantics = [#tpu.dimension_semantics<arbitrary>], iteration_bounds = array<i64: 10>, scalar_prefetch = 0 : i64, scratch_operands = 0 : i64, tpu.core_type = #tpu.core_type<tc>, window_params = [{transform_indices = @transform_0, window_bounds = array<i64: 5000, 32>}, {transform_indices = @transform_1, window_bounds = array<i64: 5000, 32>}, {transform_indices = @transform_2, window_bounds = array<i64: 5000, 16>}, {pipeline_mode = #tpu.pipeline_mode<synchronous>, transform_indices = @transform_3, window_bounds = array<i64: 48, 64>}, {pipeline_mode = #tpu.pipeline_mode<synchronous>, transform_indices = @transform_4, window_bounds = array<i64: 48, 64>}, {pipeline_mode = #tpu.pipeline_mode<synchronous>, transform_indices = @transform_5, window_bounds = array<i64: 1, 64>}, {transform_indices = @transform_6, window_bounds = array<i64: 5000, 64>}, {transform_indices = @transform_7, window_bounds = array<i64: 5000, 64>}]} {
    %get3A = arith.constant 0 : index
    %get3A_0 = arith.constant 0 : index
    %get3A_1 = vector.load %arg1[%get3A, %get3A_0] : memref<5000x32xf32, #tpu.memory_space<vmem>>, vector<5000x32xf32>
    %get3A_2 = arith.constant 0 : index
    %get3A_3 = arith.constant 0 : index
    %get3A_4 = vector.load %arg2[%get3A_2, %get3A_3] : memref<5000x32xf32, #tpu.memory_space<vmem>>, vector<5000x32xf32>
    %add3A = arith.addf %get3A_1, %get3A_4 : vector<5000x32xf32>
    %get3A_5 = arith.constant 0 : index
    %get3A_6 = arith.constant 0 : index
    %get3A_7 = vector.load %arg3[%get3A_5, %get3A_6] : memref<5000x16xf32, #tpu.memory_space<vmem>>, vector<5000x16xf32>
    %concatenate3A = tpu.concatenate %add3A, %get3A_7 in 1 : vector<5000x32xf32>, vector<5000x16xf32> -> vector<5000x48xf32>
    %get3A_8 = arith.constant 0 : index
    %get3A_9 = arith.constant 0 : index
    %get3A_10 = vector.load %arg4[%get3A_8, %get3A_9] : memref<48x64xf32, #tpu.memory_space<vmem>>, vector<48x64xf32>
    %dot_general3A = arith.constant dense<0.000000e+00> : vector<5000x64xf32>
    %dot_general3A_11 = tpu.matmul %concatenate3A, %get3A_10, %dot_general3A {dimension_numbers = #tpu.dot_dimension_numbers<[1], [0], [0], [1], [0, 0, 1, 1], [], []>, transpose_lhs_hint = false} : vector<5000x48xf32>, vector<48x64xf32>, vector<5000x64xf32> -> vector<5000x64xf32>
    %swap3A = arith.constant 0 : index
    %swap3A_12 = arith.constant 0 : index
    %swap3A_13 = vector.load %arg7[%swap3A, %swap3A_12] : memref<5000x64xf32, #tpu.memory_space<vmem>>, vector<5000x64xf32>
    tpu.vector_store %arg7[%swap3A, %swap3A_12], %dot_general3A_11 {strides = array<i32>} : memref<5000x64xf32, #tpu.memory_space<vmem>>, vector<5000x64xf32>,
    %get3A_14 = arith.constant 0 : index
    %get3A_15 = arith.constant 0 : index
    %get3A_16 = vector.load %arg5[%get3A_14, %get3A_15] : memref<48x64xf32, #tpu.memory_space<vmem>>, vector<48x64xf32>
    %dot_general3A_17 = arith.constant dense<0.000000e+00> : vector<5000x64xf32>
    %dot_general3A_18 = tpu.matmul %concatenate3A, %get3A_16, %dot_general3A_17 {dimension_numbers = #tpu.dot_dimension_numbers<[1], [0], [0], [1], [0, 0, 1, 1], [], []>, transpose_lhs_hint = false} : vector<5000x48xf32>, vector<48x64xf32>, vector<5000x64xf32> -> vector<5000x64xf32>
    %get3A_19 = arith.constant 0 : index
    %get3A_20 = arith.constant 0 : index
    %get3A_21 = vector.load %arg6[%get3A_19, %get3A_20] : memref<1x64xf32, #tpu.memory_space<vmem>>, vector<1x64xf32>
    %add3A_22 = vector.broadcast %get3A_21 : vector<1x64xf32> to vector<5000x64xf32>
    %add3A_23 = arith.addf %dot_general3A_18, %add3A_22 : vector<5000x64xf32>
    %swap3A_24 = arith.constant 0 : index
    %swap3A_25 = arith.constant 0 : index
    %swap3A_26 = vector.load %arg8[%swap3A_24, %swap3A_25] : memref<5000x64xf32, #tpu.memory_space<vmem>>, vector<5000x64xf32>
    tpu.vector_store %arg8[%swap3A_24, %swap3A_25], %add3A_23 {strides = array<i32>} : memref<5000x64xf32, #tpu.memory_space<vmem>>, vector<5000x64xf32>,
    return
  }
  func.func @transform_0(%arg0: i32) -> (i32, i32) {
    %c0_i32 = arith.constant 0 : i32
    %c0_i32_0 = arith.constant 0 : i32
    return %arg0, %c0_i32 : i32, i32
  }
  func.func @transform_1(%arg0: i32) -> (i32, i32) {
    %c0_i32 = arith.constant 0 : i32
    %c0_i32_0 = arith.constant 0 : i32
    return %arg0, %c0_i32 : i32, i32
  }
  func.func @transform_2(%arg0: i32) -> (i32, i32) {
    %c0_i32 = arith.constant 0 : i32
    %c0_i32_0 = arith.constant 0 : i32
    return %arg0, %c0_i32 : i32, i32
  }
  func.func @transform_3(%arg0: i32) -> (i32, i32) {
    %c0_i32 = arith.constant 0 : i32
    %c0_i32_0 = arith.constant 0 : i32
    %c0_i32_1 = arith.constant 0 : i32
    return %c0_i32, %c0_i32_0 : i32, i32
  }
  func.func @transform_4(%arg0: i32) -> (i32, i32) {
    %c0_i32 = arith.constant 0 : i32
    %c0_i32_0 = arith.constant 0 : i32
    %c0_i32_1 = arith.constant 0 : i32
    return %c0_i32, %c0_i32_0 : i32, i32
  }
  func.func @transform_5(%arg0: i32) -> (i32, i32) {
    %c0_i32 = arith.constant 0 : i32
    %c0_i32_0 = arith.constant 0 : i32
    %c0_i32_1 = arith.constant 0 : i32
    return %c0_i32, %c0_i32_0 : i32, i32
  }
  func.func @transform_6(%arg0: i32) -> (i32, i32) {
    %c0_i32 = arith.constant 0 : i32
    %c0_i32_0 = arith.constant 0 : i32
    return %arg0, %c0_i32 : i32, i32
  }
  func.func @transform_7(%arg0: i32) -> (i32, i32) {
    %c0_i32 = arith.constant 0 : i32
    %c0_i32_0 = arith.constant 0 : i32
    return %arg0, %c0_i32 : i32, i32
  }
}

module attributes {stable_mosaic.version = 14 : i64} {
  func.func @_edge_mlp2_kernel(%arg0: i32, %arg1: memref<3200x128xf32, #tpu.memory_space<vmem>>, %arg2: memref<4x3200xf32, #tpu.memory_space<vmem>>, %arg3: memref<4x64xf32, #tpu.memory_space<vmem>>, %arg4: memref<1x64xf32, #tpu.memory_space<vmem>>, %arg5: memref<1x1xf32, #tpu.memory_space<vmem>>, %arg6: memref<1x3200xf32, #tpu.memory_space<vmem>>) attributes {dimension_semantics = [#tpu.dimension_semantics<arbitrary>], iteration_bounds = array<i64: 250>, scalar_prefetch = 0 : i64, scratch_operands = 0 : i64, tpu.core_type = #tpu.core_type<tc>, window_params = [{transform_indices = @transform_0, window_bounds = array<i64: 3200, 128>}, {transform_indices = @transform_1, window_bounds = array<i64: 4, 3200>}, {pipeline_mode = #tpu.pipeline_mode<synchronous>, transform_indices = @transform_2, window_bounds = array<i64: 4, 64>}, {pipeline_mode = #tpu.pipeline_mode<synchronous>, transform_indices = @transform_3, window_bounds = array<i64: 1, 64>}, {pipeline_mode = #tpu.pipeline_mode<synchronous>, transform_indices = @transform_4, window_bounds = array<i64: 1, 1>}, {transform_indices = @transform_5, window_bounds = array<i64: 1, 3200>}]} {
    %get3A = arith.constant 0 : index
    %get3A_0 = arith.constant 0 : index
    %get3A_1 = vector.load %arg1[%get3A, %get3A_0] : memref<3200x128xf32, #tpu.memory_space<vmem>>, vector<3200x128xf32>
    %get3A_2 = arith.constant 0 : index
    %get3A_3 = arith.constant 0 : index
    %get3A_4 = vector.load %arg2[%get3A_2, %get3A_3] : memref<4x3200xf32, #tpu.memory_space<vmem>>, vector<4x3200xf32>
    %get3A_5 = arith.constant 0 : index
    %get3A_6 = arith.constant 0 : index
    %get3A_7 = vector.load %arg3[%get3A_5, %get3A_6] : memref<4x64xf32, #tpu.memory_space<vmem>>, vector<4x64xf32>
    %dot_general3A = arith.constant dense<0.000000e+00> : vector<3200x64xf32>
    %dot_general3A_8 = tpu.matmul %get3A_4, %get3A_7, %dot_general3A {dimension_numbers = #tpu.dot_dimension_numbers<[0], [0], [1], [1], [0, 1, 1, 1], [], []>, transpose_lhs_hint = false} : vector<4x3200xf32>, vector<4x64xf32>, vector<3200x64xf32> -> vector<3200x64xf32>
    %slice3A = vector.extract_strided_slice %get3A_1 {offsets = [0, 0], sizes = [3200, 64], strides = [1, 1]} : vector<3200x128xf32> to vector<3200x64xf32>
    %slice3A_9 = vector.extract_strided_slice %get3A_1 {offsets = [0, 64], sizes = [3200, 64], strides = [1, 1]} : vector<3200x128xf32> to vector<3200x64xf32>
    %add3A = arith.addf %slice3A, %slice3A_9 : vector<3200x64xf32>
    %add3A_10 = arith.addf %add3A, %dot_general3A_8 : vector<3200x64xf32>
    %max3A = arith.constant 0.000000e+00 : f32
    %max3A_11 = vector.broadcast %max3A : f32 to vector<3200x64xf32>
    %max3A_12 = arith.maximumf %add3A_10, %max3A_11 : vector<3200x64xf32>
    %get3A_13 = arith.constant 0 : index
    %get3A_14 = arith.constant 0 : index
    %get3A_15 = vector.load %arg4[%get3A_13, %get3A_14] : memref<1x64xf32, #tpu.memory_space<vmem>>, vector<1x64xf32>
    %dot_general3A_16 = arith.constant dense<0.000000e+00> : vector<1x3200xf32>
    %dot_general3A_17 = tpu.matmul %get3A_15, %max3A_12, %dot_general3A_16 {dimension_numbers = #tpu.dot_dimension_numbers<[1], [1], [0], [0], [0, 0, 1, 0], [], []>, transpose_lhs_hint = false} : vector<1x64xf32>, vector<3200x64xf32>, vector<1x3200xf32> -> vector<1x3200xf32>
    %get3A_18 = arith.constant 0 : index
    %get3A_19 = arith.constant 0 : index
    %get3A_20 = vector.load %arg5[%get3A_18, %get3A_19] : memref<1x1xf32, #tpu.memory_space<vmem>>, vector<1x1xf32>
    %add3A_21 = vector.broadcast %get3A_20 : vector<1x1xf32> to vector<1x3200xf32>
    %add3A_22 = arith.addf %dot_general3A_17, %add3A_21 : vector<1x3200xf32>
    %logistic3A = arith.negf %add3A_22 : vector<1x3200xf32>
    %logistic3A_23 = math.exp %logistic3A : vector<1x3200xf32>
    %logistic3A_24 = arith.constant 1.000000e+00 : f32
    %logistic3A_25 = vector.broadcast %logistic3A_24 : f32 to vector<1x3200xf32>
    %logistic3A_26 = arith.addf %logistic3A_25, %logistic3A_23 : vector<1x3200xf32>
    %logistic3A_27 = arith.divf %logistic3A_25, %logistic3A_26 : vector<1x3200xf32>
    %swap3A = arith.constant 0 : index
    %swap3A_28 = arith.constant 0 : index
    %swap3A_29 = vector.load %arg6[%swap3A, %swap3A_28] : memref<1x3200xf32, #tpu.memory_space<vmem>>, vector<1x3200xf32>
    tpu.vector_store %arg6[%swap3A, %swap3A_28], %logistic3A_27 {strides = array<i32>} : memref<1x3200xf32, #tpu.memory_space<vmem>>, vector<1x3200xf32>,
    return
  }
  func.func @transform_0(%arg0: i32) -> (i32, i32) {
    %c0_i32 = arith.constant 0 : i32
    %c0_i32_0 = arith.constant 0 : i32
    return %arg0, %c0_i32 : i32, i32
  }
  func.func @transform_1(%arg0: i32) -> (i32, i32) {
    %c0_i32 = arith.constant 0 : i32
    %c0_i32_0 = arith.constant 0 : i32
    return %c0_i32, %arg0 : i32, i32
  }
  func.func @transform_2(%arg0: i32) -> (i32, i32) {
    %c0_i32 = arith.constant 0 : i32
    %c0_i32_0 = arith.constant 0 : i32
    %c0_i32_1 = arith.constant 0 : i32
    return %c0_i32, %c0_i32_0 : i32, i32
  }
  func.func @transform_3(%arg0: i32) -> (i32, i32) {
    %c0_i32 = arith.constant 0 : i32
    %c0_i32_0 = arith.constant 0 : i32
    %c0_i32_1 = arith.constant 0 : i32
    return %c0_i32, %c0_i32_0 : i32, i32
  }
  func.func @transform_4(%arg0: i32) -> (i32, i32) {
    %c0_i32 = arith.constant 0 : i32
    %c0_i32_0 = arith.constant 0 : i32
    %c0_i32_1 = arith.constant 0 : i32
    return %c0_i32, %c0_i32_0 : i32, i32
  }
  func.func @transform_5(%arg0: i32) -> (i32, i32) {
    %c0_i32 = arith.constant 0 : i32
    %c0_i32_0 = arith.constant 0 : i32
    return %c0_i32, %arg0 : i32, i32
  }
}

</mosaic_0001>

<sc_bundles>
// kernel: kernel.10.cloned.1.call-start
scs
__scs_entry_jumppad:
0x0: {  	(pc) =	sbr.rel $0x88, $3  }
0x1: {  	(tag) =	ssettag $0x0;
	lr =	simm.s32 $0x1  }
0x2: {  	[smem:$0x3F90] =	sst lr;
	_ =	strace $0xD0000000  }
0x3: {  	_ = 	snop  }
0x4: {  	_ = 	snop  }
0x5: {  	_ = 	snop  }
0x6: {  	_ = 	snop  }
0x7: {  	_ = 	snop  }
__scs_overlays_trampoline_lowered:
0x8: {  	[smem:$0x3F9F] =	sst s0  }
0x9: {  	[smem:$0x3FA0] =	sst s1  }
0xa: {  	[smem:$0x3FA1] =	sst s2  }
0xb: {  	[smem:$0x3FA2] =	sst s3  }
0xc: {  	[smem:$0x3FA3] =	sst s4  }
0xd: {  	[smem:$0x3FA4] =	sst s5  }
0xe: {  	[smem:$0x3FA5] =	sst s6  }
0xf: {  	[smem:$0x3FA6] =	sst s7  }
0x10: {  	[smem:$0x3FA7] =	sst s8  }
0x11: {  	[smem:$0x3FA8] =	sst s9;
	s0 =	simm.s32 @!p0 $0x0  }
0x12: {  	s1 =	sld [smem:$0x3F8E];
	s0 =	simm.s32 @p0 $0x1  }
0x13: {  	[smem:$0x3FA9] =	sst s0;
	s0 =	simm.s32 @!p1 $0x0  }
0x14: {  	s2 =	sld [smem:$0x3F8D];
	s0 =	simm.s32 @p1 $0x1  }
0x15: {  	[smem:$0x3FAA] =	sst s0;
	s0 =	simm.s32 @!p2 $0x0  }
0x16: {  	s3 =	sld [smem:$0x3FDB];
	s0 =	simm.s32 @p2 $0x1  }
0x17: {  	s4 =	simm.s32 $0x1BF5;
	[smem:$0x3FAC] =	sst s0  }
0x18: {  	s0 =	sld [smem:$0x3F8F];
	_ =	swait.ge [sflag:s4], $0x0  }
0x19: {  	s7 =	sld [smem:$0x3F90]  }
0x1a: {  	s8 =	sadd.s32 $0xFFFFE003, lr  }
0x1b: {  	s9 =	sadd.s32 $0xFFFFFEF7, lr;
	s5 =	simm.s32 $0xFFFFFFFF;
	p2 =	slt.u32 s8, $0xFFFFF086  }
0x1c: {  	p1 =	slt.u32 s9, $0xF7A;
	s5 =	simm.s32 @!p2 $0x0  }
0x1d: {  	s5 =	simm.s32 @p1 $0x1;
	p0 =	seq.s32 s7, s2  }
0x1e: {  	s7 =	smul.u32 @!p0 $0xF7A, s2;
	p2 =	seq.s32 @!p0 s5, $0x0  }
0x1f: {  	s9 =	smul.u32 $0xF7A, s1;
	s8 =	simm.s32 @!p0 $0x1BF5;
	p2 =	por !p2, p0  }
0x20: {  	[sflag:s8] =	ssyncset.s32 @!p0 $0xFFFFF086;
	s6 =	sadd.s32 @!p0 s3, s7;
	s7 =	simm.s32 @!p0 $0x108  }
0x21: {  	s3 =	sadd.s32 s3, s9;
	s6 =	sadd.s32 @!p0 $0x88, s6;
	s7 =	simm.s32 @p2 $0x1082  }
0x22: {  	[simem:s7], [sflag:s8] =	dma.local @!p0 [hbm:s6], $0xF7A  }
0x23: {  	s9 =	sor.u32 $0xD0000000, s2;
	s6 =	simm.s32 $0x108;
	_ =	swait.ge @!p0 [sflag:s8], $0x0  }
0x24: {  	s3 =	sadd.s32 $0x88, s3;
	s6 =	simm.s32 @!p1 $0x1082;
	[sflag:s4] =	ssyncset.s32 $0xFFFFF086  }
0x25: {  	[simem:s6], [sflag:s4] =	dma.local [hbm:s3], $0xF7A  }
0x26: {  	[smem:$0x3F90] =	sst s1;
	(tag) =	ssettag s2;
	_ =	strace s9  }
0x27: {  	s1 =	sld [smem:$0x3FA0]  }
0x28: {  	s2 =	sld [smem:$0x3FA1]  }
0x29: {  	s4 =	sld [smem:$0x3FA3]  }
0x2a: {  	p0 =	seq.s32 s5, $0x0;
	s5 =	sld [smem:$0x3FA4]  }
0x2b: {  	s6 =	sld [smem:$0x3FA5]  }
0x2c: {  	s7 =	sld [smem:$0x3FA6]  }
0x2d: {  	s3 =	simm.s32 $0x108;
	s8 =	sld [smem:$0x3FA7]  }
0x2e: {  	s3 =	simm.s32 @!p0 $0x1082;
	s9 =	sld [smem:$0x3FA8]  }
0x2f: {  	lr =	sadd.s32 s0, s3;
	s0 =	sld [smem:$0x3F9F]  }
0x30: {  	s3 =	sld [smem:$0x3FA2]  }
0x31: {  	[smem:$0x3FAB] =	sst s10  }
0x32: {  	s10 =	sld [smem:$0x3FA9];
	_ =	sdelay $0x3  }
0x33: {  	p0 =	seq.s32 s10, $0x1;
	s10 =	sld [smem:$0x3FAB];
	_ =	sdelay $0x3  }
0x34: {  	[smem:$0x3FAB] =	sst s10  }
0x35: {  	s10 =	sld [smem:$0x3FAA];
	_ =	sdelay $0x3  }
0x36: {  	p1 =	seq.s32 s10, $0x1;
	s10 =	sld [smem:$0x3FAB];
	_ =	sdelay $0x3  }
0x37: {  	[smem:$0x3FAB] =	sst s10  }
0x38: {  	s10 =	sld [smem:$0x3FAC]  }
0x39: {  	_ = 	snop;
	(pc) =	sbr.ind lr, $3  }
0x3a: {  	_ = 	snop  }
0x3b: {  	_ = 	snop  }
0x3c: {  	p2 =	seq.s32 s10, $0x1;
	s10 =	sld [smem:$0x3FAB]  }
0x3d: {  	_ =	shalt  }
0x3e: {  	_ =	shalt  }
0x3f: {  	_ =	shalt  }
0x40: {  	_ =	shalt  }
0x41: {  	_ =	shalt  }
0x42: {  	_ =	shalt  }
0x43: {  	_ =	shalt  }
0x44: {  	_ =	shalt  }
0x45: {  	_ =	shalt  }
0x46: {  	_ =	shalt  }
0x47: {  	_ =	shalt  }
0x48: {  	_ =	shalt  }
0x49: {  	_ =	shalt  }
0x4a: {  	_ =	shalt  }
0x4b: {  	_ =	shalt  }
0x4c: {  	_ =	shalt  }
0x4d: {  	_ =	shalt  }
0x4e: {  	_ =	shalt  }
0x4f: {  	_ =	shalt  }
0x50: {  	_ =	shalt  }
0x51: {  	_ =	shalt  }
0x52: {  	_ =	shalt  }
0x53: {  	_ =	shalt  }
0x54: {  	_ =	shalt  }
0x55: {  	_ =	shalt  }
0x56: {  	_ =	shalt  }
0x57: {  	_ =	shalt  }
0x58: {  	_ =	shalt  }
0x59: {  	_ =	shalt  }
0x5a: {  	_ =	shalt  }
0x5b: {  	_ =	shalt  }
0x5c: {  	_ =	shalt  }
0x5d: {  	_ =	shalt  }
0x5e: {  	_ =	shalt  }
0x5f: {  	_ =	shalt  }
0x60: {  	_ =	shalt  }
0x61: {  	_ =	shalt  }
0x62: {  	_ =	shalt  }
0x63: {  	_ =	shalt  }
0x64: {  	_ =	shalt  }
0x65: {  	_ =	shalt  }
0x66: {  	_ =	shalt  }
0x67: {  	_ =	shalt  }
0x68: {  	_ =	shalt  }
0x69: {  	_ =	shalt  }
0x6a: {  	_ =	shalt  }
0x6b: {  	_ =	shalt  }
0x6c: {  	_ =	shalt  }
0x6d: {  	_ =	shalt  }
0x6e: {  	_ =	shalt  }
0x6f: {  	_ =	shalt  }
0x70: {  	_ =	shalt  }
0x71: {  	_ =	shalt  }
0x72: {  	_ =	shalt  }
0x73: {  	_ =	shalt  }
0x74: {  	_ =	shalt  }
0x75: {  	_ =	shalt  }
0x76: {  	_ =	shalt  }
0x77: {  	_ =	shalt  }
0x78: {  	_ =	shalt  }
0x79: {  	_ =	shalt  }
0x7a: {  	_ =	shalt  }
0x7b: {  	_ =	shalt  }
0x7c: {  	_ =	shalt  }
0x7d: {  	_ =	shalt  }
0x7e: {  	_ =	shalt  }
0x7f: {  	_ =	shalt  }
0x80: {  	_ =	shalt  }
0x81: {  	_ =	shalt  }
0x82: {  	_ =	shalt  }
0x83: {  	_ =	shalt  }
0x84: {  	_ =	shalt  }
0x85: {  	_ =	shalt  }
0x86: {  	_ =	shalt  }
0x87: {  	_ =	shalt  }
.Lfunc_end0:
.L_simem_size_0:
called_computation_lowered:
.L_overlay_start_0:
0x88: {  	s2 =	sld [smem:$0x3FD9]  }
0x89: {  	s3 =	sld [smem:$0x3FFE];
	_ =	sdelay $0x1  }
0x8a: {  	s1 =	srdreg.scid  }
0x8b: {  	s0 =	sand.u32 $0x1, s1  }
0x8c: {  	s16 =	sshll.u32 s0, $0xA;
	s2 =	sadd.s32 s3, s2  }
0x8d: {  	s2 =	sadd.s32 s2, s16  }
0x8e: {  	[smem:$0x3FB7] =	sst s2  }
0x8f: {  	_ = 	snop  }
0x90: {  	(tm) =	ssettm $0x1  }
0x91: {  	s17 =	sld [smem:$0x3FFB];
	_ =	sdelay $0x3  }
0x92: {  	_ =	strace s17  }
0x93: {  	s2 =	sld [smem:$0x3FFC];
	_ =	sdelay $0x3  }
0x94: {  	_ =	strace s2  }
0x95: {  	s2 =	sld [smem:$0x3FFD];
	_ =	sdelay $0x3  }
0x96: {  	_ =	strace s2  }
0x97: {  	_ =	strace $0x8FFFFFFF  }
0x98: {  	s18 =	sld [smem:$0x3FDB];
	_ =	sdelay $0x1  }
0x99: {  	s19 =	simm.s32 $_scs_section_size  }
0x9a: {  	s4 =	simm.s32 $_size__tile_overlayer_lowered;
	s5 =	simm.s32 $_tile_overlayer_lowered  }
0x9b: {  	s22 =	simm.s32 $0x1BFF;
	s21 =	sshll.u32 s5, $0x1;
	s2 =	sadd.s32 s19, s18  }
0x9c: {  	s6 =	simm.s32 $0x0;
	s20 =	sshll.u32 s4, $0x1;
	s4 =	sadd.s32 s21, s2  }
0x9d: {  	[timem:s6], [sflag:s22] =	dma.local [hbm:s4], s20  }
0x9e: {  	_ =	swait.ge [sflag:s22], s20  }
0x9f: {  	s3 =	ssub.s32 $0x0, s20;
	[sflag:s22] =	ssyncset.done $0x0  }
0xa0: {  	[sflag:s22] =	ssyncadd.s32 s3;
	_ =	sdelay $0x1  }
0xa1: {  	s23 =	simm.s32 $0x1B8B  }
0xa2: {  	_ =	swait.ge [sflag:s23], $0x1  }
0xa3: {  	[sflag:s23] =	ssyncset.done $0x0  }
0xa4: {  	s25 =	simm.s32 $0x1B8E;
	s24 =	sld [smem:$0x3FFE];
	[sflag:s23] =	ssyncadd.s32 $0xFFFFFFFF  }
0xa5: {  	s26 =	simm.s32 $execute0_lowered;
	[smem:$0x3FD2] =	sst s25  }
0xa6: {  	s4 =	sshll.u32 s26, $0x1;
	_ =	strace $0x80000046;
	[dreg:$0x1] =	wrdreg $0xFFFFFFFF  }
0xa7: {  	s28 =	simm.s32 $_size_execute0_lowered;
	s2 =	sadd.s32 s2, s4;
	[dreg:$0x0] =	wrdreg $0x0  }
0xa8: {  	s4 =	sshll.u32 s28, $0x1;
	[dreg:$0x2] =	wrdreg s2  }
0xa9: {  	[dreg:$0x3] =	wrdreg s4  }
0xaa: {  	[dreg:$0x4] =	wrdreg $0xC0  }
0xab: {  	_ =	task [dreg:s6], $0x5FFFF  }
0xac: {  	[dreg:$0x1] =	wrdreg $0xFFFFFFFF  }
0xad: {  	[dreg:$0x0] =	wrdreg $0x60  }
0xae: {  	[dreg:$0x2] =	wrdreg s24  }
0xaf: {  	[dreg:$0x3] =	wrdreg $0x9  }
0xb0: {  	_ =	task.clear_ibuf [dreg:s6], $0x4FFFF;
	_ =	strace $0x90000046  }
0xb1: {  	s29 =	simm.s32 $0x9;
	_ =	strace $0x80000048  }
0xb2: {  	_ =	swait.ge [sflag:s29], $0x1  }
0xb3: {  	[sflag:s29] =	ssyncadd.s32 $0xFFFFFFFF  }
0xb4: {  	_ =	strace $0x90000048  }
0xb5: {  	_ =	sfence  }
0xb6: {  	s30 =	sld [smem:$0x0];
	_ =	sdelay $0x2  }
0xb7: {  	s31 =	sshll.u32 s1, $0xD;
	s1 =	sshrl.u32 s1, $0x2  }
0xb8: {  	s3 =	sand.u32 $0x4000, s31;
	s1 =	sadd.s32 s1, s30  }
0xb9: {  	s0 =	sor.u32 s3, s0;
	s1 =	sshll.u32 s1, $0x11  }
0xba: {  	s0 =	sor.u32 s1, s0  }
0xbb: {  	s0 =	sadd.s32 $0x8F2B, s0  }
0xbc: {  	[sflag:s0] =	ssyncadd.remote.s32 $0x1  }
0xbd: {  	_ =	sfence.sel $0xFFFF  }
0xbe: {  	[dreg:$0x0] =	wrdreg $0xFFFFFFFF;
	(pc) =	sbr.abs _section_cstart, $3  }
0xbf: {  	[dreg:$0x1] =	wrdreg $0xFFFFFFFF  }
0xc0: {  	_ =	task.clear_ibuf [dreg:s6], $0x2FFFF;
	_ =	strace $0x9FFFFFFF  }
0xc1: {  	(tm) =	ssettm $0x7FFFFFFF  }
tec
execute0_lowered:
.L_overlay_start_1:
0x0: {  	(tag) =	ssettag $0x1  }
0x1: {  	s0 =	rddreg [dreg:$0x0];
	s4 =	stileid.u32  }
0x2: {  	s1 =	srdreg.scid;
	s2 =	simm.s32 $0x0;
	s18 =	simm.s32 $0x2700  }
0x3: {  	s19 =	simm.s32 $0x100;
	s20 =	simm.s32 $0x4700;
	s21 =	simm.s32 $0x180  }
0x4: {  	s22 =	simm.s32 $0x6700;
	s24 =	simm.s32 $0x200;
	[smem:$0x7FF] =	sst s2  }
0x5: {  	s25 =	simm.s32 $0x8700;
	_ =	strace $0x80000047;
	[dreg:$0x3] =	wrdreg s18  }
0x6: {  	s8 =	simm.s32 $0x3;
	s26 =	simm.s32 $0x280;
	[dreg:$0x4] =	wrdreg s19  }
0x7: {  	s9 =	simm.s32 $0x380;
	s29 =	simm.s32 $0xA700;
	[dreg:$0x5] =	wrdreg s20  }
0x8: {  	s10 =	simm.s32 $0x80;
	s30 =	simm.s32 $0x300;
	[dreg:$0x6] =	wrdreg s21  }
0x9: {  	s11 =	simm.s32 $0x700;
	s31 =	simm.s32 $0xC700;
	[dreg:$0x7] =	wrdreg s22  }
0xa: {  	s12 =	simm.s32 $0xE700;
	s13 =	simm.s32 $0x10700;
	[dreg:$0x8] =	wrdreg s24  }
0xb: {  	s14 =	simm.s32 $0x480;
	s28 =	simm.s32 $0x40;
	[dreg:$0x9] =	wrdreg s25  }
0xc: {  	s3 =	smul.u32 $0xC4000, s4;
	s1 =	sand.u32 $0x1, s1;
	[dreg:$0xa] =	wrdreg s26  }
0xd: {  	s6 =	smul.u32 $0x1880, s4;
	s4 =	sadd.s32 $0x3A00, s0;
	[dreg:$0xb] =	wrdreg s29  }
0xe: {  	s5 =	smul.u32 $0x62000, s1;
	s16 =	ssub.s32 $0x2, s1;
	[dreg:$0xc] =	wrdreg s30  }
0xf: {  	s1 =	smul.u32 $0xC40, s1;
	[dreg:$0xd] =	wrdreg s31;
	s18 =	simm.s32 $0x14700  }
0x10: {  	s19 =	simm.s32 $0x580;
	s20 =	simm.s32 $0x16700;
	s21 =	simm.s32 $0x600  }
0x11: {  	s22 =	simm.s32 $0x18700;
	s24 =	simm.s32 $0x1A700;
	s25 =	simm.s32 $0x1  }
0x12: {  	s26 =	simm.s32 $0x2;
	s7 =	sadd.s32 s3, s0;
	s3 =	sadd.s32 $0x65600, s0  }
0x13: {  	s0 =	sadd.s32 s6, s0;
	s17 =	sshrl.u32 s16, $0x1;
	s5 =	sadd.s32 s5, s7  }
0x14: {  	s6 =	ssub.s32 s16, s17;
	s0 =	sadd.s32 s1, s0;
	s5 =	sadd.s32 $0x311200, s5  }
0x15: {  	s16 =	simm.s32 $0x12700;
	s6 =	smax.u32 s6, $0x1;
	[dreg:$0x2] =	wrdreg s5  }
0x16: {  	s17 =	simm.s32 $0x500;
	s23 =	sadd.s32 $0xF8200, s0;
	[dreg:$0xe] =	wrdreg s6  }
0x17: {  	s1 =	simm.s32 $0x0;
	s0 =	sadd.s32 $0xDFA00, s0;
	[dreg:$0xf] =	wrdreg s23  }
0x18: {  	[dreg:$0x10] =	wrdreg s0;
	s6 =	simm.s32 $0x400;
	s23 =	simm.s32 $0x680  }
.LBB2_1:
0x19: {  	[dreg:$0x11] =	wrdreg s1  }
0x1a: {  	s0 =	rddreg [dreg:$0x10]  }
0x1b: {  	[tilespmem:s2], [sflag:$0x3] =	stream.linear.gather [hbm4b:s0+s2], $0x380, $0x38;
	[tilespmem:$0x1C700] =	vst v63  }
0x1c: {  	_ =	swait.ge [sflag:s8], $0x380  }
0x1d: {  	[sflag:s8] =	ssyncset.done $0x0  }
0x1e: {  	s31 =	rddreg [dreg:$0xf];
	[sflag:s8] =	ssyncadd.s32 $0xFFFFFC80  }
0x1f: {  	[tilespmem:s9], [sflag:$0x3] =	stream.linear.gather [hbm4b:s31+s2], $0x380, $0x38;
	[tilespmem:$0x1C700] =	vst v63  }
0x20: {  	_ =	swait.ge [sflag:s8], $0x380  }
0x21: {  	s15 =	rddreg [dreg:$0x4]  }
0x22: {  	[sflag:s8] =	ssyncset.done $0x0;
	s5 =	rddreg [dreg:$0x3]  }
0x23: {  	s7 =	rddreg [dreg:$0x5];
	[sflag:s8] =	ssyncadd.s32 $0xFFFFFC80  }
0x24: {  	[tilespmem:s11], [sflag:$0x1] =	stream.indirect.gather [hbm4b:s3+s10], $0x40, s2, s10, $0xb8;
	[tilespmem:$0x1C700] =	vst v63  }
0x25: {  	s30 =	rddreg [dreg:$0x7]  }
0x26: {  	[tilespmem:s5], [sflag:$0x1] =	stream.indirect.gather [hbm4b:s3+s10], $0x40, s10, s10, $0xb8;
	[tilespmem:$0x1C700] =	vst v63  }
0x27: {  	s29 =	rddreg [dreg:$0x6]  }
0x28: {  	[tilespmem:s7], [sflag:$0x1] =	stream.indirect.gather [hbm4b:s3+s10], $0x40, s15, s10, $0xb8;
	[tilespmem:$0x1C700] =	vst v63  }
0x29: {  	s7 =	rddreg [dreg:$0x9]  }
0x2a: {  	s15 =	rddreg [dreg:$0x8]  }
0x2b: {  	[tilespmem:s30], [sflag:$0x1] =	stream.indirect.gather [hbm4b:s3+s10], $0x40, s29, s10, $0xb8;
	[tilespmem:$0x1C700] =	vst v63  }
0x2c: {  	s29 =	rddreg [dreg:$0xb]  }
0x2d: {  	s30 =	rddreg [dreg:$0xa]  }
0x2e: {  	[tilespmem:s7], [sflag:$0x1] =	stream.indirect.gather [hbm4b:s3+s10], $0x40, s15, s10, $0xb8;
	[tilespmem:$0x1C700] =	vst v63  }
0x2f: {  	s7 =	rddreg [dreg:$0xd]  }
0x30: {  	[tilespmem:s29], [sflag:$0x1] =	stream.indirect.gather [hbm4b:s3+s10], $0x40, s30, s10, $0xb8;
	[tilespmem:$0x1C700] =	vst v63  }
0x31: {  	s15 =	rddreg [dreg:$0xc]  }
0x32: {  	[tilespmem:s7], [sflag:$0x1] =	stream.indirect.gather [hbm4b:s3+s10], $0x40, s15, s10, $0xb8;
	[tilespmem:$0x1C700] =	vst v63  }
0x33: {  	_ = 	snop  }
0x34: {  	[tilespmem:s12], [sflag:$0x2] =	stream.indirect.gather [hbm4b:s4+s10], $0x40, s9, s10, $0xb8;
	[tilespmem:$0x1C700] =	vst v63  }
0x35: {  	_ = 	snop  }
0x36: {  	[tilespmem:s13], [sflag:$0x2] =	stream.indirect.gather [hbm4b:s4+s10], $0x40, s6, s10, $0xb8;
	[tilespmem:$0x1C700] =	vst v63  }
0x37: {  	_ = 	snop  }
0x38: {  	[tilespmem:s16], [sflag:$0x2] =	stream.indirect.gather [hbm4b:s4+s10], $0x40, s14, s10, $0xb8;
	[tilespmem:$0x1C700] =	vst v63  }
0x39: {  	_ = 	snop  }
0x3a: {  	[tilespmem:s18], [sflag:$0x2] =	stream.indirect.gather [hbm4b:s4+s10], $0x40, s17, s10, $0xb8;
	[tilespmem:$0x1C700] =	vst v63  }
0x3b: {  	_ = 	snop  }
0x3c: {  	[tilespmem:s20], [sflag:$0x2] =	stream.indirect.gather [hbm4b:s4+s10], $0x40, s19, s10, $0xb8;
	[tilespmem:$0x1C700] =	vst v63  }
0x3d: {  	_ = 	snop  }
0x3e: {  	[tilespmem:s22], [sflag:$0x2] =	stream.indirect.gather [hbm4b:s4+s10], $0x40, s21, s10, $0xb8;
	[tilespmem:$0x1C700] =	vst v63  }
0x3f: {  	_ = 	snop  }
0x40: {  	[tilespmem:s24], [sflag:$0x2] =	stream.indirect.gather [hbm4b:s4+s10], $0x40, s23, s10, $0xb8;
	[tilespmem:$0x1C700] =	vst v63  }
0x41: {  	_ =	swait.ge [sflag:s25], $0x2000  }
0x42: {  	[sflag:s25] =	ssyncset.done $0x0  }
0x43: {  	[sflag:s25] =	ssyncadd.s32 $0xFFFFE000  }
0x44: {  	_ =	swait.ge [sflag:s25], $0x2000  }
0x45: {  	[sflag:s25] =	ssyncset.done $0x0  }
0x46: {  	[sflag:s25] =	ssyncadd.s32 $0xFFFFE000  }
0x47: {  	_ =	swait.ge [sflag:s25], $0x2000  }
0x48: {  	[sflag:s25] =	ssyncset.done $0x0  }
0x49: {  	[sflag:s25] =	ssyncadd.s32 $0xFFFFE000  }
0x4a: {  	_ =	swait.ge [sflag:s25], $0x2000  }
0x4b: {  	[sflag:s25] =	ssyncset.done $0x0  }
0x4c: {  	[sflag:s25] =	ssyncadd.s32 $0xFFFFE000  }
0x4d: {  	_ =	swait.ge [sflag:s25], $0x2000  }
0x4e: {  	[sflag:s25] =	ssyncset.done $0x0  }
0x4f: {  	[sflag:s25] =	ssyncadd.s32 $0xFFFFE000  }
0x50: {  	_ =	swait.ge [sflag:s25], $0x2000  }
0x51: {  	[sflag:s25] =	ssyncset.done $0x0  }
0x52: {  	[sflag:s25] =	ssyncadd.s32 $0xFFFFE000  }
0x53: {  	_ =	swait.ge [sflag:s25], $0x2000  }
0x54: {  	[sflag:s25] =	ssyncset.done $0x0  }
0x55: {  	[sflag:s25] =	ssyncadd.s32 $0xFFFFE000  }
0x56: {  	_ =	swait.ge [sflag:s26], $0x2000  }
0x57: {  	[sflag:s26] =	ssyncset.done $0x0  }
0x58: {  	[sflag:s26] =	ssyncadd.s32 $0xFFFFE000  }
0x59: {  	_ =	swait.ge [sflag:s26], $0x2000  }
0x5a: {  	[sflag:s26] =	ssyncset.done $0x0  }
0x5b: {  	[sflag:s26] =	ssyncadd.s32 $0xFFFFE000  }
0x5c: {  	_ =	swait.ge [sflag:s26], $0x2000  }
0x5d: {  	[sflag:s26] =	ssyncset.done $0x0  }
0x5e: {  	[sflag:s26] =	ssyncadd.s32 $0xFFFFE000  }
0x5f: {  	_ =	swait.ge [sflag:s26], $0x2000  }
0x60: {  	[sflag:s26] =	ssyncset.done $0x0  }
0x61: {  	[sflag:s26] =	ssyncadd.s32 $0xFFFFE000  }
0x62: {  	_ =	swait.ge [sflag:s26], $0x2000  }
0x63: {  	[sflag:s26] =	ssyncset.done $0x0  }
0x64: {  	[sflag:s26] =	ssyncadd.s32 $0xFFFFE000  }
0x65: {  	_ =	swait.ge [sflag:s26], $0x2000  }
0x66: {  	[sflag:s26] =	ssyncset.done $0x0  }
0x67: {  	[sflag:s26] =	ssyncadd.s32 $0xFFFFE000  }
0x68: {  	_ =	swait.ge [sflag:s26], $0x2000  }
0x69: {  	s29 =	rddreg [dreg:$0x2];
	[sflag:s26] =	ssyncset.done $0x0  }
0x6a: {  	[sflag:s26] =	ssyncadd.s32 $0xFFFFE000;
	s1 =	sadd.s32 $0x0, s29  }
0x6b: {  	[hbm4b:s1+s28] =	stream.strided.scatter [tilespmem:s11], [sflag:$0x3], $0xE000, s10, s28, $0x38;
	[tilespmem:$0x1C700] =	vst v63  }
0x6c: {  	s30 =	simm.s32 $0x3800;
	_ =	swait.ge [sflag:s8], $0xE000  }
0x6d: {  	s7 =	smov.u32 s0;
	s5 =	sadd.s32 $0x8, s1;
	[sflag:s8] =	ssyncset.done $0x0  }
.LBB2_2:
0x6e: {  	[sflag:s8] =	ssyncadd.s32 $0xFFFF2000  }
0x6f: {  	[hbm4b:s5+s28] =	stream.strided.scatter [tilespmem:s12], [sflag:$0x3], $0xE000, s10, s28, $0x38;
	[tilespmem:$0x1C700] =	vst v63  }
0x70: {  	_ =	swait.ge [sflag:s8], $0xE000  }
0x71: {  	[sflag:s8] =	ssyncset.done $0x0  }
0x72: {  	s7 =	sadd.s32 $0x70, s7;
	[sflag:s8] =	ssyncadd.s32 $0xFFFF2000  }
0x73: {  	[tilespmem:s2], [sflag:$0x3] =	stream.linear.gather [hbm4b:s7+s2], $0x380, $0x38;
	[tilespmem:$0x1C700] =	vst v63  }
0x74: {  	_ =	swait.ge [sflag:s8], $0x380  }
0x75: {  	[sflag:s8] =	ssyncset.done $0x0  }
0x76: {  	s31 =	sadd.s32 $0x70, s31;
	[sflag:s8] =	ssyncadd.s32 $0xFFFFFC80  }
0x77: {  	[tilespmem:s9], [sflag:$0x3] =	stream.linear.gather [hbm4b:s31+s2], $0x380, $0x38;
	[tilespmem:$0x1C700] =	vst v63  }
0x78: {  	_ =	swait.ge [sflag:s8], $0x380  }
0x79: {  	s5 =	rddreg [dreg:$0xd]  }
0x7a: {  	s6 =	rddreg [dreg:$0xb]  }
0x7b: {  	s0 =	rddreg [dreg:$0x9]  }
0x7c: {  	[sflag:s8] =	ssyncset.done $0x0;
	s29 =	rddreg [dreg:$0x4]  }
0x7d: {  	s13 =	rddreg [dreg:$0x3];
	[sflag:s8] =	ssyncadd.s32 $0xFFFFFC80  }
0x7e: {  	[tilespmem:s11], [sflag:$0x1] =	stream.indirect.gather [hbm4b:s3+s10], $0x40, s2, s10, $0xb8;
	[tilespmem:$0x1C700] =	vst v63  }
0x7f: {  	s14 =	rddreg [dreg:$0x5]  }
0x80: {  	[tilespmem:s13], [sflag:$0x1] =	stream.indirect.gather [hbm4b:s3+s10], $0x40, s10, s10, $0xb8;
	[tilespmem:$0x1C700] =	vst v63  }
0x81: {  	s15 =	rddreg [dreg:$0x7]  }
0x82: {  	[tilespmem:s14], [sflag:$0x1] =	stream.indirect.gather [hbm4b:s3+s10], $0x40, s29, s10, $0xb8;
	[tilespmem:$0x1C700] =	vst v63  }
0x83: {  	s13 =	rddreg [dreg:$0x6]  }
0x84: {  	[tilespmem:s15], [sflag:$0x1] =	stream.indirect.gather [hbm4b:s3+s10], $0x40, s13, s10, $0xb8;
	[tilespmem:$0x1C700] =	vst v63  }
0x85: {  	s14 =	rddreg [dreg:$0x8]  }
0x86: {  	[tilespmem:s0], [sflag:$0x1] =	stream.indirect.gather [hbm4b:s3+s10], $0x40, s14, s10, $0xb8;
	[tilespmem:$0x1C700] =	vst v63  }
0x87: {  	s29 =	rddreg [dreg:$0xa]  }
0x88: {  	[tilespmem:s6], [sflag:$0x1] =	stream.indirect.gather [hbm4b:s3+s10], $0x40, s29, s10, $0xb8;
	[tilespmem:$0x1C700] =	vst v63  }
0x89: {  	s15 =	rddreg [dreg:$0xc]  }
0x8a: {  	[tilespmem:s5], [sflag:$0x1] =	stream.indirect.gather [hbm4b:s3+s10], $0x40, s15, s10, $0xb8;
	[tilespmem:$0x1C700] =	vst v63  }
0x8b: {  	_ = 	snop  }
0x8c: {  	[tilespmem:s12], [sflag:$0x2] =	stream.indirect.gather [hbm4b:s4+s10], $0x40, s9, s10, $0xb8;
	[tilespmem:$0x1C700] =	vst v63  }
0x8d: {  	s13 =	simm.s32 $0x10700;
	s6 =	simm.s32 $0x400  }
0x8e: {  	[tilespmem:s13], [sflag:$0x2] =	stream.indirect.gather [hbm4b:s4+s10], $0x40, s6, s10, $0xb8;
	[tilespmem:$0x1C700] =	vst v63  }
0x8f: {  	s14 =	simm.s32 $0x480  }
0x90: {  	[tilespmem:s16], [sflag:$0x2] =	stream.indirect.gather [hbm4b:s4+s10], $0x40, s14, s10, $0xb8;
	[tilespmem:$0x1C700] =	vst v63  }
0x91: {  	_ = 	snop  }
0x92: {  	[tilespmem:s18], [sflag:$0x2] =	stream.indirect.gather [hbm4b:s4+s10], $0x40, s17, s10, $0xb8;
	[tilespmem:$0x1C700] =	vst v63  }
0x93: {  	_ = 	snop  }
0x94: {  	[tilespmem:s20], [sflag:$0x2] =	stream.indirect.gather [hbm4b:s4+s10], $0x40, s19, s10, $0xb8;
	[tilespmem:$0x1C700] =	vst v63  }
0x95: {  	_ = 	snop  }
0x96: {  	[tilespmem:s22], [sflag:$0x2] =	stream.indirect.gather [hbm4b:s4+s10], $0x40, s21, s10, $0xb8;
	[tilespmem:$0x1C700] =	vst v63  }
0x97: {  	_ = 	snop  }
0x98: {  	[tilespmem:s24], [sflag:$0x2] =	stream.indirect.gather [hbm4b:s4+s10], $0x40, s23, s10, $0xb8;
	[tilespmem:$0x1C700] =	vst v63  }
0x99: {  	_ =	swait.ge [sflag:s25], $0x2000  }
0x9a: {  	[sflag:s25] =	ssyncset.done $0x0  }
0x9b: {  	[sflag:s25] =	ssyncadd.s32 $0xFFFFE000  }
0x9c: {  	_ =	swait.ge [sflag:s25], $0x2000  }
0x9d: {  	[sflag:s25] =	ssyncset.done $0x0  }
0x9e: {  	[sflag:s25] =	ssyncadd.s32 $0xFFFFE000  }
0x9f: {  	_ =	swait.ge [sflag:s25], $0x2000  }
0xa0: {  	[sflag:s25] =	ssyncset.done $0x0  }
0xa1: {  	[sflag:s25] =	ssyncadd.s32 $0xFFFFE000  }
0xa2: {  	_ =	swait.ge [sflag:s25], $0x2000  }
0xa3: {  	[sflag:s25] =	ssyncset.done $0x0  }
0xa4: {  	[sflag:s25] =	ssyncadd.s32 $0xFFFFE000  }
0xa5: {  	_ =	swait.ge [sflag:s25], $0x2000  }
0xa6: {  	[sflag:s25] =	ssyncset.done $0x0  }
0xa7: {  	[sflag:s25] =	ssyncadd.s32 $0xFFFFE000  }
0xa8: {  	_ =	swait.ge [sflag:s25], $0x2000  }
0xa9: {  	[sflag:s25] =	ssyncset.done $0x0  }
0xaa: {  	[sflag:s25] =	ssyncadd.s32 $0xFFFFE000  }
0xab: {  	_ =	swait.ge [sflag:s25], $0x2000  }
0xac: {  	[sflag:s25] =	ssyncset.done $0x0  }
0xad: {  	[sflag:s25] =	ssyncadd.s32 $0xFFFFE000  }
0xae: {  	_ =	swait.ge [sflag:s26], $0x2000  }
0xaf: {  	[sflag:s26] =	ssyncset.done $0x0  }
0xb0: {  	[sflag:s26] =	ssyncadd.s32 $0xFFFFE000  }
0xb1: {  	_ =	swait.ge [sflag:s26], $0x2000  }
0xb2: {  	[sflag:s26] =	ssyncset.done $0x0  }
0xb3: {  	[sflag:s26] =	ssyncadd.s32 $0xFFFFE000  }
0xb4: {  	_ =	swait.ge [sflag:s26], $0x2000  }
0xb5: {  	[sflag:s26] =	ssyncset.done $0x0  }
0xb6: {  	[sflag:s26] =	ssyncadd.s32 $0xFFFFE000  }
0xb7: {  	_ =	swait.ge [sflag:s26], $0x2000  }
0xb8: {  	[sflag:s26] =	ssyncset.done $0x0  }
0xb9: {  	[sflag:s26] =	ssyncadd.s32 $0xFFFFE000  }
0xba: {  	_ =	swait.ge [sflag:s26], $0x2000  }
0xbb: {  	[sflag:s26] =	ssyncset.done $0x0  }
0xbc: {  	[sflag:s26] =	ssyncadd.s32 $0xFFFFE000  }
0xbd: {  	_ =	swait.ge [sflag:s26], $0x2000  }
0xbe: {  	[sflag:s26] =	ssyncset.done $0x0  }
0xbf: {  	[sflag:s26] =	ssyncadd.s32 $0xFFFFE000  }
0xc0: {  	s1 =	smov.u32 s30;
	p0 =	sne.s32 s30, $0x5E800;
	_ =	swait.ge [sflag:s26], $0x2000  }
.Ltmp0:
0xc1: {  	s29 =	rddreg [dreg:$0x2];
	[sflag:s26] =	ssyncset.done $0x0;
	(pc) =	sbr.rel @p0 .LBB2_2-.Ltmp0, $4  }
0xc2: {  	[sflag:s26] =	ssyncadd.s32 $0xFFFFE000;
	s0 =	sadd.s32 s1, s29  }
0xc3: {  	[hbm4b:s0+s28] =	stream.strided.scatter [tilespmem:s11], [sflag:$0x3], $0xE000, s10, s28, $0x38;
	[tilespmem:$0x1C700] =	vst v63  }
0xc4: {  	_ =	swait.ge [sflag:s8], $0xE000  }
0xc5: {  	s30 =	sadd.s32 $0x3800, s30;
	s5 =	sadd.s32 $0x8, s0;
	[sflag:s8] =	ssyncset.done $0x0  }
0xc6: {  	[sflag:s8] =	ssyncadd.s32 $0xFFFF2000  }
0xc7: {  	[hbm4b:s5+s28] =	stream.strided.scatter [tilespmem:s12], [sflag:$0x3], $0xE000, s10, s28, $0x38;
	[tilespmem:$0x1C700] =	vst v63  }
0xc8: {  	_ =	swait.ge [sflag:s8], $0xE000  }
0xc9: {  	s1 =	rddreg [dreg:$0x11]  }
0xca: {  	s0 =	rddreg [dreg:$0xe];
	s1 =	sadd.s32 $0x1, s1  }
0xcb: {  	p0 =	sne.s32 s1, s0  }
.Ltmp1:
0xcc: {  	_ = 	snop;
	(pc) =	sbr.rel @p0 .LBB2_1-.Ltmp1, $3  }
0xcd: {  	_ =	sdelay $0x1  }
0xce: {  	[sflag:s8] =	ssyncset.done $0x0  }
0xcf: {  	[sflag:s8] =	ssyncadd.s32 $0xFFFF2000  }
0xd0: {  	_ =	sfence.sel $0x180000  }
0xd1: {  	[bflag:$0x0] =	sbarrier.arrive $0xFFFF  }
0xd2: {  	_ =	strace $0x90000047  }
0xd3: {  	s0 =	stileid.u32;
	[bflag:$0x2] =	sbarrier.arrive $0xFFFF  }
0xd4: {  	p0 =	sne.s32 s0, $0x0;
	s0 =	rddreg [dreg:$0x1]  }
0xd5: {  	s0 =	sadd.s32 @!p0 $0x100000, s0  }
0xd6: {  	[sflag:s0] =	ssyncadd.tile.s32 @!p0 $0x1;
	_ =	shalt  }
.Lfunc_end2:
_tile_overlayer_lowered:
.L_overlay_start_2:
0xd7: {  	(tag) =	ssettag $0x2  }
0xd8: {  	s0 =	rddreg [dreg:$0x0];
	s2 =	stileid.u32  }
0xd9: {  	s1 =	rddreg [dreg:$0x1];
	p0 =	sne.s32 s2, $0x0  }
0xda: {  	s3 =	rddreg [dreg:$0x2];
	[bflag:$0x3] =	sbarrier.arrive $0xFFFF;
	s2 =	simm.s32 @!p0 $0x1C03  }
0xdb: {  	[timem:s3], [sflag:s2] =	dma.local @!p0 [hbm:s0], s1  }
0xdc: {  	s0 =	simm.s32 @!p0 $0x3  }
0xdd: {  	_ =	swait.ge @!p0 [sflag:s0], s1  }
0xde: {  	s1 =	ssub.s32 @!p0 $0x0, s1;
	[sflag:s0] =	ssyncset.done @!p0 $0x0  }
0xdf: {  	[sflag:s0] =	ssyncadd.s32 @!p0 s1  }
0xe0: {  	[bflag:$0x3] =	sbarrier.arrive $0xFFFF  }
0xe1: {  	_ =	shalt  }

// kernel: kernel.13.cloned.1.call-start
scs
__scs_entry_jumppad:
0x0: {  	(pc) =	sbr.rel $0x88, $3  }
0x1: {  	(tag) =	ssettag $0x0;
	lr =	simm.s32 $0x1  }
0x2: {  	[smem:$0x3F90] =	sst lr;
	_ =	strace $0xD0000000  }
0x3: {  	_ = 	snop  }
0x4: {  	_ = 	snop  }
0x5: {  	_ = 	snop  }
0x6: {  	_ = 	snop  }
0x7: {  	_ = 	snop  }
__scs_overlays_trampoline_lowered:
0x8: {  	[smem:$0x3F9F] =	sst s0  }
0x9: {  	[smem:$0x3FA0] =	sst s1  }
0xa: {  	[smem:$0x3FA1] =	sst s2  }
0xb: {  	[smem:$0x3FA2] =	sst s3  }
0xc: {  	[smem:$0x3FA3] =	sst s4  }
0xd: {  	[smem:$0x3FA4] =	sst s5  }
0xe: {  	[smem:$0x3FA5] =	sst s6  }
0xf: {  	[smem:$0x3FA6] =	sst s7  }
0x10: {  	[smem:$0x3FA7] =	sst s8  }
0x11: {  	[smem:$0x3FA8] =	sst s9;
	s0 =	simm.s32 @!p0 $0x0  }
0x12: {  	s1 =	sld [smem:$0x3F8E];
	s0 =	simm.s32 @p0 $0x1  }
0x13: {  	[smem:$0x3FA9] =	sst s0;
	s0 =	simm.s32 @!p1 $0x0  }
0x14: {  	s2 =	sld [smem:$0x3F8D];
	s0 =	simm.s32 @p1 $0x1  }
0x15: {  	[smem:$0x3FAA] =	sst s0;
	s0 =	simm.s32 @!p2 $0x0  }
0x16: {  	s3 =	sld [smem:$0x3FDB];
	s0 =	simm.s32 @p2 $0x1  }
0x17: {  	s4 =	simm.s32 $0x1BF5;
	[smem:$0x3FAC] =	sst s0  }
0x18: {  	s0 =	sld [smem:$0x3F8F];
	_ =	swait.ge [sflag:s4], $0x0  }
0x19: {  	s7 =	sld [smem:$0x3F90]  }
0x1a: {  	s8 =	sadd.s32 $0xFFFFE003, lr  }
0x1b: {  	s9 =	sadd.s32 $0xFFFFFEF7, lr;
	s5 =	simm.s32 $0xFFFFFFFF;
	p2 =	slt.u32 s8, $0xFFFFF086  }
0x1c: {  	p1 =	slt.u32 s9, $0xF7A;
	s5 =	simm.s32 @!p2 $0x0  }
0x1d: {  	s5 =	simm.s32 @p1 $0x1;
	p0 =	seq.s32 s7, s2  }
0x1e: {  	s7 =	smul.u32 @!p0 $0xF7A, s2;
	p2 =	seq.s32 @!p0 s5, $0x0  }
0x1f: {  	s9 =	smul.u32 $0xF7A, s1;
	s8 =	simm.s32 @!p0 $0x1BF5;
	p2 =	por !p2, p0  }
0x20: {  	[sflag:s8] =	ssyncset.s32 @!p0 $0xFFFFF086;
	s6 =	sadd.s32 @!p0 s3, s7;
	s7 =	simm.s32 @!p0 $0x108  }
0x21: {  	s3 =	sadd.s32 s3, s9;
	s6 =	sadd.s32 @!p0 $0x88, s6;
	s7 =	simm.s32 @p2 $0x1082  }
0x22: {  	[simem:s7], [sflag:s8] =	dma.local @!p0 [hbm:s6], $0xF7A  }
0x23: {  	s9 =	sor.u32 $0xD0000000, s2;
	s6 =	simm.s32 $0x108;
	_ =	swait.ge @!p0 [sflag:s8], $0x0  }
0x24: {  	s3 =	sadd.s32 $0x88, s3;
	s6 =	simm.s32 @!p1 $0x1082;
	[sflag:s4] =	ssyncset.s32 $0xFFFFF086  }
0x25: {  	[simem:s6], [sflag:s4] =	dma.local [hbm:s3], $0xF7A  }
0x26: {  	[smem:$0x3F90] =	sst s1;
	(tag) =	ssettag s2;
	_ =	strace s9  }
0x27: {  	s1 =	sld [smem:$0x3FA0]  }
0x28: {  	s2 =	sld [smem:$0x3FA1]  }
0x29: {  	s4 =	sld [smem:$0x3FA3]  }
0x2a: {  	p0 =	seq.s32 s5, $0x0;
	s5 =	sld [smem:$0x3FA4]  }
0x2b: {  	s6 =	sld [smem:$0x3FA5]  }
0x2c: {  	s7 =	sld [smem:$0x3FA6]  }
0x2d: {  	s3 =	simm.s32 $0x108;
	s8 =	sld [smem:$0x3FA7]  }
0x2e: {  	s3 =	simm.s32 @!p0 $0x1082;
	s9 =	sld [smem:$0x3FA8]  }
0x2f: {  	lr =	sadd.s32 s0, s3;
	s0 =	sld [smem:$0x3F9F]  }
0x30: {  	s3 =	sld [smem:$0x3FA2]  }
0x31: {  	[smem:$0x3FAB] =	sst s10  }
0x32: {  	s10 =	sld [smem:$0x3FA9];
	_ =	sdelay $0x3  }
0x33: {  	p0 =	seq.s32 s10, $0x1;
	s10 =	sld [smem:$0x3FAB];
	_ =	sdelay $0x3  }
0x34: {  	[smem:$0x3FAB] =	sst s10  }
0x35: {  	s10 =	sld [smem:$0x3FAA];
	_ =	sdelay $0x3  }
0x36: {  	p1 =	seq.s32 s10, $0x1;
	s10 =	sld [smem:$0x3FAB];
	_ =	sdelay $0x3  }
0x37: {  	[smem:$0x3FAB] =	sst s10  }
0x38: {  	s10 =	sld [smem:$0x3FAC]  }
0x39: {  	_ = 	snop;
	(pc) =	sbr.ind lr, $3  }
0x3a: {  	_ = 	snop  }
0x3b: {  	_ = 	snop  }
0x3c: {  	p2 =	seq.s32 s10, $0x1;
	s10 =	sld [smem:$0x3FAB]  }
0x3d: {  	_ =	shalt  }
0x3e: {  	_ =	shalt  }
0x3f: {  	_ =	shalt  }
0x40: {  	_ =	shalt  }
0x41: {  	_ =	shalt  }
0x42: {  	_ =	shalt  }
0x43: {  	_ =	shalt  }
0x44: {  	_ =	shalt  }
0x45: {  	_ =	shalt  }
0x46: {  	_ =	shalt  }
0x47: {  	_ =	shalt  }
0x48: {  	_ =	shalt  }
0x49: {  	_ =	shalt  }
0x4a: {  	_ =	shalt  }
0x4b: {  	_ =	shalt  }
0x4c: {  	_ =	shalt  }
0x4d: {  	_ =	shalt  }
0x4e: {  	_ =	shalt  }
0x4f: {  	_ =	shalt  }
0x50: {  	_ =	shalt  }
0x51: {  	_ =	shalt  }
0x52: {  	_ =	shalt  }
0x53: {  	_ =	shalt  }
0x54: {  	_ =	shalt  }
0x55: {  	_ =	shalt  }
0x56: {  	_ =	shalt  }
0x57: {  	_ =	shalt  }
0x58: {  	_ =	shalt  }
0x59: {  	_ =	shalt  }
0x5a: {  	_ =	shalt  }
0x5b: {  	_ =	shalt  }
0x5c: {  	_ =	shalt  }
0x5d: {  	_ =	shalt  }
0x5e: {  	_ =	shalt  }
0x5f: {  	_ =	shalt  }
0x60: {  	_ =	shalt  }
0x61: {  	_ =	shalt  }
0x62: {  	_ =	shalt  }
0x63: {  	_ =	shalt  }
0x64: {  	_ =	shalt  }
0x65: {  	_ =	shalt  }
0x66: {  	_ =	shalt  }
0x67: {  	_ =	shalt  }
0x68: {  	_ =	shalt  }
0x69: {  	_ =	shalt  }
0x6a: {  	_ =	shalt  }
0x6b: {  	_ =	shalt  }
0x6c: {  	_ =	shalt  }
0x6d: {  	_ =	shalt  }
0x6e: {  	_ =	shalt  }
0x6f: {  	_ =	shalt  }
0x70: {  	_ =	shalt  }
0x71: {  	_ =	shalt  }
0x72: {  	_ =	shalt  }
0x73: {  	_ =	shalt  }
0x74: {  	_ =	shalt  }
0x75: {  	_ =	shalt  }
0x76: {  	_ =	shalt  }
0x77: {  	_ =	shalt  }
0x78: {  	_ =	shalt  }
0x79: {  	_ =	shalt  }
0x7a: {  	_ =	shalt  }
0x7b: {  	_ =	shalt  }
0x7c: {  	_ =	shalt  }
0x7d: {  	_ =	shalt  }
0x7e: {  	_ =	shalt  }
0x7f: {  	_ =	shalt  }
0x80: {  	_ =	shalt  }
0x81: {  	_ =	shalt  }
0x82: {  	_ =	shalt  }
0x83: {  	_ =	shalt  }
0x84: {  	_ =	shalt  }
0x85: {  	_ =	shalt  }
0x86: {  	_ =	shalt  }
0x87: {  	_ =	shalt  }
.Lfunc_end0:
.L_simem_size_0:
called_computation.1_lowered:
.L_overlay_start_0:
0x88: {  	s2 =	sld [smem:$0x3FD9]  }
0x89: {  	s3 =	sld [smem:$0x3FFE];
	_ =	sdelay $0x1  }
0x8a: {  	s1 =	srdreg.scid  }
0x8b: {  	s0 =	sand.u32 $0x1, s1  }
0x8c: {  	s17 =	sshll.u32 s0, $0xA;
	s2 =	sadd.s32 s3, s2  }
0x8d: {  	s2 =	sadd.s32 s2, s17  }
0x8e: {  	[smem:$0x3FB7] =	sst s2  }
0x8f: {  	_ = 	snop  }
0x90: {  	s2 =	sld [smem:$0x3FD0];
	(tm) =	ssettm $0x1  }
0x91: {  	s18 =	sld [smem:$0x3FFB];
	_ =	sdelay $0x3  }
0x92: {  	_ =	strace s18  }
0x93: {  	s3 =	sld [smem:$0x3FFC];
	_ =	sdelay $0x3  }
0x94: {  	_ =	strace s3  }
0x95: {  	s3 =	sld [smem:$0x3FFD];
	_ =	sdelay $0x3  }
0x96: {  	_ =	strace s3  }
0x97: {  	_ =	strace $0x8FFFFFFF  }
0x98: {  	s19 =	sld [smem:$0x3FDB];
	_ =	sdelay $0x1  }
0x99: {  	s4 =	simm.s32 $_scs_section_size  }
0x9a: {  	s5 =	simm.s32 $_size__tile_overlayer_lowered;
	s6 =	simm.s32 $_tile_overlayer_lowered  }
0x9b: {  	s22 =	simm.s32 $0x1BFF;
	s21 =	sshll.u32 s6, $0x1;
	s3 =	sadd.s32 s4, s19  }
0x9c: {  	s7 =	simm.s32 $0x0;
	s20 =	sshll.u32 s5, $0x1;
	s5 =	sadd.s32 s21, s3  }
0x9d: {  	[timem:s7], [sflag:s22] =	dma.local [hbm:s5], s20  }
0x9e: {  	_ =	swait.ge [sflag:s22], s20  }
0x9f: {  	s4 =	ssub.s32 $0x0, s20;
	[sflag:s22] =	ssyncset.done $0x0  }
0xa0: {  	[sflag:s22] =	ssyncadd.s32 s4;
	_ =	sdelay $0x1  }
0xa1: {  	s23 =	simm.s32 $0x1B8B  }
0xa2: {  	_ =	swait.ge [sflag:s23], $0x1  }
0xa3: {  	[sflag:s23] =	ssyncset.done $0x0  }
0xa4: {  	s25 =	simm.s32 $0x1B8E;
	s24 =	sld [smem:$0x3FFE];
	[sflag:s23] =	ssyncadd.s32 $0xFFFFFFFF  }
0xa5: {  	s26 =	simm.s32 $execute0_lowered;
	[smem:$0x3FD2] =	sst s25  }
0xa6: {  	s5 =	sshll.u32 s26, $0x1;
	_ =	strace $0x80000049;
	[dreg:$0x1] =	wrdreg $0xFFFFFFFF  }
0xa7: {  	s28 =	simm.s32 $_size_execute0_lowered;
	s3 =	sadd.s32 s3, s5;
	[dreg:$0x0] =	wrdreg $0x0  }
0xa8: {  	s5 =	sshll.u32 s28, $0x1;
	[dreg:$0x2] =	wrdreg s3  }
0xa9: {  	[dreg:$0x3] =	wrdreg s5  }
0xaa: {  	[dreg:$0x4] =	wrdreg $0xC0  }
0xab: {  	_ =	task [dreg:s7], $0x5FFFF  }
0xac: {  	[dreg:$0x1] =	wrdreg $0xFFFFFFFF  }
0xad: {  	[dreg:$0x0] =	wrdreg $0x60  }
0xae: {  	[dreg:$0x2] =	wrdreg s24  }
0xaf: {  	[dreg:$0x3] =	wrdreg s2  }
0xb0: {  	[dreg:$0x4] =	wrdreg $0x42000  }
0xb1: {  	[dreg:$0x5] =	wrdreg $0x9  }
0xb2: {  	_ =	task.clear_ibuf [dreg:s7], $0x6FFFF;
	_ =	strace $0x90000049  }
0xb3: {  	s29 =	simm.s32 $0x9;
	_ =	strace $0x8000004B  }
0xb4: {  	_ =	swait.ge [sflag:s29], $0x1  }
0xb5: {  	[sflag:s29] =	ssyncadd.s32 $0xFFFFFFFF  }
0xb6: {  	_ =	strace $0x9000004B  }
0xb7: {  	_ =	sfence  }
0xb8: {  	s30 =	sld [smem:$0x0];
	_ =	sdelay $0x2  }
0xb9: {  	s31 =	sshll.u32 s1, $0xD;
	s1 =	sshrl.u32 s1, $0x2  }
0xba: {  	s3 =	sand.u32 $0x4000, s31;
	s1 =	sadd.s32 s1, s30  }
0xbb: {  	s0 =	sor.u32 s3, s0;
	s1 =	sshll.u32 s1, $0x11  }
0xbc: {  	s0 =	sor.u32 s1, s0  }
0xbd: {  	s0 =	sadd.s32 $0x8F2B, s0  }
0xbe: {  	[sflag:s0] =	ssyncadd.remote.s32 $0x1  }
0xbf: {  	_ =	sfence.sel $0xFFFF  }
0xc0: {  	[dreg:$0x0] =	wrdreg $0xFFFFFFFF;
	(pc) =	sbr.abs _section_cstart, $3  }
0xc1: {  	[dreg:$0x1] =	wrdreg $0xFFFFFFFF  }
0xc2: {  	_ =	task.clear_ibuf [dreg:s7], $0x2FFFF;
	_ =	strace $0x9FFFFFFF  }
0xc3: {  	(tm) =	ssettm $0x7FFFFFFF  }
tec
execute0_lowered:
.L_overlay_start_1:
0x0: {  	(tag) =	ssettag $0x1  }
0x1: {  	s6 =	rddreg [dreg:$0x0];
	s4 =	srdreg.scid  }
0x2: {  	s1 =	rddreg [dreg:$0x1];
	s7 =	sand.u32 $0x1, s4  }
0x3: {  	s4 =	stileid.u32;
	s8 =	smul.u32 $0xC400, s7  }
0x4: {  	s2 =	rddreg [dreg:$0x2];
	s9 =	smul.u32 $0x30E0, s4  }
0x5: {  	s0 =	rddreg [dreg:$0x3];
	s3 =	simm.s32 $0x0;
	s10 =	smul.u32 $0x30E00, s7  }
0x6: {  	s16 =	simm.s32 $0x200;
	s17 =	simm.s32 $0x1200;
	s12 =	smul.u32 $0x61C00, s4  }
0x7: {  	s18 =	simm.s32 $0x100;
	s19 =	simm.s32 $0x2200;
	s13 =	smul.u32 $0xC40, s7  }
0x8: {  	s20 =	simm.s32 $0x180;
	s21 =	simm.s32 $0x3200;
	s25 =	smul.u32 $0xC4, s4  }
0x9: {  	[smem:$0x7FF] =	sst s3;
	s5 =	sadd.s32 $0xF51200, s6;
	s14 =	smul.u32 $0xC40, s4  }
0xa: {  	s22 =	simm.s32 $0x0;
	_ =	strace $0x8000004A;
	s29 =	smul.u32 $0x188000, s7  }
0xb: {  	s11 =	ssub.s32 $0x2, s7;
	s28 =	sshll.u32 s4, $0x6;
	s31 =	smul.u32 $0x18800, s4  }
0xc: {  	s24 =	sshrl.u32 s11, $0x1;
	s8 =	sadd.s32 s8, s6;
	s9 =	sadd.s32 s9, s10  }
0xd: {  	s10 =	ssub.s32 s11, s24;
	s26 =	sshrl.u32 s12, $0x2;
	s11 =	sadd.s32 s31, s29  }
0xe: {  	s9 =	sadd.s32 s9, s6;
	s15 =	sadd.s32 s26, s2;
	s6 =	sor.u32 $0x1C01, s28  }
0xf: {  	s30 =	sadd.s32 s14, s8;
	s8 =	smax.u32 s10, $0x1;
	s10 =	sadd.s32 s25, s13  }
0x10: {  	s13 =	simm.s32 $0x1;
	s14 =	simm.s32 $0x20;
	s7 =	sadd.s32 $0x3A00, s9  }
0x11: {  	s9 =	sadd.s32 $0xC7200, s30;
	s12 =	sshrl.u32 s15, $0x3;
	s15 =	simm.s32 $0x80  }
.LBB2_1:
0x12: {  	[spmem:s12], [sflag:s6] =	dma.local [hbm:s1], $0x30E0  }
0x13: {  	_ =	swait.ge [sflag:s13], $0x30E0  }
0x14: {  	[sflag:s13] =	ssyncset.done $0x0  }
0x15: {  	[sflag:s13] =	ssyncadd.s32 $0xFFFFCF20  }
0x16: {  	s23 =	sadd.s32 $0x0, s10;
	[bflag:$0x0] =	sbarrier.arrive $0xFFFF  }
0x17: {  	[tilespmem:s3], [sflag:$0x1] =	stream.linear.gather [hbm4b:s9+s3], $0x200, $0x38;
	[tilespmem:$0x1C900] =	vst v63  }
0x18: {  	s23 =	sand.u32 $0xC, s23;
	_ =	swait.ge [sflag:s13], $0x200  }
0x19: {  	s24 =	sand.u32 $0x7FE000, s11;
	s23 =	sadd.s32 s5, s23;
	[sflag:s13] =	ssyncset.done $0x0  }
0x1a: {  	s23 =	sadd.s32 s24, s23;
	[sflag:s13] =	ssyncadd.s32 $0xFFFFFE00  }
0x1b: {  	[tilespmem:s16], [sflag:$0x1] =	stream.strided.gather [hbm4b:s23+s14], $0x4000, s15, s14, $0x38;
	[tilespmem:$0x1C900] =	vst v63  }
0x1c: {  	_ =	swait.ge [sflag:s13], $0x4000  }
0x1d: {  	[sflag:s13] =	ssyncset.done $0x0  }
0x1e: {  	[sflag:s13] =	ssyncadd.s32 $0xFFFFC000  }
0x1f: {  	[spmem:s2] =	stream.indirect.scatter.add.f32 [tilespmem:s16], [sflag:$0x1], $0x20, s3, s15, $0xb8;
	[tilespmem:$0x1C900] =	vst v63  }
0x20: {  	_ =	swait.ge [sflag:s13], $0x1000  }
0x21: {  	[sflag:s13] =	ssyncset.done $0x0  }
0x22: {  	[sflag:s13] =	ssyncadd.s32 $0xFFFFF000  }
0x23: {  	[spmem:s2] =	stream.indirect.scatter.add.f32 [tilespmem:s17], [sflag:$0x1], $0x20, s15, s15, $0xb8;
	[tilespmem:$0x1C900] =	vst v63  }
0x24: {  	_ =	swait.ge [sflag:s13], $0x1000  }
0x25: {  	[sflag:s13] =	ssyncset.done $0x0  }
0x26: {  	[sflag:s13] =	ssyncadd.s32 $0xFFFFF000  }
0x27: {  	[spmem:s2] =	stream.indirect.scatter.add.f32 [tilespmem:s19], [sflag:$0x1], $0x20, s18, s15, $0xb8;
	[tilespmem:$0x1C900] =	vst v63  }
0x28: {  	_ =	swait.ge [sflag:s13], $0x1000  }
0x29: {  	[sflag:s13] =	ssyncset.done $0x0  }
0x2a: {  	[sflag:s13] =	ssyncadd.s32 $0xFFFFF000  }
0x2b: {  	[spmem:s2] =	stream.indirect.scatter.add.f32 [tilespmem:s21], [sflag:$0x1], $0x20, s20, s15, $0xb8;
	[tilespmem:$0x1C900] =	vst v63  }
0x2c: {  	s25 =	simm.s32 $0x4;
	_ =	swait.ge [sflag:s13], $0x1000  }
0x2d: {  	s24 =	sadd.s32 $0x800, s11;
	s23 =	sadd.s32 $0x40, s9;
	[sflag:s13] =	ssyncset.done $0x0  }
.LBB2_2:
0x2e: {  	s28 =	smov.u32 s25  }
0x2f: {  	s26 =	sadd.s32 s25, s10;
	[sflag:s13] =	ssyncadd.s32 $0xFFFFF000;
	s28 =	sadd.s32 $0x4, s25  }
0x30: {  	[tilespmem:s3], [sflag:$0x1] =	stream.linear.gather [hbm4b:s23+s3], $0x200, $0x38;
	[tilespmem:$0x1C900] =	vst v63  }
0x31: {  	p0 =	sne.s32 s25, $0xC0;
	s26 =	sand.u32 $0xC, s26;
	_ =	swait.ge [sflag:s13], $0x200  }
0x32: {  	s25 =	sand.u32 $0x7FE000, s24;
	s26 =	sadd.s32 s5, s26;
	[sflag:s13] =	ssyncset.done $0x0  }
0x33: {  	s25 =	sadd.s32 s25, s26;
	[sflag:s13] =	ssyncadd.s32 $0xFFFFFE00  }
0x34: {  	[tilespmem:s16], [sflag:$0x1] =	stream.strided.gather [hbm4b:s25+s14], $0x4000, s15, s14, $0x38;
	[tilespmem:$0x1C900] =	vst v63  }
0x35: {  	_ =	swait.ge [sflag:s13], $0x4000  }
0x36: {  	[sflag:s13] =	ssyncset.done $0x0  }
0x37: {  	[sflag:s13] =	ssyncadd.s32 $0xFFFFC000  }
0x38: {  	[spmem:s2] =	stream.indirect.scatter.add.f32 [tilespmem:s16], [sflag:$0x1], $0x20, s3, s15, $0xb8;
	[tilespmem:$0x1C900] =	vst v63  }
0x39: {  	_ =	swait.ge [sflag:s13], $0x1000  }
0x3a: {  	[sflag:s13] =	ssyncset.done $0x0  }
0x3b: {  	[sflag:s13] =	ssyncadd.s32 $0xFFFFF000  }
0x3c: {  	[spmem:s2] =	stream.indirect.scatter.add.f32 [tilespmem:s17], [sflag:$0x1], $0x20, s15, s15, $0xb8;
	[tilespmem:$0x1C900] =	vst v63  }
0x3d: {  	_ =	swait.ge [sflag:s13], $0x1000  }
0x3e: {  	[sflag:s13] =	ssyncset.done $0x0  }
0x3f: {  	[sflag:s13] =	ssyncadd.s32 $0xFFFFF000  }
0x40: {  	[spmem:s2] =	stream.indirect.scatter.add.f32 [tilespmem:s19], [sflag:$0x1], $0x20, s18, s15, $0xb8;
	[tilespmem:$0x1C900] =	vst v63  }
0x41: {  	_ =	swait.ge [sflag:s13], $0x1000  }
.Ltmp0:
0x42: {  	[sflag:s13] =	ssyncset.done $0x0;
	(pc) =	sbr.rel @p0 .LBB2_2-.Ltmp0, $4  }
0x43: {  	[sflag:s13] =	ssyncadd.s32 $0xFFFFF000  }
0x44: {  	[spmem:s2] =	stream.indirect.scatter.add.f32 [tilespmem:s21], [sflag:$0x1], $0x20, s20, s15, $0xb8;
	[tilespmem:$0x1C900] =	vst v63  }
0x45: {  	s24 =	sadd.s32 $0x800, s24;
	_ =	swait.ge [sflag:s13], $0x1000  }
0x46: {  	s23 =	sadd.s32 $0x40, s23;
	s25 =	smov.u32 s28;
	[sflag:s13] =	ssyncset.done $0x0  }
0x47: {  	s22 =	sadd.s32 $0x1, s22  }
0x48: {  	[sflag:s13] =	ssyncadd.s32 $0xFFFFF000;
	p0 =	sne.s32 s22, s8  }
.Ltmp1:
0x49: {  	[bflag:$0x0] =	sbarrier.arrive $0xFFFF;
	(pc) =	sbr.rel @p0 .LBB2_1-.Ltmp1, $4  }
0x4a: {  	[hbm:s7], [sflag:s6] =	dma.local [spmem:s12], $0x30E0  }
0x4b: {  	_ =	swait.ge [sflag:s13], $0x30E0  }
0x4c: {  	[sflag:s13] =	ssyncset.done $0x0  }
0x4d: {  	[sflag:s13] =	ssyncadd.s32 $0xFFFFCF20  }
0x4e: {  	_ =	sfence.sel $0x180000  }
0x4f: {  	[bflag:$0x0] =	sbarrier.arrive $0xFFFF  }
0x50: {  	p0 =	sne.s32 s4, $0x0;
	_ =	strace $0x9000004A  }
0x51: {  	s0 =	sadd.s32 @!p0 $0x100000, s0;
	[bflag:$0x2] =	sbarrier.arrive $0xFFFF  }
0x52: {  	[sflag:s0] =	ssyncadd.tile.s32 @!p0 $0x1;
	_ =	shalt  }
.Lfunc_end2:
_tile_overlayer_lowered:
.L_overlay_start_2:
0x53: {  	(tag) =	ssettag $0x2  }
0x54: {  	s0 =	rddreg [dreg:$0x0];
	s2 =	stileid.u32  }
0x55: {  	s1 =	rddreg [dreg:$0x1];
	p0 =	sne.s32 s2, $0x0  }
0x56: {  	s3 =	rddreg [dreg:$0x2];
	[bflag:$0x3] =	sbarrier.arrive $0xFFFF;
	s2 =	simm.s32 @!p0 $0x1C01  }
0x57: {  	[timem:s3], [sflag:s2] =	dma.local @!p0 [hbm:s0], s1  }
0x58: {  	s0 =	simm.s32 @!p0 $0x1  }
0x59: {  	_ =	swait.ge @!p0 [sflag:s0], s1  }
0x5a: {  	s1 =	ssub.s32 @!p0 $0x0, s1;
	[sflag:s0] =	ssyncset.done @!p0 $0x0  }
0x5b: {  	[sflag:s0] =	ssyncadd.s32 @!p0 s1  }
0x5c: {  	[bflag:$0x3] =	sbarrier.arrive $0xFFFF  }
0x5d: {  	_ =	shalt  }

// kernel: kernel.16.cloned.1.call-start
scs
__scs_entry_jumppad:
0x0: {  	(pc) =	sbr.rel $0x88, $3  }
0x1: {  	(tag) =	ssettag $0x0;
	lr =	simm.s32 $0x1  }
0x2: {  	[smem:$0x3F90] =	sst lr;
	_ =	strace $0xD0000000  }
0x3: {  	_ = 	snop  }
0x4: {  	_ = 	snop  }
0x5: {  	_ = 	snop  }
0x6: {  	_ = 	snop  }
0x7: {  	_ = 	snop  }
__scs_overlays_trampoline_lowered:
0x8: {  	[smem:$0x3F9F] =	sst s0  }
0x9: {  	[smem:$0x3FA0] =	sst s1  }
0xa: {  	[smem:$0x3FA1] =	sst s2  }
0xb: {  	[smem:$0x3FA2] =	sst s3  }
0xc: {  	[smem:$0x3FA3] =	sst s4  }
0xd: {  	[smem:$0x3FA4] =	sst s5  }
0xe: {  	[smem:$0x3FA5] =	sst s6  }
0xf: {  	[smem:$0x3FA6] =	sst s7  }
0x10: {  	[smem:$0x3FA7] =	sst s8  }
0x11: {  	[smem:$0x3FA8] =	sst s9;
	s0 =	simm.s32 @!p0 $0x0  }
0x12: {  	s1 =	sld [smem:$0x3F8E];
	s0 =	simm.s32 @p0 $0x1  }
0x13: {  	[smem:$0x3FA9] =	sst s0;
	s0 =	simm.s32 @!p1 $0x0  }
0x14: {  	s2 =	sld [smem:$0x3F8D];
	s0 =	simm.s32 @p1 $0x1  }
0x15: {  	[smem:$0x3FAA] =	sst s0;
	s0 =	simm.s32 @!p2 $0x0  }
0x16: {  	s3 =	sld [smem:$0x3FDB];
	s0 =	simm.s32 @p2 $0x1  }
0x17: {  	s4 =	simm.s32 $0x1BF5;
	[smem:$0x3FAC] =	sst s0  }
0x18: {  	s0 =	sld [smem:$0x3F8F];
	_ =	swait.ge [sflag:s4], $0x0  }
0x19: {  	s7 =	sld [smem:$0x3F90]  }
0x1a: {  	s8 =	sadd.s32 $0xFFFFE003, lr  }
0x1b: {  	s9 =	sadd.s32 $0xFFFFFEF7, lr;
	s5 =	simm.s32 $0xFFFFFFFF;
	p2 =	slt.u32 s8, $0xFFFFF086  }
0x1c: {  	p1 =	slt.u32 s9, $0xF7A;
	s5 =	simm.s32 @!p2 $0x0  }
0x1d: {  	s5 =	simm.s32 @p1 $0x1;
	p0 =	seq.s32 s7, s2  }
0x1e: {  	s7 =	smul.u32 @!p0 $0xF7A, s2;
	p2 =	seq.s32 @!p0 s5, $0x0  }
0x1f: {  	s9 =	smul.u32 $0xF7A, s1;
	s8 =	simm.s32 @!p0 $0x1BF5;
	p2 =	por !p2, p0  }
0x20: {  	[sflag:s8] =	ssyncset.s32 @!p0 $0xFFFFF086;
	s6 =	sadd.s32 @!p0 s3, s7;
	s7 =	simm.s32 @!p0 $0x108  }
0x21: {  	s3 =	sadd.s32 s3, s9;
	s6 =	sadd.s32 @!p0 $0x88, s6;
	s7 =	simm.s32 @p2 $0x1082  }
0x22: {  	[simem:s7], [sflag:s8] =	dma.local @!p0 [hbm:s6], $0xF7A  }
0x23: {  	s9 =	sor.u32 $0xD0000000, s2;
	s6 =	simm.s32 $0x108;
	_ =	swait.ge @!p0 [sflag:s8], $0x0  }
0x24: {  	s3 =	sadd.s32 $0x88, s3;
	s6 =	simm.s32 @!p1 $0x1082;
	[sflag:s4] =	ssyncset.s32 $0xFFFFF086  }
0x25: {  	[simem:s6], [sflag:s4] =	dma.local [hbm:s3], $0xF7A  }
0x26: {  	[smem:$0x3F90] =	sst s1;
	(tag) =	ssettag s2;
	_ =	strace s9  }
0x27: {  	s1 =	sld [smem:$0x3FA0]  }
0x28: {  	s2 =	sld [smem:$0x3FA1]  }
0x29: {  	s4 =	sld [smem:$0x3FA3]  }
0x2a: {  	p0 =	seq.s32 s5, $0x0;
	s5 =	sld [smem:$0x3FA4]  }
0x2b: {  	s6 =	sld [smem:$0x3FA5]  }
0x2c: {  	s7 =	sld [smem:$0x3FA6]  }
0x2d: {  	s3 =	simm.s32 $0x108;
	s8 =	sld [smem:$0x3FA7]  }
0x2e: {  	s3 =	simm.s32 @!p0 $0x1082;
	s9 =	sld [smem:$0x3FA8]  }
0x2f: {  	lr =	sadd.s32 s0, s3;
	s0 =	sld [smem:$0x3F9F]  }
0x30: {  	s3 =	sld [smem:$0x3FA2]  }
0x31: {  	[smem:$0x3FAB] =	sst s10  }
0x32: {  	s10 =	sld [smem:$0x3FA9];
	_ =	sdelay $0x3  }
0x33: {  	p0 =	seq.s32 s10, $0x1;
	s10 =	sld [smem:$0x3FAB];
	_ =	sdelay $0x3  }
0x34: {  	[smem:$0x3FAB] =	sst s10  }
0x35: {  	s10 =	sld [smem:$0x3FAA];
	_ =	sdelay $0x3  }
0x36: {  	p1 =	seq.s32 s10, $0x1;
	s10 =	sld [smem:$0x3FAB];
	_ =	sdelay $0x3  }
0x37: {  	[smem:$0x3FAB] =	sst s10  }
0x38: {  	s10 =	sld [smem:$0x3FAC]  }
0x39: {  	_ = 	snop;
	(pc) =	sbr.ind lr, $3  }
0x3a: {  	_ = 	snop  }
0x3b: {  	_ = 	snop  }
0x3c: {  	p2 =	seq.s32 s10, $0x1;
	s10 =	sld [smem:$0x3FAB]  }
0x3d: {  	_ =	shalt  }
0x3e: {  	_ =	shalt  }
0x3f: {  	_ =	shalt  }
0x40: {  	_ =	shalt  }
0x41: {  	_ =	shalt  }
0x42: {  	_ =	shalt  }
0x43: {  	_ =	shalt  }
0x44: {  	_ =	shalt  }
0x45: {  	_ =	shalt  }
0x46: {  	_ =	shalt  }
0x47: {  	_ =	shalt  }
0x48: {  	_ =	shalt  }
0x49: {  	_ =	shalt  }
0x4a: {  	_ =	shalt  }
0x4b: {  	_ =	shalt  }
0x4c: {  	_ =	shalt  }
0x4d: {  	_ =	shalt  }
0x4e: {  	_ =	shalt  }
0x4f: {  	_ =	shalt  }
0x50: {  	_ =	shalt  }
0x51: {  	_ =	shalt  }
0x52: {  	_ =	shalt  }
0x53: {  	_ =	shalt  }
0x54: {  	_ =	shalt  }
0x55: {  	_ =	shalt  }
0x56: {  	_ =	shalt  }
0x57: {  	_ =	shalt  }
0x58: {  	_ =	shalt  }
0x59: {  	_ =	shalt  }
0x5a: {  	_ =	shalt  }
0x5b: {  	_ =	shalt  }
0x5c: {  	_ =	shalt  }
0x5d: {  	_ =	shalt  }
0x5e: {  	_ =	shalt  }
0x5f: {  	_ =	shalt  }
0x60: {  	_ =	shalt  }
0x61: {  	_ =	shalt  }
0x62: {  	_ =	shalt  }
0x63: {  	_ =	shalt  }
0x64: {  	_ =	shalt  }
0x65: {  	_ =	shalt  }
0x66: {  	_ =	shalt  }
0x67: {  	_ =	shalt  }
0x68: {  	_ =	shalt  }
0x69: {  	_ =	shalt  }
0x6a: {  	_ =	shalt  }
0x6b: {  	_ =	shalt  }
0x6c: {  	_ =	shalt  }
0x6d: {  	_ =	shalt  }
0x6e: {  	_ =	shalt  }
0x6f: {  	_ =	shalt  }
0x70: {  	_ =	shalt  }
0x71: {  	_ =	shalt  }
0x72: {  	_ =	shalt  }
0x73: {  	_ =	shalt  }
0x74: {  	_ =	shalt  }
0x75: {  	_ =	shalt  }
0x76: {  	_ =	shalt  }
0x77: {  	_ =	shalt  }
0x78: {  	_ =	shalt  }
0x79: {  	_ =	shalt  }
0x7a: {  	_ =	shalt  }
0x7b: {  	_ =	shalt  }
0x7c: {  	_ =	shalt  }
0x7d: {  	_ =	shalt  }
0x7e: {  	_ =	shalt  }
0x7f: {  	_ =	shalt  }
0x80: {  	_ =	shalt  }
0x81: {  	_ =	shalt  }
0x82: {  	_ =	shalt  }
0x83: {  	_ =	shalt  }
0x84: {  	_ =	shalt  }
0x85: {  	_ =	shalt  }
0x86: {  	_ =	shalt  }
0x87: {  	_ =	shalt  }
.Lfunc_end0:
.L_simem_size_0:
called_computation.2_lowered:
.L_overlay_start_0:
0x88: {  	s2 =	sld [smem:$0x3FD9]  }
0x89: {  	s3 =	sld [smem:$0x3FFE];
	_ =	sdelay $0x1  }
0x8a: {  	s1 =	srdreg.scid  }
0x8b: {  	s0 =	sand.u32 $0x1, s1  }
0x8c: {  	s16 =	sshll.u32 s0, $0xA;
	s2 =	sadd.s32 s3, s2  }
0x8d: {  	s2 =	sadd.s32 s2, s16  }
0x8e: {  	[smem:$0x3FB7] =	sst s2  }
0x8f: {  	_ = 	snop  }
0x90: {  	(tm) =	ssettm $0x1  }
0x91: {  	s17 =	sld [smem:$0x3FFB];
	_ =	sdelay $0x3  }
0x92: {  	_ =	strace s17  }
0x93: {  	s2 =	sld [smem:$0x3FFC];
	_ =	sdelay $0x3  }
0x94: {  	_ =	strace s2  }
0x95: {  	s2 =	sld [smem:$0x3FFD];
	_ =	sdelay $0x3  }
0x96: {  	_ =	strace s2  }
0x97: {  	_ =	strace $0x8FFFFFFF  }
0x98: {  	s18 =	sld [smem:$0x3FDB];
	_ =	sdelay $0x1  }
0x99: {  	s19 =	simm.s32 $_scs_section_size  }
0x9a: {  	s4 =	simm.s32 $_size__tile_overlayer_lowered;
	s5 =	simm.s32 $_tile_overlayer_lowered  }
0x9b: {  	s22 =	simm.s32 $0x1BFF;
	s21 =	sshll.u32 s5, $0x1;
	s2 =	sadd.s32 s19, s18  }
0x9c: {  	s6 =	simm.s32 $0x0;
	s20 =	sshll.u32 s4, $0x1;
	s4 =	sadd.s32 s21, s2  }
0x9d: {  	[timem:s6], [sflag:s22] =	dma.local [hbm:s4], s20  }
0x9e: {  	_ =	swait.ge [sflag:s22], s20  }
0x9f: {  	s3 =	ssub.s32 $0x0, s20;
	[sflag:s22] =	ssyncset.done $0x0  }
0xa0: {  	[sflag:s22] =	ssyncadd.s32 s3;
	_ =	sdelay $0x1  }
0xa1: {  	s23 =	simm.s32 $0x1B8B  }
0xa2: {  	_ =	swait.ge [sflag:s23], $0x1  }
0xa3: {  	[sflag:s23] =	ssyncset.done $0x0  }
0xa4: {  	s25 =	simm.s32 $0x1B8E;
	s24 =	sld [smem:$0x3FFE];
	[sflag:s23] =	ssyncadd.s32 $0xFFFFFFFF  }
0xa5: {  	s26 =	simm.s32 $execute0_lowered;
	[smem:$0x3FD2] =	sst s25  }
0xa6: {  	s4 =	sshll.u32 s26, $0x1;
	_ =	strace $0x8000004C;
	[dreg:$0x1] =	wrdreg $0xFFFFFFFF  }
0xa7: {  	s28 =	simm.s32 $_size_execute0_lowered;
	s2 =	sadd.s32 s2, s4;
	[dreg:$0x0] =	wrdreg $0x0  }
0xa8: {  	s4 =	sshll.u32 s28, $0x1;
	[dreg:$0x2] =	wrdreg s2  }
0xa9: {  	[dreg:$0x3] =	wrdreg s4  }
0xaa: {  	[dreg:$0x4] =	wrdreg $0xC0  }
0xab: {  	_ =	task [dreg:s6], $0x5FFFF  }
0xac: {  	[dreg:$0x1] =	wrdreg $0xFFFFFFFF  }
0xad: {  	[dreg:$0x0] =	wrdreg $0x60  }
0xae: {  	[dreg:$0x2] =	wrdreg s24  }
0xaf: {  	[dreg:$0x3] =	wrdreg $0x9  }
0xb0: {  	_ =	task.clear_ibuf [dreg:s6], $0x4FFFF;
	_ =	strace $0x9000004C  }
0xb1: {  	s29 =	simm.s32 $0x9;
	_ =	strace $0x8000004E  }
0xb2: {  	_ =	swait.ge [sflag:s29], $0x1  }
0xb3: {  	[sflag:s29] =	ssyncadd.s32 $0xFFFFFFFF  }
0xb4: {  	_ =	strace $0x9000004E  }
0xb5: {  	_ =	sfence  }
0xb6: {  	s30 =	sld [smem:$0x0];
	_ =	sdelay $0x2  }
0xb7: {  	s31 =	sshll.u32 s1, $0xD;
	s1 =	sshrl.u32 s1, $0x2  }
0xb8: {  	s3 =	sand.u32 $0x4000, s31;
	s1 =	sadd.s32 s1, s30  }
0xb9: {  	s0 =	sor.u32 s3, s0;
	s1 =	sshll.u32 s1, $0x11  }
0xba: {  	s0 =	sor.u32 s1, s0  }
0xbb: {  	s0 =	sadd.s32 $0x8F2B, s0  }
0xbc: {  	[sflag:s0] =	ssyncadd.remote.s32 $0x1  }
0xbd: {  	_ =	sfence.sel $0xFFFF  }
0xbe: {  	[dreg:$0x0] =	wrdreg $0xFFFFFFFF;
	(pc) =	sbr.abs _section_cstart, $3  }
0xbf: {  	[dreg:$0x1] =	wrdreg $0xFFFFFFFF  }
0xc0: {  	_ =	task.clear_ibuf [dreg:s6], $0x2FFFF;
	_ =	strace $0x9FFFFFFF  }
0xc1: {  	(tm) =	ssettm $0x7FFFFFFF  }
tec
execute0_lowered:
.L_overlay_start_1:
0x0: {  	(tag) =	ssettag $0x1  }
0x1: {  	s0 =	rddreg [dreg:$0x0];
	s4 =	stileid.u32  }
0x2: {  	s1 =	srdreg.scid;
	s2 =	simm.s32 $0x0;
	s18 =	simm.s32 $0x2700  }
0x3: {  	s19 =	simm.s32 $0x100;
	s20 =	simm.s32 $0x4700;
	s21 =	simm.s32 $0x180  }
0x4: {  	s22 =	simm.s32 $0x6700;
	s24 =	simm.s32 $0x200;
	[smem:$0x7FF] =	sst s2  }
0x5: {  	s25 =	simm.s32 $0x8700;
	_ =	strace $0x8000004D;
	[dreg:$0x3] =	wrdreg s18  }
0x6: {  	s8 =	simm.s32 $0x3;
	s26 =	simm.s32 $0x280;
	[dreg:$0x4] =	wrdreg s19  }
0x7: {  	s9 =	simm.s32 $0x380;
	s29 =	simm.s32 $0xA700;
	[dreg:$0x5] =	wrdreg s20  }
0x8: {  	s10 =	simm.s32 $0x80;
	s30 =	simm.s32 $0x300;
	[dreg:$0x6] =	wrdreg s21  }
0x9: {  	s11 =	simm.s32 $0x700;
	s31 =	simm.s32 $0xC700;
	[dreg:$0x7] =	wrdreg s22  }
0xa: {  	s12 =	simm.s32 $0xE700;
	s13 =	simm.s32 $0x10700;
	[dreg:$0x8] =	wrdreg s24  }
0xb: {  	s14 =	simm.s32 $0x480;
	s28 =	simm.s32 $0x40;
	[dreg:$0x9] =	wrdreg s25  }
0xc: {  	s3 =	smul.u32 $0xC4000, s4;
	s1 =	sand.u32 $0x1, s1;
	[dreg:$0xa] =	wrdreg s26  }
0xd: {  	s6 =	smul.u32 $0x1880, s4;
	s4 =	sadd.s32 $0x3A00, s0;
	[dreg:$0xb] =	wrdreg s29  }
0xe: {  	s5 =	smul.u32 $0x62000, s1;
	s16 =	ssub.s32 $0x2, s1;
	[dreg:$0xc] =	wrdreg s30  }
0xf: {  	s1 =	smul.u32 $0xC40, s1;
	[dreg:$0xd] =	wrdreg s31;
	s18 =	simm.s32 $0x14700  }
0x10: {  	s19 =	simm.s32 $0x580;
	s20 =	simm.s32 $0x16700;
	s21 =	simm.s32 $0x600  }
0x11: {  	s22 =	simm.s32 $0x18700;
	s24 =	simm.s32 $0x1A700;
	s25 =	simm.s32 $0x1  }
0x12: {  	s26 =	simm.s32 $0x2;
	s7 =	sadd.s32 s3, s0;
	s3 =	sadd.s32 $0x65600, s0  }
0x13: {  	s0 =	sadd.s32 s6, s0;
	s17 =	sshrl.u32 s16, $0x1;
	s5 =	sadd.s32 s5, s7  }
0x14: {  	s6 =	ssub.s32 s16, s17;
	s0 =	sadd.s32 s1, s0;
	s5 =	sadd.s32 $0x172A00, s5  }
0x15: {  	s16 =	simm.s32 $0x12700;
	s6 =	smax.u32 s6, $0x1;
	[dreg:$0x2] =	wrdreg s5  }
0x16: {  	s17 =	simm.s32 $0x500;
	s23 =	sadd.s32 $0xDFA00, s0;
	[dreg:$0xe] =	wrdreg s6  }
0x17: {  	s1 =	simm.s32 $0x0;
	s0 =	sadd.s32 $0xF8200, s0;
	[dreg:$0xf] =	wrdreg s23  }
0x18: {  	[dreg:$0x10] =	wrdreg s0;
	s6 =	simm.s32 $0x400;
	s23 =	simm.s32 $0x680  }
.LBB2_1:
0x19: {  	[dreg:$0x11] =	wrdreg s1  }
0x1a: {  	s0 =	rddreg [dreg:$0x10]  }
0x1b: {  	[tilespmem:s2], [sflag:$0x3] =	stream.linear.gather [hbm4b:s0+s2], $0x380, $0x38;
	[tilespmem:$0x1C700] =	vst v63  }
0x1c: {  	_ =	swait.ge [sflag:s8], $0x380  }
0x1d: {  	[sflag:s8] =	ssyncset.done $0x0  }
0x1e: {  	s31 =	rddreg [dreg:$0xf];
	[sflag:s8] =	ssyncadd.s32 $0xFFFFFC80  }
0x1f: {  	[tilespmem:s9], [sflag:$0x3] =	stream.linear.gather [hbm4b:s31+s2], $0x380, $0x38;
	[tilespmem:$0x1C700] =	vst v63  }
0x20: {  	_ =	swait.ge [sflag:s8], $0x380  }
0x21: {  	s15 =	rddreg [dreg:$0x4]  }
0x22: {  	[sflag:s8] =	ssyncset.done $0x0;
	s5 =	rddreg [dreg:$0x3]  }
0x23: {  	s7 =	rddreg [dreg:$0x5];
	[sflag:s8] =	ssyncadd.s32 $0xFFFFFC80  }
0x24: {  	[tilespmem:s11], [sflag:$0x1] =	stream.indirect.gather [hbm4b:s3+s10], $0x40, s2, s10, $0xb8;
	[tilespmem:$0x1C700] =	vst v63  }
0x25: {  	s30 =	rddreg [dreg:$0x7]  }
0x26: {  	[tilespmem:s5], [sflag:$0x1] =	stream.indirect.gather [hbm4b:s3+s10], $0x40, s10, s10, $0xb8;
	[tilespmem:$0x1C700] =	vst v63  }
0x27: {  	s29 =	rddreg [dreg:$0x6]  }
0x28: {  	[tilespmem:s7], [sflag:$0x1] =	stream.indirect.gather [hbm4b:s3+s10], $0x40, s15, s10, $0xb8;
	[tilespmem:$0x1C700] =	vst v63  }
0x29: {  	s7 =	rddreg [dreg:$0x9]  }
0x2a: {  	s15 =	rddreg [dreg:$0x8]  }
0x2b: {  	[tilespmem:s30], [sflag:$0x1] =	stream.indirect.gather [hbm4b:s3+s10], $0x40, s29, s10, $0xb8;
	[tilespmem:$0x1C700] =	vst v63  }
0x2c: {  	s29 =	rddreg [dreg:$0xb]  }
0x2d: {  	s30 =	rddreg [dreg:$0xa]  }
0x2e: {  	[tilespmem:s7], [sflag:$0x1] =	stream.indirect.gather [hbm4b:s3+s10], $0x40, s15, s10, $0xb8;
	[tilespmem:$0x1C700] =	vst v63  }
0x2f: {  	s7 =	rddreg [dreg:$0xd]  }
0x30: {  	[tilespmem:s29], [sflag:$0x1] =	stream.indirect.gather [hbm4b:s3+s10], $0x40, s30, s10, $0xb8;
	[tilespmem:$0x1C700] =	vst v63  }
0x31: {  	s15 =	rddreg [dreg:$0xc]  }
0x32: {  	[tilespmem:s7], [sflag:$0x1] =	stream.indirect.gather [hbm4b:s3+s10], $0x40, s15, s10, $0xb8;
	[tilespmem:$0x1C700] =	vst v63  }
0x33: {  	_ = 	snop  }
0x34: {  	[tilespmem:s12], [sflag:$0x2] =	stream.indirect.gather [hbm4b:s4+s10], $0x40, s9, s10, $0xb8;
	[tilespmem:$0x1C700] =	vst v63  }
0x35: {  	_ = 	snop  }
0x36: {  	[tilespmem:s13], [sflag:$0x2] =	stream.indirect.gather [hbm4b:s4+s10], $0x40, s6, s10, $0xb8;
	[tilespmem:$0x1C700] =	vst v63  }
0x37: {  	_ = 	snop  }
0x38: {  	[tilespmem:s16], [sflag:$0x2] =	stream.indirect.gather [hbm4b:s4+s10], $0x40, s14, s10, $0xb8;
	[tilespmem:$0x1C700] =	vst v63  }
0x39: {  	_ = 	snop  }
0x3a: {  	[tilespmem:s18], [sflag:$0x2] =	stream.indirect.gather [hbm4b:s4+s10], $0x40, s17, s10, $0xb8;
	[tilespmem:$0x1C700] =	vst v63  }
0x3b: {  	_ = 	snop  }
0x3c: {  	[tilespmem:s20], [sflag:$0x2] =	stream.indirect.gather [hbm4b:s4+s10], $0x40, s19, s10, $0xb8;
	[tilespmem:$0x1C700] =	vst v63  }
0x3d: {  	_ = 	snop  }
0x3e: {  	[tilespmem:s22], [sflag:$0x2] =	stream.indirect.gather [hbm4b:s4+s10], $0x40, s21, s10, $0xb8;
	[tilespmem:$0x1C700] =	vst v63  }
0x3f: {  	_ = 	snop  }
0x40: {  	[tilespmem:s24], [sflag:$0x2] =	stream.indirect.gather [hbm4b:s4+s10], $0x40, s23, s10, $0xb8;
	[tilespmem:$0x1C700] =	vst v63  }
0x41: {  	_ =	swait.ge [sflag:s25], $0x2000  }
0x42: {  	[sflag:s25] =	ssyncset.done $0x0  }
0x43: {  	[sflag:s25] =	ssyncadd.s32 $0xFFFFE000  }
0x44: {  	_ =	swait.ge [sflag:s25], $0x2000  }
0x45: {  	[sflag:s25] =	ssyncset.done $0x0  }
0x46: {  	[sflag:s25] =	ssyncadd.s32 $0xFFFFE000  }
0x47: {  	_ =	swait.ge [sflag:s25], $0x2000  }
0x48: {  	[sflag:s25] =	ssyncset.done $0x0  }
0x49: {  	[sflag:s25] =	ssyncadd.s32 $0xFFFFE000  }
0x4a: {  	_ =	swait.ge [sflag:s25], $0x2000  }
0x4b: {  	[sflag:s25] =	ssyncset.done $0x0  }
0x4c: {  	[sflag:s25] =	ssyncadd.s32 $0xFFFFE000  }
0x4d: {  	_ =	swait.ge [sflag:s25], $0x2000  }
0x4e: {  	[sflag:s25] =	ssyncset.done $0x0  }
0x4f: {  	[sflag:s25] =	ssyncadd.s32 $0xFFFFE000  }
0x50: {  	_ =	swait.ge [sflag:s25], $0x2000  }
0x51: {  	[sflag:s25] =	ssyncset.done $0x0  }
0x52: {  	[sflag:s25] =	ssyncadd.s32 $0xFFFFE000  }
0x53: {  	_ =	swait.ge [sflag:s25], $0x2000  }
0x54: {  	[sflag:s25] =	ssyncset.done $0x0  }
0x55: {  	[sflag:s25] =	ssyncadd.s32 $0xFFFFE000  }
0x56: {  	_ =	swait.ge [sflag:s26], $0x2000  }
0x57: {  	[sflag:s26] =	ssyncset.done $0x0  }
0x58: {  	[sflag:s26] =	ssyncadd.s32 $0xFFFFE000  }
0x59: {  	_ =	swait.ge [sflag:s26], $0x2000  }
0x5a: {  	[sflag:s26] =	ssyncset.done $0x0  }
0x5b: {  	[sflag:s26] =	ssyncadd.s32 $0xFFFFE000  }
0x5c: {  	_ =	swait.ge [sflag:s26], $0x2000  }
0x5d: {  	[sflag:s26] =	ssyncset.done $0x0  }
0x5e: {  	[sflag:s26] =	ssyncadd.s32 $0xFFFFE000  }
0x5f: {  	_ =	swait.ge [sflag:s26], $0x2000  }
0x60: {  	[sflag:s26] =	ssyncset.done $0x0  }
0x61: {  	[sflag:s26] =	ssyncadd.s32 $0xFFFFE000  }
0x62: {  	_ =	swait.ge [sflag:s26], $0x2000  }
0x63: {  	[sflag:s26] =	ssyncset.done $0x0  }
0x64: {  	[sflag:s26] =	ssyncadd.s32 $0xFFFFE000  }
0x65: {  	_ =	swait.ge [sflag:s26], $0x2000  }
0x66: {  	[sflag:s26] =	ssyncset.done $0x0  }
0x67: {  	[sflag:s26] =	ssyncadd.s32 $0xFFFFE000  }
0x68: {  	_ =	swait.ge [sflag:s26], $0x2000  }
0x69: {  	s29 =	rddreg [dreg:$0x2];
	[sflag:s26] =	ssyncset.done $0x0  }
0x6a: {  	[sflag:s26] =	ssyncadd.s32 $0xFFFFE000;
	s1 =	sadd.s32 $0x0, s29  }
0x6b: {  	[hbm4b:s1+s28] =	stream.strided.scatter [tilespmem:s11], [sflag:$0x3], $0xE000, s10, s28, $0x38;
	[tilespmem:$0x1C700] =	vst v63  }
0x6c: {  	s30 =	simm.s32 $0x3800;
	_ =	swait.ge [sflag:s8], $0xE000  }
0x6d: {  	s7 =	smov.u32 s0;
	s5 =	sadd.s32 $0x8, s1;
	[sflag:s8] =	ssyncset.done $0x0  }
.LBB2_2:
0x6e: {  	[sflag:s8] =	ssyncadd.s32 $0xFFFF2000  }
0x6f: {  	[hbm4b:s5+s28] =	stream.strided.scatter [tilespmem:s12], [sflag:$0x3], $0xE000, s10, s28, $0x38;
	[tilespmem:$0x1C700] =	vst v63  }
0x70: {  	_ =	swait.ge [sflag:s8], $0xE000  }
0x71: {  	[sflag:s8] =	ssyncset.done $0x0  }
0x72: {  	s7 =	sadd.s32 $0x70, s7;
	[sflag:s8] =	ssyncadd.s32 $0xFFFF2000  }
0x73: {  	[tilespmem:s2], [sflag:$0x3] =	stream.linear.gather [hbm4b:s7+s2], $0x380, $0x38;
	[tilespmem:$0x1C700] =	vst v63  }
0x74: {  	_ =	swait.ge [sflag:s8], $0x380  }
0x75: {  	[sflag:s8] =	ssyncset.done $0x0  }
0x76: {  	s31 =	sadd.s32 $0x70, s31;
	[sflag:s8] =	ssyncadd.s32 $0xFFFFFC80  }
0x77: {  	[tilespmem:s9], [sflag:$0x3] =	stream.linear.gather [hbm4b:s31+s2], $0x380, $0x38;
	[tilespmem:$0x1C700] =	vst v63  }
0x78: {  	_ =	swait.ge [sflag:s8], $0x380  }
0x79: {  	s5 =	rddreg [dreg:$0xd]  }
0x7a: {  	s6 =	rddreg [dreg:$0xb]  }
0x7b: {  	s0 =	rddreg [dreg:$0x9]  }
0x7c: {  	[sflag:s8] =	ssyncset.done $0x0;
	s29 =	rddreg [dreg:$0x4]  }
0x7d: {  	s13 =	rddreg [dreg:$0x3];
	[sflag:s8] =	ssyncadd.s32 $0xFFFFFC80  }
0x7e: {  	[tilespmem:s11], [sflag:$0x1] =	stream.indirect.gather [hbm4b:s3+s10], $0x40, s2, s10, $0xb8;
	[tilespmem:$0x1C700] =	vst v63  }
0x7f: {  	s14 =	rddreg [dreg:$0x5]  }
0x80: {  	[tilespmem:s13], [sflag:$0x1] =	stream.indirect.gather [hbm4b:s3+s10], $0x40, s10, s10, $0xb8;
	[tilespmem:$0x1C700] =	vst v63  }
0x81: {  	s15 =	rddreg [dreg:$0x7]  }
0x82: {  	[tilespmem:s14], [sflag:$0x1] =	stream.indirect.gather [hbm4b:s3+s10], $0x40, s29, s10, $0xb8;
	[tilespmem:$0x1C700] =	vst v63  }
0x83: {  	s13 =	rddreg [dreg:$0x6]  }
0x84: {  	[tilespmem:s15], [sflag:$0x1] =	stream.indirect.gather [hbm4b:s3+s10], $0x40, s13, s10, $0xb8;
	[tilespmem:$0x1C700] =	vst v63  }
0x85: {  	s14 =	rddreg [dreg:$0x8]  }
0x86: {  	[tilespmem:s0], [sflag:$0x1] =	stream.indirect.gather [hbm4b:s3+s10], $0x40, s14, s10, $0xb8;
	[tilespmem:$0x1C700] =	vst v63  }
0x87: {  	s29 =	rddreg [dreg:$0xa]  }
0x88: {  	[tilespmem:s6], [sflag:$0x1] =	stream.indirect.gather [hbm4b:s3+s10], $0x40, s29, s10, $0xb8;
	[tilespmem:$0x1C700] =	vst v63  }
0x89: {  	s15 =	rddreg [dreg:$0xc]  }
0x8a: {  	[tilespmem:s5], [sflag:$0x1] =	stream.indirect.gather [hbm4b:s3+s10], $0x40, s15, s10, $0xb8;
	[tilespmem:$0x1C700] =	vst v63  }
0x8b: {  	_ = 	snop  }
0x8c: {  	[tilespmem:s12], [sflag:$0x2] =	stream.indirect.gather [hbm4b:s4+s10], $0x40, s9, s10, $0xb8;
	[tilespmem:$0x1C700] =	vst v63  }
0x8d: {  	s13 =	simm.s32 $0x10700;
	s6 =	simm.s32 $0x400  }
0x8e: {  	[tilespmem:s13], [sflag:$0x2] =	stream.indirect.gather [hbm4b:s4+s10], $0x40, s6, s10, $0xb8;
	[tilespmem:$0x1C700] =	vst v63  }
0x8f: {  	s14 =	simm.s32 $0x480  }
0x90: {  	[tilespmem:s16], [sflag:$0x2] =	stream.indirect.gather [hbm4b:s4+s10], $0x40, s14, s10, $0xb8;
	[tilespmem:$0x1C700] =	vst v63  }
0x91: {  	_ = 	snop  }
0x92: {  	[tilespmem:s18], [sflag:$0x2] =	stream.indirect.gather [hbm4b:s4+s10], $0x40, s17, s10, $0xb8;
	[tilespmem:$0x1C700] =	vst v63  }
0x93: {  	_ = 	snop  }
0x94: {  	[tilespmem:s20], [sflag:$0x2] =	stream.indirect.gather [hbm4b:s4+s10], $0x40, s19, s10, $0xb8;
	[tilespmem:$0x1C700] =	vst v63  }
0x95: {  	_ = 	snop  }
0x96: {  	[tilespmem:s22], [sflag:$0x2] =	stream.indirect.gather [hbm4b:s4+s10], $0x40, s21, s10, $0xb8;
	[tilespmem:$0x1C700] =	vst v63  }
0x97: {  	_ = 	snop  }
0x98: {  	[tilespmem:s24], [sflag:$0x2] =	stream.indirect.gather [hbm4b:s4+s10], $0x40, s23, s10, $0xb8;
	[tilespmem:$0x1C700] =	vst v63  }
0x99: {  	_ =	swait.ge [sflag:s25], $0x2000  }
0x9a: {  	[sflag:s25] =	ssyncset.done $0x0  }
0x9b: {  	[sflag:s25] =	ssyncadd.s32 $0xFFFFE000  }
0x9c: {  	_ =	swait.ge [sflag:s25], $0x2000  }
0x9d: {  	[sflag:s25] =	ssyncset.done $0x0  }
0x9e: {  	[sflag:s25] =	ssyncadd.s32 $0xFFFFE000  }
0x9f: {  	_ =	swait.ge [sflag:s25], $0x2000  }
0xa0: {  	[sflag:s25] =	ssyncset.done $0x0  }
0xa1: {  	[sflag:s25] =	ssyncadd.s32 $0xFFFFE000  }
0xa2: {  	_ =	swait.ge [sflag:s25], $0x2000  }
0xa3: {  	[sflag:s25] =	ssyncset.done $0x0  }
0xa4: {  	[sflag:s25] =	ssyncadd.s32 $0xFFFFE000  }
0xa5: {  	_ =	swait.ge [sflag:s25], $0x2000  }
0xa6: {  	[sflag:s25] =	ssyncset.done $0x0  }
0xa7: {  	[sflag:s25] =	ssyncadd.s32 $0xFFFFE000  }
0xa8: {  	_ =	swait.ge [sflag:s25], $0x2000  }
0xa9: {  	[sflag:s25] =	ssyncset.done $0x0  }
0xaa: {  	[sflag:s25] =	ssyncadd.s32 $0xFFFFE000  }
0xab: {  	_ =	swait.ge [sflag:s25], $0x2000  }
0xac: {  	[sflag:s25] =	ssyncset.done $0x0  }
0xad: {  	[sflag:s25] =	ssyncadd.s32 $0xFFFFE000  }
0xae: {  	_ =	swait.ge [sflag:s26], $0x2000  }
0xaf: {  	[sflag:s26] =	ssyncset.done $0x0  }
0xb0: {  	[sflag:s26] =	ssyncadd.s32 $0xFFFFE000  }
0xb1: {  	_ =	swait.ge [sflag:s26], $0x2000  }
0xb2: {  	[sflag:s26] =	ssyncset.done $0x0  }
0xb3: {  	[sflag:s26] =	ssyncadd.s32 $0xFFFFE000  }
0xb4: {  	_ =	swait.ge [sflag:s26], $0x2000  }
0xb5: {  	[sflag:s26] =	ssyncset.done $0x0  }
0xb6: {  	[sflag:s26] =	ssyncadd.s32 $0xFFFFE000  }
0xb7: {  	_ =	swait.ge [sflag:s26], $0x2000  }
0xb8: {  	[sflag:s26] =	ssyncset.done $0x0  }
0xb9: {  	[sflag:s26] =	ssyncadd.s32 $0xFFFFE000  }
0xba: {  	_ =	swait.ge [sflag:s26], $0x2000  }
0xbb: {  	[sflag:s26] =	ssyncset.done $0x0  }
0xbc: {  	[sflag:s26] =	ssyncadd.s32 $0xFFFFE000  }
0xbd: {  	_ =	swait.ge [sflag:s26], $0x2000  }
0xbe: {  	[sflag:s26] =	ssyncset.done $0x0  }
0xbf: {  	[sflag:s26] =	ssyncadd.s32 $0xFFFFE000  }
0xc0: {  	s1 =	smov.u32 s30;
	p0 =	sne.s32 s30, $0x5E800;
	_ =	swait.ge [sflag:s26], $0x2000  }
.Ltmp0:
0xc1: {  	s29 =	rddreg [dreg:$0x2];
	[sflag:s26] =	ssyncset.done $0x0;
	(pc) =	sbr.rel @p0 .LBB2_2-.Ltmp0, $4  }
0xc2: {  	[sflag:s26] =	ssyncadd.s32 $0xFFFFE000;
	s0 =	sadd.s32 s1, s29  }
0xc3: {  	[hbm4b:s0+s28] =	stream.strided.scatter [tilespmem:s11], [sflag:$0x3], $0xE000, s10, s28, $0x38;
	[tilespmem:$0x1C700] =	vst v63  }
0xc4: {  	_ =	swait.ge [sflag:s8], $0xE000  }
0xc5: {  	s30 =	sadd.s32 $0x3800, s30;
	s5 =	sadd.s32 $0x8, s0;
	[sflag:s8] =	ssyncset.done $0x0  }
0xc6: {  	[sflag:s8] =	ssyncadd.s32 $0xFFFF2000  }
0xc7: {  	[hbm4b:s5+s28] =	stream.strided.scatter [tilespmem:s12], [sflag:$0x3], $0xE000, s10, s28, $0x38;
	[tilespmem:$0x1C700] =	vst v63  }
0xc8: {  	_ =	swait.ge [sflag:s8], $0xE000  }
0xc9: {  	s1 =	rddreg [dreg:$0x11]  }
0xca: {  	s0 =	rddreg [dreg:$0xe];
	s1 =	sadd.s32 $0x1, s1  }
0xcb: {  	p0 =	sne.s32 s1, s0  }
.Ltmp1:
0xcc: {  	_ = 	snop;
	(pc) =	sbr.rel @p0 .LBB2_1-.Ltmp1, $3  }
0xcd: {  	_ =	sdelay $0x1  }
0xce: {  	[sflag:s8] =	ssyncset.done $0x0  }
0xcf: {  	[sflag:s8] =	ssyncadd.s32 $0xFFFF2000  }
0xd0: {  	_ =	sfence.sel $0x180000  }
0xd1: {  	[bflag:$0x0] =	sbarrier.arrive $0xFFFF  }
0xd2: {  	_ =	strace $0x9000004D  }
0xd3: {  	s0 =	stileid.u32;
	[bflag:$0x2] =	sbarrier.arrive $0xFFFF  }
0xd4: {  	p0 =	sne.s32 s0, $0x0;
	s0 =	rddreg [dreg:$0x1]  }
0xd5: {  	s0 =	sadd.s32 @!p0 $0x100000, s0  }
0xd6: {  	[sflag:s0] =	ssyncadd.tile.s32 @!p0 $0x1;
	_ =	shalt  }
.Lfunc_end2:
_tile_overlayer_lowered:
.L_overlay_start_2:
0xd7: {  	(tag) =	ssettag $0x2  }
0xd8: {  	s0 =	rddreg [dreg:$0x0];
	s2 =	stileid.u32  }
0xd9: {  	s1 =	rddreg [dreg:$0x1];
	p0 =	sne.s32 s2, $0x0  }
0xda: {  	s3 =	rddreg [dreg:$0x2];
	[bflag:$0x3] =	sbarrier.arrive $0xFFFF;
	s2 =	simm.s32 @!p0 $0x1C03  }
0xdb: {  	[timem:s3], [sflag:s2] =	dma.local @!p0 [hbm:s0], s1  }
0xdc: {  	s0 =	simm.s32 @!p0 $0x3  }
0xdd: {  	_ =	swait.ge @!p0 [sflag:s0], s1  }
0xde: {  	s1 =	ssub.s32 @!p0 $0x0, s1;
	[sflag:s0] =	ssyncset.done @!p0 $0x0  }
0xdf: {  	[sflag:s0] =	ssyncadd.s32 @!p0 s1  }
0xe0: {  	[bflag:$0x3] =	sbarrier.arrive $0xFFFF  }
0xe1: {  	_ =	shalt  }

</sc_bundles>
